<compile_context>
chip_gen: v7x
topology: tpu7x:2x2x1
jax: 0.10.2.dev20260603
libtpu: 0.0.44.dev20260713+nightly
codegen_flags: <defaults>
</compile_context>

<pallas_src>
import functools

import jax
import jax.numpy as jnp
from jax import lax
from jax.experimental import pallas as pl
from jax.experimental.pallas import tpu as pltpu
from jax.experimental.pallas import tpu_sc as plsc

N = 10000
F_IN = 128
F = 256
H = 128
G = 512
E2 = 8192

CHUNK = 128
CPT = 158
TILE_E = CHUNK * CPT
EPAD = 16 * TILE_E
NP = N // 2
ACC_ROWS = 16 * 328
WB = 312

RB = 400
NB = N // RB


NGRP = CPT * (CHUNK // 16)


def _sc_agg_body(m_hbm, src_hbm, dst_hbm, zeros_hbm, out_hbm,
                 fidx_t, dsta_t, dstb_t, rows_a, acc, sem_a):
    cid = lax.axis_index("c")
    sid = lax.axis_index("s")
    col0 = cid * N

    pltpu.sync_copy(src_hbm.at[sid], fidx_t)
    pltpu.sync_copy(dst_hbm.at[sid], dsta_t)

    iot = lax.iota(jnp.int32, 16)

    def prep(c, carry):
        for kk in range(CHUNK // 16):
            k = kk * 16
            dummy = NP + iot + 16 * kk
            d = dsta_t[c, pl.ds(k, 16)]
            t = d - NP
            dsta_t[c, pl.ds(k, 16)] = jnp.where(d < NP, d, dummy)
            dstb_t[c, pl.ds(k, 16)] = jnp.where(t >= 0, t, dummy)
            fidx_t[c, pl.ds(k, 16)] = fidx_t[c, pl.ds(k, 16)] + col0
        return carry
    lax.fori_loop(0, CPT, prep, 0)

    for p, dst_t in ((0, dsta_t), (1, dstb_t)):
        pltpu.sync_copy(zeros_hbm.at[pl.ds(sid * 328, 328)],
                        acc.at[pl.ds(sid * 328, 328)])
        plsc.subcore_barrier()

        def chunk_body(c, carry):
            pltpu.async_copy(m_hbm.at[fidx_t.at[c]], rows_a, sem_a).wait()
            pltpu.sync_copy(rows_a, acc.at[dst_t.at[c]], add=True)
            return carry

        lax.fori_loop(0, CPT, chunk_body, 0)
        plsc.subcore_barrier()

        out0 = col0 + p * NP

        @pl.when(sid < 15)
        def _():
            pltpu.sync_copy(acc.at[pl.ds(sid * WB, WB)],
                            out_hbm.at[pl.ds(out0 + sid * WB, WB)])

        @pl.when(sid == 15)
        def _():
            pltpu.sync_copy(acc.at[pl.ds(15 * WB, NP - 15 * WB)],
                            out_hbm.at[pl.ds(out0 + 15 * WB, NP - 15 * WB)])
        plsc.subcore_barrier()


def _sc_agg(m_stack, src2d, dst2d, zeros):
    kern = pl.kernel(
        _sc_agg_body,
        out_type=jax.ShapeDtypeStruct((2 * N, H), jnp.float32),
        mesh=plsc.VectorSubcoreMesh(core_axis_name="c", subcore_axis_name="s"),
        scratch_types=[
            pltpu.VMEM((CPT, CHUNK), jnp.int32),
            pltpu.VMEM((CPT, CHUNK), jnp.int32),
            pltpu.VMEM((CPT, CHUNK), jnp.int32),
            pltpu.VMEM((CHUNK, H), jnp.float32),
            pltpu.VMEM_SHARED((ACC_ROWS, H), jnp.float32),
            pltpu.SemaphoreType.DMA,
        ],
    )
    return kern(m_stack, src2d, dst2d, zeros)


def _mm1_body(x_ref, w_ref, o_ref):
    o_ref[0] = jnp.dot(x_ref[...], w_ref[...], preferred_element_type=jnp.float32)


def _mm1(x, W1a):
    return pl.pallas_call(
        _mm1_body,
        grid=(NB, 2),
        in_specs=[
            pl.BlockSpec((RB, F_IN), lambda i, h: (i, 0)),
            pl.BlockSpec((F_IN, H), lambda i, h: (0, h)),
        ],
        out_specs=pl.BlockSpec((1, RB, H), lambda i, h: (h, i, 0)),
        out_shape=jax.ShapeDtypeStruct((2, N, H), jnp.float32),
    )(x, W1a)


def _combine_mm_body(a0_ref, a1_ref, b_ref, w_ref, o_ref):
    agg = jnp.concatenate([a0_ref[0], a1_ref[0]], axis=1)
    h = jnp.maximum(agg + b_ref[...], 0.0)
    o_ref[0] = jnp.dot(h, w_ref[...], preferred_element_type=jnp.float32)


def _combine_mm(agg3, b, W):
    return pl.pallas_call(
        _combine_mm_body,
        grid=(NB, 2),
        in_specs=[
            pl.BlockSpec((1, RB, H), lambda i, h: (0, i, 0)),
            pl.BlockSpec((1, RB, H), lambda i, h: (1, i, 0)),
            pl.BlockSpec((1, F), lambda i, h: (0, 0)),
            pl.BlockSpec((F, H), lambda i, h: (0, h)),
        ],
        out_specs=pl.BlockSpec((1, RB, H), lambda i, h: (h, i, 0)),
        out_shape=jax.ShapeDtypeStruct((2, N, H), jnp.float32),
    )(agg3, agg3, b.reshape(1, F), W)


def _pool_body(a0_ref, a1_ref, b_ref, batch_ref, o_ref, acc, cnt):
    i = pl.program_id(0)

    @pl.when(i == 0)
    def _():
        acc[...] = jnp.zeros_like(acc)
        cnt[...] = jnp.zeros_like(cnt)

    agg = jnp.concatenate([a0_ref[0], a1_ref[0]], axis=1)
    h = jnp.maximum(agg + b_ref[...], 0.0)
    seg = batch_ref[0, 0]
    iot = lax.broadcasted_iota(jnp.int32, (G, RB), 0)
    P = (iot == seg[None, :]).astype(jnp.float32)
    acc[...] += jnp.dot(P, h, preferred_element_type=jnp.float32)
    cnt[...] += jnp.dot(P, jnp.ones((RB, H), jnp.float32),
                        preferred_element_type=jnp.float32)

    @pl.when(i == pl.num_programs(0) - 1)
    def _():
        c = jnp.maximum(cnt[...], 1.0)
        o_ref[...] = acc[...] / jnp.concatenate([c, c], axis=1)


def _pool(agg3, b, batch3):
    return pl.pallas_call(
        _pool_body,
        grid=(NB,),
        in_specs=[
            pl.BlockSpec((1, RB, H), lambda i: (0, i, 0)),
            pl.BlockSpec((1, RB, H), lambda i: (1, i, 0)),
            pl.BlockSpec((1, F), lambda i: (0, 0)),
            pl.BlockSpec((1, 1, RB), lambda i: (i, 0, 0)),
        ],
        out_specs=pl.BlockSpec((G, F), lambda i: (0, 0)),
        out_shape=jax.ShapeDtypeStruct((G, F), jnp.float32),
        scratch_shapes=[
            pltpu.VMEM((G, F), jnp.float32),
            pltpu.VMEM((G, H), jnp.float32),
        ],
    )(agg3, agg3, b.reshape(1, F), batch3)


def _smallnet_body(hg_ref, src_ref, dst_ref,
                   we_ref, be_ref, w21_ref, b21_ref, w22_ref, b22_ref,
                   w23_ref, b23_ref, w24_ref, b24_ref,
                   ws1_ref, bs1_ref, ws2_ref, bs2_ref, wr_ref,
                   of_ref, lg_ref, sg_ref):
    iot = lax.broadcasted_iota(jnp.int32, (G, 1024), 0)
    a2 = jnp.zeros((G, G), jnp.float32)
    for k in range(E2 // 1024):
        s = src_ref[0, pl.ds(k * 1024, 1024)]
        d = dst_ref[0, pl.ds(k * 1024, 1024)]
        Dk = (iot == d[None, :]).astype(jnp.bfloat16)
        Sk = (iot == s[None, :]).astype(jnp.bfloat16)
        a2 = a2 + lax.dot_general(Dk, Sk, (((1,), (1,)), ((), ())),
                                  preferred_element_type=jnp.float32)

    def gcn(h, w_ref2, b_ref2):
        m = jnp.dot(h, w_ref2[...], preferred_element_type=jnp.float32)
        agg = jnp.dot(a2, m, preferred_element_type=jnp.float32)
        return jnp.maximum(agg + b_ref2[...], 0.0)

    h = jnp.dot(hg_ref[...], we_ref[...], preferred_element_type=jnp.float32)
    h = h + be_ref[...]
    feats = [h]
    for w_r, b_r in ((w21_ref, b21_ref), (w22_ref, b22_ref),
                     (w23_ref, b23_ref), (w24_ref, b24_ref)):
        h = gcn(h, w_r, b_r)
        feats.append(h)
    sc1 = gcn(feats[2], ws1_ref, bs1_ref)
    sc2 = gcn(feats[4], ws2_ref, bs2_ref)
    out_feat = jnp.concatenate([sc1, sc2], axis=1)
    logits = jnp.sum(out_feat * wr_ref[...], axis=1)
    of_ref[...] = out_feat
    lg_ref[...] = logits[None, :]
    sg_ref[...] = (1.0 / (1.0 + jnp.exp(-logits)))[None, :]


def _smallnet(hg, src2, dst2, We, be, W21, b21, W22, b22, W23, b23, W24, b24,
              Ws1, bs1, Ws2, bs2, Wr):
    full = lambda shape: pl.BlockSpec(shape, lambda: tuple(0 for _ in shape))
    args = [hg, src2, dst2,
            We, be.reshape(1, F), W21, b21.reshape(1, G), W22, b22.reshape(1, G),
            W23, b23.reshape(1, 1024), W24, b24.reshape(1, 1024),
            Ws1, bs1.reshape(1, H), Ws2, bs2.reshape(1, H), Wr.reshape(1, F)]
    return pl.pallas_call(
        _smallnet_body,
        in_specs=[full(a.shape) for a in args],
        out_specs=[full((G, F)), full((1, G)), full((1, G))],
        out_shape=[
            jax.ShapeDtypeStruct((G, F), jnp.float32),
            jax.ShapeDtypeStruct((1, G), jnp.float32),
            jax.ShapeDtypeStruct((1, G), jnp.float32),
        ],
    )(*args)


def kernel(x, edge_index, batch, edge_index2, W1a, b1a, W1b, b1b, We, be,
           W21, b21, W22, b22, W23, b23, W24, b24, Ws1, bs1, Ws2, bs2, Wr):
    src = jnp.concatenate(
        [edge_index[0], jnp.zeros((EPAD - edge_index.shape[1],), jnp.int32)])
    dst = jnp.concatenate(
        [edge_index[1],
         jnp.full((EPAD - edge_index.shape[1],), N, jnp.int32)])
    src2d = src.reshape(16, CPT, CHUNK)
    dst2d = dst.reshape(16, CPT, CHUNK)
    zeros = jnp.zeros((ACC_ROWS, H), jnp.float32)

    m1 = _mm1(x, W1a).reshape(2 * N, H)
    agg1 = _sc_agg(m1, src2d, dst2d, zeros).reshape(2, N, H)
    m2 = _combine_mm(agg1, b1a, W1b).reshape(2 * N, H)
    agg2 = _sc_agg(m2, src2d, dst2d, zeros).reshape(2, N, H)

    batch3 = batch.reshape(NB, 1, RB)
    hg = _pool(agg2, b1b, batch3)

    out_feat, lg, sg = _smallnet(
        hg, edge_index2[0].reshape(1, E2), edge_index2[1].reshape(1, E2),
        We, be, W21, b21, W22, b22, W23, b23, W24, b24,
        Ws1, bs1, Ws2, bs2, Wr)
    return (out_feat, lg.reshape(-1), sg.reshape(-1))

# --- scband reference (transcript-rebuilt; emitter-appended) ---
"""Pipeline reference for scband-my-gcnnet-38500086841691 (READ-ONLY COPY).

The authoritative reference and input builder live on the scoring server;
editing this copy changes nothing except your own understanding.
"""

import jax, jax.numpy as jnp
import numpy as np

N = 10000
E = 320000
G = 512
E2 = 8192

def _p(key, i, shape):
    return jax.random.normal(jax.random.fold_in(key, i), shape, dtype=jnp.float32) * 0.02

def setup_inputs(seed: int = 0):
    key = jax.random.key(seed)
    inp = {}
    inp["x"] = jax.random.normal(jax.random.fold_in(key, 1), (N, 128), dtype=jnp.float32)
    inp["edge_index"] = jax.random.randint(jax.random.fold_in(key, 2), (2, E), 0, N)
    inp["batch"] = jnp.sort(jax.random.randint(jax.random.fold_in(key, 3), (N,), 0, G))
    inp["edge_index2"] = jax.random.randint(jax.random.fold_in(key, 4), (2, E2), 0, G)
    inp["W1a"] = _p(key, 10, (128, 256)); inp["b1a"] = jnp.zeros((256,), jnp.float32)
    inp["W1b"] = _p(key, 11, (256, 256)); inp["b1b"] = jnp.zeros((256,), jnp.float32)
    inp["We"] = _p(key, 12, (256, 256)); inp["be"] = jnp.zeros((256,), jnp.float32)
    inp["W21"] = _p(key, 13, (256, 512)); inp["b21"] = jnp.zeros((512,), jnp.float32)
    inp["W22"] = _p(key, 14, (512, 512)); inp["b22"] = jnp.zeros((512,), jnp.float32)
    inp["W23"] = _p(key, 15, (512, 1024)); inp["b23"] = jnp.zeros((1024,), jnp.float32)
    inp["W24"] = _p(key, 16, (1024, 1024)); inp["b24"] = jnp.zeros((1024,), jnp.float32)
    inp["Ws1"] = _p(key, 17, (512, 128)); inp["bs1"] = jnp.zeros((128,), jnp.float32)
    inp["Ws2"] = _p(key, 18, (1024, 128)); inp["bs2"] = jnp.zeros((128,), jnp.float32)
    inp["Wr"] = _p(key, 19, (256, 1))
    return inp

def _gcn(h, ei, W, b, n):
    # PyG GCNConv with normalize=False: linear transform then sum-aggregate src->dst, plus bias
    m = h @ W
    agg = jnp.zeros((n, W.shape[1]), m.dtype).at[ei[1]].add(m[ei[0]])
    return agg + b

def reference(x, edge_index, batch, edge_index2, W1a, b1a, W1b, b1b, We, be, W21, b21, W22, b22, W23, b23, W24, b24, Ws1, bs1, Ws2, bs2, Wr):
    # GCNNet1: two GCN layers on the pixel graph, then global mean pool per graph id
    h = jax.nn.relu(_gcn(x, edge_index, W1a, b1a, N))
    h = jax.nn.relu(_gcn(h, edge_index, W1b, b1b, N))
    sums = jax.ops.segment_sum(h, batch, num_segments=G)
    cnt = jax.ops.segment_sum(jnp.ones((N, 1), h.dtype), batch, num_segments=G)
    hg = sums / jnp.clip(cnt, 1.0)
    # GCNNet2: linear embedding, 4 GCN layers, skip GCN layers from hidden states 2 and 4
    h2 = hg @ We + be
    feats = [h2]
    for W, b in ((W21, b21), (W22, b22), (W23, b23), (W24, b24)):
        h2 = jax.nn.relu(_gcn(h2, edge_index2, W, b, G))
        feats.append(h2)
    sc1 = jax.nn.relu(_gcn(feats[2], edge_index2, Ws1, bs1, G))
    sc2 = jax.nn.relu(_gcn(feats[4], edge_index2, Ws2, bs2, G))
    out_feat = jnp.concatenate([sc1, sc2], axis=1)
    logits = (out_feat @ Wr).reshape(-1)
    return (out_feat, logits, jax.nn.sigmoid(logits))

if __name__ == "__main__":
    import jax
    _d = setup_inputs()
    print(jax.jit(kernel)(*tuple(_d.values())))

</pallas_src>

<mosaic_0001>
#map = affine_map<(d0, d1) -> (0, 0)>
#map1 = affine_map<(d0, d1) -> (0, 0, 0)>
module attributes {stable_mosaic.version = 14 : i64} {
  func.func @_sc_agg_body(%arg0: i32, %arg1: i32, %arg2: memref<20000x128xf32, #tpu.memory_space<hbm>>, %arg3: memref<16x158x128xi32, #tpu.memory_space<hbm>>, %arg4: memref<16x158x128xi32, #tpu.memory_space<hbm>>, %arg5: memref<5248x128xf32, #tpu.memory_space<hbm>>, %arg6: memref<20000x128xf32, #tpu.memory_space<hbm>>, %arg7: memref<158x128xi32, #tpu.memory_space<vmem>>, %arg8: memref<158x128xi32, #tpu.memory_space<vmem>>, %arg9: memref<158x128xi32, #tpu.memory_space<vmem>>, %arg10: memref<128x128xf32, #tpu.memory_space<vmem>>, %arg11: memref<5248x128xf32, #tpu.memory_space<vmem_shared>>, %arg12: memref<!tpu.dma_semaphore, #tpu.memory_space<semaphore_mem>>) attributes {dimension_semantics = [#tpu.dimension_semantics<core_parallel>, #tpu.dimension_semantics<subcore_parallel>], iteration_bounds = array<i64: 2, 16>, scalar_prefetch = 0 : i64, scratch_operands = 6 : i64, tpu.core_type = #tpu.core_type<sc_vector_subcore>, window_params = [{transform_indices = #map}, {transform_indices = #map1}, {transform_indices = #map1}, {transform_indices = #map}, {transform_indices = #map}]} {
    %mul3A = arith.constant 10000 : i32
    %mul3A_0 = arith.muli %arg0, %mul3A : i32
    "tpu.region"() ({
      %run_scoped3A = tpu.sem_alloc : memref<!tpu.dma_semaphore, #tpu.memory_space<semaphore_mem>>
      %dma_start3A = arith.constant 0 : i32
      %dma_start3A_50 = arith.constant 0 : i32
      %dma_start3A_51 = tpu.memref_slice %arg3[%arg1, %dma_start3A, %dma_start3A_50] : memref<16x158x128xi32, #tpu.memory_space<hbm>> -> memref<1x158x128xi32, #tpu.memory_space<hbm>>
      %dma_start3A_52 = tpu.memref_squeeze %dma_start3A_51 : memref<1x158x128xi32, #tpu.memory_space<hbm>> -> memref<158x128xi32, #tpu.memory_space<hbm>>
      %dma_start3A_53 = arith.constant 0 : i32
      %dma_start3A_54 = arith.constant 0 : i32
      %dma_start3A_55 = tpu.memref_slice %arg3[%arg1, %dma_start3A_53, %dma_start3A_54] : memref<16x158x128xi32, #tpu.memory_space<hbm>> -> memref<1x158x128xi32, #tpu.memory_space<hbm>>
      %dma_start3A_56 = tpu.memref_squeeze %dma_start3A_55 : memref<1x158x128xi32, #tpu.memory_space<hbm>> -> memref<158x128xi32, #tpu.memory_space<hbm>>
      tpu.enqueue_dma source(%dma_start3A_56 : memref<158x128xi32, #tpu.memory_space<hbm>>) target(%arg7 : memref<158x128xi32, #tpu.memory_space<vmem>>) target_semaphore(%run_scoped3A : memref<!tpu.dma_semaphore, #tpu.memory_space<semaphore_mem>>)
      %dma_wait3A = arith.constant 0 : i32
      %dma_wait3A_57 = arith.constant 0 : i32
      %dma_wait3A_58 = tpu.memref_slice %arg3[%arg1, %dma_wait3A, %dma_wait3A_57] : memref<16x158x128xi32, #tpu.memory_space<hbm>> -> memref<1x158x128xi32, #tpu.memory_space<hbm>>
      %dma_wait3A_59 = tpu.memref_squeeze %dma_wait3A_58 : memref<1x158x128xi32, #tpu.memory_space<hbm>> -> memref<158x128xi32, #tpu.memory_space<hbm>>
      %dma_wait3A_60 = arith.constant 0 : i32
      %dma_wait3A_61 = arith.constant 0 : i32
      %dma_wait3A_62 = tpu.memref_slice %arg3[%arg1, %dma_wait3A_60, %dma_wait3A_61] : memref<16x158x128xi32, #tpu.memory_space<hbm>> -> memref<1x158x128xi32, #tpu.memory_space<hbm>>
      %dma_wait3A_63 = tpu.memref_squeeze %dma_wait3A_62 : memref<1x158x128xi32, #tpu.memory_space<hbm>> -> memref<158x128xi32, #tpu.memory_space<hbm>>
      tpu.wait_dma2 semaphore(%run_scoped3A : memref<!tpu.dma_semaphore, #tpu.memory_space<semaphore_mem>>) src(%dma_wait3A_63 : memref<158x128xi32, #tpu.memory_space<hbm>>) dst(%arg7 : memref<158x128xi32, #tpu.memory_space<vmem>>)
      tpu.yield
    }) : () -> ()
    "tpu.region"() ({
      %run_scoped3A = tpu.sem_alloc : memref<!tpu.dma_semaphore, #tpu.memory_space<semaphore_mem>>
      %dma_start3A = arith.constant 0 : i32
      %dma_start3A_50 = arith.constant 0 : i32
      %dma_start3A_51 = tpu.memref_slice %arg4[%arg1, %dma_start3A, %dma_start3A_50] : memref<16x158x128xi32, #tpu.memory_space<hbm>> -> memref<1x158x128xi32, #tpu.memory_space<hbm>>
      %dma_start3A_52 = tpu.memref_squeeze %dma_start3A_51 : memref<1x158x128xi32, #tpu.memory_space<hbm>> -> memref<158x128xi32, #tpu.memory_space<hbm>>
      %dma_start3A_53 = arith.constant 0 : i32
      %dma_start3A_54 = arith.constant 0 : i32
      %dma_start3A_55 = tpu.memref_slice %arg4[%arg1, %dma_start3A_53, %dma_start3A_54] : memref<16x158x128xi32, #tpu.memory_space<hbm>> -> memref<1x158x128xi32, #tpu.memory_space<hbm>>
      %dma_start3A_56 = tpu.memref_squeeze %dma_start3A_55 : memref<1x158x128xi32, #tpu.memory_space<hbm>> -> memref<158x128xi32, #tpu.memory_space<hbm>>
      tpu.enqueue_dma source(%dma_start3A_56 : memref<158x128xi32, #tpu.memory_space<hbm>>) target(%arg8 : memref<158x128xi32, #tpu.memory_space<vmem>>) target_semaphore(%run_scoped3A : memref<!tpu.dma_semaphore, #tpu.memory_space<semaphore_mem>>)
      %dma_wait3A = arith.constant 0 : i32
      %dma_wait3A_57 = arith.constant 0 : i32
      %dma_wait3A_58 = tpu.memref_slice %arg4[%arg1, %dma_wait3A, %dma_wait3A_57] : memref<16x158x128xi32, #tpu.memory_space<hbm>> -> memref<1x158x128xi32, #tpu.memory_space<hbm>>
      %dma_wait3A_59 = tpu.memref_squeeze %dma_wait3A_58 : memref<1x158x128xi32, #tpu.memory_space<hbm>> -> memref<158x128xi32, #tpu.memory_space<hbm>>
      %dma_wait3A_60 = arith.constant 0 : i32
      %dma_wait3A_61 = arith.constant 0 : i32
      %dma_wait3A_62 = tpu.memref_slice %arg4[%arg1, %dma_wait3A_60, %dma_wait3A_61] : memref<16x158x128xi32, #tpu.memory_space<hbm>> -> memref<1x158x128xi32, #tpu.memory_space<hbm>>
      %dma_wait3A_63 = tpu.memref_squeeze %dma_wait3A_62 : memref<1x158x128xi32, #tpu.memory_space<hbm>> -> memref<158x128xi32, #tpu.memory_space<hbm>>
      tpu.wait_dma2 semaphore(%run_scoped3A : memref<!tpu.dma_semaphore, #tpu.memory_space<semaphore_mem>>) src(%dma_wait3A_63 : memref<158x128xi32, #tpu.memory_space<hbm>>) dst(%arg8 : memref<158x128xi32, #tpu.memory_space<vmem>>)
      tpu.yield
    }) : () -> ()
    %iota3A = tpu.iota {dimensions = array<i32: 0>} : vector<16xi32>
    %scan3A = arith.constant 0 : i32
    %scan3A_1 = arith.constant 0 : i32
    %scan3A_2 = arith.constant 158 : i32
    %scan3A_3 = arith.addi %scan3A_1, %scan3A_2 : i32
    %scan3A_4 = arith.constant 1 : i32
    scf.for %scan3A_50 = %scan3A_1 to %scan3A_3 step %scan3A_4  : i32 {
      %add3A_51 = arith.constant 5000 : i32
      %add3A_52 = vector.broadcast %add3A_51 : i32 to vector<16xi32>
      %add3A_53 = arith.addi %add3A_52, %iota3A : vector<16xi32>
      %add3A_54 = arith.constant 0 : i32
      %add3A_55 = vector.broadcast %add3A_54 : i32 to vector<16xi32>
      %add3A_56 = arith.addi %add3A_53, %add3A_55 : vector<16xi32>
      %get3A = arith.index_cast %scan3A_50 : i32 to index
      %get3A_57 = arith.constant 0 : index
      %get3A_58 = tpu.vector_load %arg8[%get3A, %get3A_57] {strides = array<i32>} : memref<158x128xi32, #tpu.memory_space<vmem>>, vector<1x16xi32>,
      %get3A_59 = vector.shape_cast %get3A_58 : vector<1x16xi32> to vector<16xi32>
      %sub3A = arith.constant 5000 : i32
      %sub3A_60 = vector.broadcast %sub3A : i32 to vector<16xi32>
      %sub3A_61 = arith.subi %get3A_59, %sub3A_60 : vector<16xi32>
      %lt3A_62 = arith.constant 5000 : i32
      %lt3A_63 = vector.broadcast %lt3A_62 : i32 to vector<16xi32>
      %lt3A_64 = arith.cmpi slt, %get3A_59, %lt3A_63 : vector<16xi32>
      %select_n3A = arith.select %lt3A_64, %get3A_59, %add3A_56 : vector<16xi1>, vector<16xi32>
      %swap3A = arith.index_cast %scan3A_50 : i32 to index
      %swap3A_65 = arith.constant 0 : index
      %swap3A_66 = tpu.vector_load %arg8[%swap3A, %swap3A_65] {strides = array<i32>} : memref<158x128xi32, #tpu.memory_space<vmem>>, vector<1x16xi32>,
      %swap3A_67 = vector.shape_cast %swap3A_66 : vector<1x16xi32> to vector<16xi32>
      %swap3A_68 = vector.shape_cast %select_n3A : vector<16xi32> to vector<1x16xi32>
      tpu.vector_store %arg8[%swap3A, %swap3A_65], %swap3A_68 {strides = array<i32>} : memref<158x128xi32, #tpu.memory_space<vmem>>, vector<1x16xi32>,
      %ge3A = arith.constant 0 : i32
      %ge3A_69 = vector.broadcast %ge3A : i32 to vector<16xi32>
      %ge3A_70 = arith.cmpi sge, %sub3A_61, %ge3A_69 : vector<16xi32>
      %select_n3A_71 = arith.select %ge3A_70, %sub3A_61, %add3A_56 : vector<16xi1>, vector<16xi32>
      %swap3A_72 = arith.index_cast %scan3A_50 : i32 to index
      %swap3A_73 = arith.constant 0 : index
      %swap3A_74 = tpu.vector_load %arg9[%swap3A_72, %swap3A_73] {strides = array<i32>} : memref<158x128xi32, #tpu.memory_space<vmem>>, vector<1x16xi32>,
      %swap3A_75 = vector.shape_cast %swap3A_74 : vector<1x16xi32> to vector<16xi32>
      %swap3A_76 = vector.shape_cast %select_n3A_71 : vector<16xi32> to vector<1x16xi32>
      tpu.vector_store %arg9[%swap3A_72, %swap3A_73], %swap3A_76 {strides = array<i32>} : memref<158x128xi32, #tpu.memory_space<vmem>>, vector<1x16xi32>,
      %get3A_77 = arith.index_cast %scan3A_50 : i32 to index
      %get3A_78 = arith.constant 0 : index
      %get3A_79 = tpu.vector_load %arg7[%get3A_77, %get3A_78] {strides = array<i32>} : memref<158x128xi32, #tpu.memory_space<vmem>>, vector<1x16xi32>,
      %get3A_80 = vector.shape_cast %get3A_79 : vector<1x16xi32> to vector<16xi32>
      %add3A_81 = vector.broadcast %mul3A_0 : i32 to vector<16xi32>
      %add3A_82 = arith.addi %get3A_80, %add3A_81 : vector<16xi32>
      %swap3A_83 = arith.index_cast %scan3A_50 : i32 to index
      %swap3A_84 = arith.constant 0 : index
      %swap3A_85 = tpu.vector_load %arg7[%swap3A_83, %swap3A_84] {strides = array<i32>} : memref<158x128xi32, #tpu.memory_space<vmem>>, vector<1x16xi32>,
      %swap3A_86 = vector.shape_cast %swap3A_85 : vector<1x16xi32> to vector<16xi32>
      %swap3A_87 = vector.shape_cast %add3A_82 : vector<16xi32> to vector<1x16xi32>
      tpu.vector_store %arg7[%swap3A_83, %swap3A_84], %swap3A_87 {strides = array<i32>} : memref<158x128xi32, #tpu.memory_space<vmem>>, vector<1x16xi32>,
      %add3A_88 = arith.constant 5000 : i32
      %add3A_89 = vector.broadcast %add3A_88 : i32 to vector<16xi32>
      %add3A_90 = arith.addi %add3A_89, %iota3A : vector<16xi32>
      %add3A_91 = arith.constant 16 : i32
      %add3A_92 = vector.broadcast %add3A_91 : i32 to vector<16xi32>
      %add3A_93 = arith.addi %add3A_90, %add3A_92 : vector<16xi32>
      %get3A_94 = arith.index_cast %scan3A_50 : i32 to index
      %get3A_95 = arith.constant 16 : index
      %get3A_96 = tpu.vector_load %arg8[%get3A_94, %get3A_95] {strides = array<i32>} : memref<158x128xi32, #tpu.memory_space<vmem>>, vector<1x16xi32>,
      %get3A_97 = vector.shape_cast %get3A_96 : vector<1x16xi32> to vector<16xi32>
      %sub3A_98 = arith.constant 5000 : i32
      %sub3A_99 = vector.broadcast %sub3A_98 : i32 to vector<16xi32>
      %sub3A_100 = arith.subi %get3A_97, %sub3A_99 : vector<16xi32>
      %lt3A_101 = arith.constant 5000 : i32
      %lt3A_102 = vector.broadcast %lt3A_101 : i32 to vector<16xi32>
      %lt3A_103 = arith.cmpi slt, %get3A_97, %lt3A_102 : vector<16xi32>
      %select_n3A_104 = arith.select %lt3A_103, %get3A_97, %add3A_93 : vector<16xi1>, vector<16xi32>
      %swap3A_105 = arith.index_cast %scan3A_50 : i32 to index
      %swap3A_106 = arith.constant 16 : index
      %swap3A_107 = tpu.vector_load %arg8[%swap3A_105, %swap3A_106] {strides = array<i32>} : memref<158x128xi32, #tpu.memory_space<vmem>>, vector<1x16xi32>,
      %swap3A_108 = vector.shape_cast %swap3A_107 : vector<1x16xi32> to vector<16xi32>
      %swap3A_109 = vector.shape_cast %select_n3A_104 : vector<16xi32> to vector<1x16xi32>
      tpu.vector_store %arg8[%swap3A_105, %swap3A_106], %swap3A_109 {strides = array<i32>} : memref<158x128xi32, #tpu.memory_space<vmem>>, vector<1x16xi32>,
      %ge3A_110 = arith.constant 0 : i32
      %ge3A_111 = vector.broadcast %ge3A_110 : i32 to vector<16xi32>
      %ge3A_112 = arith.cmpi sge, %sub3A_100, %ge3A_111 : vector<16xi32>
      %select_n3A_113 = arith.select %ge3A_112, %sub3A_100, %add3A_93 : vector<16xi1>, vector<16xi32>
      %swap3A_114 = arith.index_cast %scan3A_50 : i32 to index
      %swap3A_115 = arith.constant 16 : index
      %swap3A_116 = tpu.vector_load %arg9[%swap3A_114, %swap3A_115] {strides = array<i32>} : memref<158x128xi32, #tpu.memory_space<vmem>>, vector<1x16xi32>,
      %swap3A_117 = vector.shape_cast %swap3A_116 : vector<1x16xi32> to vector<16xi32>
      %swap3A_118 = vector.shape_cast %select_n3A_113 : vector<16xi32> to vector<1x16xi32>
      tpu.vector_store %arg9[%swap3A_114, %swap3A_115], %swap3A_118 {strides = array<i32>} : memref<158x128xi32, #tpu.memory_space<vmem>>, vector<1x16xi32>,
      %get3A_119 = arith.index_cast %scan3A_50 : i32 to index
      %get3A_120 = arith.constant 16 : index
      %get3A_121 = tpu.vector_load %arg7[%get3A_119, %get3A_120] {strides = array<i32>} : memref<158x128xi32, #tpu.memory_space<vmem>>, vector<1x16xi32>,
      %get3A_122 = vector.shape_cast %get3A_121 : vector<1x16xi32> to vector<16xi32>
      %add3A_123 = vector.broadcast %mul3A_0 : i32 to vector<16xi32>
      %add3A_124 = arith.addi %get3A_122, %add3A_123 : vector<16xi32>
      %swap3A_125 = arith.index_cast %scan3A_50 : i32 to index
      %swap3A_126 = arith.constant 16 : index
      %swap3A_127 = tpu.vector_load %arg7[%swap3A_125, %swap3A_126] {strides = array<i32>} : memref<158x128xi32, #tpu.memory_space<vmem>>, vector<1x16xi32>,
      %swap3A_128 = vector.shape_cast %swap3A_127 : vector<1x16xi32> to vector<16xi32>
      %swap3A_129 = vector.shape_cast %add3A_124 : vector<16xi32> to vector<1x16xi32>
      tpu.vector_store %arg7[%swap3A_125, %swap3A_126], %swap3A_129 {strides = array<i32>} : memref<158x128xi32, #tpu.memory_space<vmem>>, vector<1x16xi32>,
      %add3A_130 = arith.constant 5000 : i32
      %add3A_131 = vector.broadcast %add3A_130 : i32 to vector<16xi32>
      %add3A_132 = arith.addi %add3A_131, %iota3A : vector<16xi32>
      %add3A_133 = arith.constant 32 : i32
      %add3A_134 = vector.broadcast %add3A_133 : i32 to vector<16xi32>
      %add3A_135 = arith.addi %add3A_132, %add3A_134 : vector<16xi32>
      %get3A_136 = arith.index_cast %scan3A_50 : i32 to index
      %get3A_137 = arith.constant 32 : index
      %get3A_138 = tpu.vector_load %arg8[%get3A_136, %get3A_137] {strides = array<i32>} : memref<158x128xi32, #tpu.memory_space<vmem>>, vector<1x16xi32>,
      %get3A_139 = vector.shape_cast %get3A_138 : vector<1x16xi32> to vector<16xi32>
      %sub3A_140 = arith.constant 5000 : i32
      %sub3A_141 = vector.broadcast %sub3A_140 : i32 to vector<16xi32>
      %sub3A_142 = arith.subi %get3A_139, %sub3A_141 : vector<16xi32>
      %lt3A_143 = arith.constant 5000 : i32
      %lt3A_144 = vector.broadcast %lt3A_143 : i32 to vector<16xi32>
      %lt3A_145 = arith.cmpi slt, %get3A_139, %lt3A_144 : vector<16xi32>
      %select_n3A_146 = arith.select %lt3A_145, %get3A_139, %add3A_135 : vector<16xi1>, vector<16xi32>
      %swap3A_147 = arith.index_cast %scan3A_50 : i32 to index
      %swap3A_148 = arith.constant 32 : index
      %swap3A_149 = tpu.vector_load %arg8[%swap3A_147, %swap3A_148] {strides = array<i32>} : memref<158x128xi32, #tpu.memory_space<vmem>>, vector<1x16xi32>,
      %swap3A_150 = vector.shape_cast %swap3A_149 : vector<1x16xi32> to vector<16xi32>
      %swap3A_151 = vector.shape_cast %select_n3A_146 : vector<16xi32> to vector<1x16xi32>
      tpu.vector_store %arg8[%swap3A_147, %swap3A_148], %swap3A_151 {strides = array<i32>} : memref<158x128xi32, #tpu.memory_space<vmem>>, vector<1x16xi32>,
      %ge3A_152 = arith.constant 0 : i32
      %ge3A_153 = vector.broadcast %ge3A_152 : i32 to vector<16xi32>
      %ge3A_154 = arith.cmpi sge, %sub3A_142, %ge3A_153 : vector<16xi32>
      %select_n3A_155 = arith.select %ge3A_154, %sub3A_142, %add3A_135 : vector<16xi1>, vector<16xi32>
      %swap3A_156 = arith.index_cast %scan3A_50 : i32 to index
      %swap3A_157 = arith.constant 32 : index
      %swap3A_158 = tpu.vector_load %arg9[%swap3A_156, %swap3A_157] {strides = array<i32>} : memref<158x128xi32, #tpu.memory_space<vmem>>, vector<1x16xi32>,
      %swap3A_159 = vector.shape_cast %swap3A_158 : vector<1x16xi32> to vector<16xi32>
      %swap3A_160 = vector.shape_cast %select_n3A_155 : vector<16xi32> to vector<1x16xi32>
      tpu.vector_store %arg9[%swap3A_156, %swap3A_157], %swap3A_160 {strides = array<i32>} : memref<158x128xi32, #tpu.memory_space<vmem>>, vector<1x16xi32>,
      %get3A_161 = arith.index_cast %scan3A_50 : i32 to index
      %get3A_162 = arith.constant 32 : index
      %get3A_163 = tpu.vector_load %arg7[%get3A_161, %get3A_162] {strides = array<i32>} : memref<158x128xi32, #tpu.memory_space<vmem>>, vector<1x16xi32>,
      %get3A_164 = vector.shape_cast %get3A_163 : vector<1x16xi32> to vector<16xi32>
      %add3A_165 = vector.broadcast %mul3A_0 : i32 to vector<16xi32>
      %add3A_166 = arith.addi %get3A_164, %add3A_165 : vector<16xi32>
      %swap3A_167 = arith.index_cast %scan3A_50 : i32 to index
      %swap3A_168 = arith.constant 32 : index
      %swap3A_169 = tpu.vector_load %arg7[%swap3A_167, %swap3A_168] {strides = array<i32>} : memref<158x128xi32, #tpu.memory_space<vmem>>, vector<1x16xi32>,
      %swap3A_170 = vector.shape_cast %swap3A_169 : vector<1x16xi32> to vector<16xi32>
      %swap3A_171 = vector.shape_cast %add3A_166 : vector<16xi32> to vector<1x16xi32>
      tpu.vector_store %arg7[%swap3A_167, %swap3A_168], %swap3A_171 {strides = array<i32>} : memref<158x128xi32, #tpu.memory_space<vmem>>, vector<1x16xi32>,
      %add3A_172 = arith.constant 5000 : i32
      %add3A_173 = vector.broadcast %add3A_172 : i32 to vector<16xi32>
      %add3A_174 = arith.addi %add3A_173, %iota3A : vector<16xi32>
      %add3A_175 = arith.constant 48 : i32
      %add3A_176 = vector.broadcast %add3A_175 : i32 to vector<16xi32>
      %add3A_177 = arith.addi %add3A_174, %add3A_176 : vector<16xi32>
      %get3A_178 = arith.index_cast %scan3A_50 : i32 to index
      %get3A_179 = arith.constant 48 : index
      %get3A_180 = tpu.vector_load %arg8[%get3A_178, %get3A_179] {strides = array<i32>} : memref<158x128xi32, #tpu.memory_space<vmem>>, vector<1x16xi32>,
      %get3A_181 = vector.shape_cast %get3A_180 : vector<1x16xi32> to vector<16xi32>
      %sub3A_182 = arith.constant 5000 : i32
      %sub3A_183 = vector.broadcast %sub3A_182 : i32 to vector<16xi32>
      %sub3A_184 = arith.subi %get3A_181, %sub3A_183 : vector<16xi32>
      %lt3A_185 = arith.constant 5000 : i32
      %lt3A_186 = vector.broadcast %lt3A_185 : i32 to vector<16xi32>
      %lt3A_187 = arith.cmpi slt, %get3A_181, %lt3A_186 : vector<16xi32>
      %select_n3A_188 = arith.select %lt3A_187, %get3A_181, %add3A_177 : vector<16xi1>, vector<16xi32>
      %swap3A_189 = arith.index_cast %scan3A_50 : i32 to index
      %swap3A_190 = arith.constant 48 : index
      %swap3A_191 = tpu.vector_load %arg8[%swap3A_189, %swap3A_190] {strides = array<i32>} : memref<158x128xi32, #tpu.memory_space<vmem>>, vector<1x16xi32>,
      %swap3A_192 = vector.shape_cast %swap3A_191 : vector<1x16xi32> to vector<16xi32>
      %swap3A_193 = vector.shape_cast %select_n3A_188 : vector<16xi32> to vector<1x16xi32>
      tpu.vector_store %arg8[%swap3A_189, %swap3A_190], %swap3A_193 {strides = array<i32>} : memref<158x128xi32, #tpu.memory_space<vmem>>, vector<1x16xi32>,
      %ge3A_194 = arith.constant 0 : i32
      %ge3A_195 = vector.broadcast %ge3A_194 : i32 to vector<16xi32>
      %ge3A_196 = arith.cmpi sge, %sub3A_184, %ge3A_195 : vector<16xi32>
      %select_n3A_197 = arith.select %ge3A_196, %sub3A_184, %add3A_177 : vector<16xi1>, vector<16xi32>
      %swap3A_198 = arith.index_cast %scan3A_50 : i32 to index
      %swap3A_199 = arith.constant 48 : index
      %swap3A_200 = tpu.vector_load %arg9[%swap3A_198, %swap3A_199] {strides = array<i32>} : memref<158x128xi32, #tpu.memory_space<vmem>>, vector<1x16xi32>,
      %swap3A_201 = vector.shape_cast %swap3A_200 : vector<1x16xi32> to vector<16xi32>
      %swap3A_202 = vector.shape_cast %select_n3A_197 : vector<16xi32> to vector<1x16xi32>
      tpu.vector_store %arg9[%swap3A_198, %swap3A_199], %swap3A_202 {strides = array<i32>} : memref<158x128xi32, #tpu.memory_space<vmem>>, vector<1x16xi32>,
      %get3A_203 = arith.index_cast %scan3A_50 : i32 to index
      %get3A_204 = arith.constant 48 : index
      %get3A_205 = tpu.vector_load %arg7[%get3A_203, %get3A_204] {strides = array<i32>} : memref<158x128xi32, #tpu.memory_space<vmem>>, vector<1x16xi32>,
      %get3A_206 = vector.shape_cast %get3A_205 : vector<1x16xi32> to vector<16xi32>
      %add3A_207 = vector.broadcast %mul3A_0 : i32 to vector<16xi32>
      %add3A_208 = arith.addi %get3A_206, %add3A_207 : vector<16xi32>
      %swap3A_209 = arith.index_cast %scan3A_50 : i32 to index
      %swap3A_210 = arith.constant 48 : index
      %swap3A_211 = tpu.vector_load %arg7[%swap3A_209, %swap3A_210] {strides = array<i32>} : memref<158x128xi32, #tpu.memory_space<vmem>>, vector<1x16xi32>,
      %swap3A_212 = vector.shape_cast %swap3A_211 : vector<1x16xi32> to vector<16xi32>
      %swap3A_213 = vector.shape_cast %add3A_208 : vector<16xi32> to vector<1x16xi32>
      tpu.vector_store %arg7[%swap3A_209, %swap3A_210], %swap3A_213 {strides = array<i32>} : memref<158x128xi32, #tpu.memory_space<vmem>>, vector<1x16xi32>,
      %add3A_214 = arith.constant 5000 : i32
      %add3A_215 = vector.broadcast %add3A_214 : i32 to vector<16xi32>
      %add3A_216 = arith.addi %add3A_215, %iota3A : vector<16xi32>
      %add3A_217 = arith.constant 64 : i32
      %add3A_218 = vector.broadcast %add3A_217 : i32 to vector<16xi32>
      %add3A_219 = arith.addi %add3A_216, %add3A_218 : vector<16xi32>
      %get3A_220 = arith.index_cast %scan3A_50 : i32 to index
      %get3A_221 = arith.constant 64 : index
      %get3A_222 = tpu.vector_load %arg8[%get3A_220, %get3A_221] {strides = array<i32>} : memref<158x128xi32, #tpu.memory_space<vmem>>, vector<1x16xi32>,
      %get3A_223 = vector.shape_cast %get3A_222 : vector<1x16xi32> to vector<16xi32>
      %sub3A_224 = arith.constant 5000 : i32
      %sub3A_225 = vector.broadcast %sub3A_224 : i32 to vector<16xi32>
      %sub3A_226 = arith.subi %get3A_223, %sub3A_225 : vector<16xi32>
      %lt3A_227 = arith.constant 5000 : i32
      %lt3A_228 = vector.broadcast %lt3A_227 : i32 to vector<16xi32>
      %lt3A_229 = arith.cmpi slt, %get3A_223, %lt3A_228 : vector<16xi32>
      %select_n3A_230 = arith.select %lt3A_229, %get3A_223, %add3A_219 : vector<16xi1>, vector<16xi32>
      %swap3A_231 = arith.index_cast %scan3A_50 : i32 to index
      %swap3A_232 = arith.constant 64 : index
      %swap3A_233 = tpu.vector_load %arg8[%swap3A_231, %swap3A_232] {strides = array<i32>} : memref<158x128xi32, #tpu.memory_space<vmem>>, vector<1x16xi32>,
      %swap3A_234 = vector.shape_cast %swap3A_233 : vector<1x16xi32> to vector<16xi32>
      %swap3A_235 = vector.shape_cast %select_n3A_230 : vector<16xi32> to vector<1x16xi32>
      tpu.vector_store %arg8[%swap3A_231, %swap3A_232], %swap3A_235 {strides = array<i32>} : memref<158x128xi32, #tpu.memory_space<vmem>>, vector<1x16xi32>,
      %ge3A_236 = arith.constant 0 : i32
      %ge3A_237 = vector.broadcast %ge3A_236 : i32 to vector<16xi32>
      %ge3A_238 = arith.cmpi sge, %sub3A_226, %ge3A_237 : vector<16xi32>
      %select_n3A_239 = arith.select %ge3A_238, %sub3A_226, %add3A_219 : vector<16xi1>, vector<16xi32>
      %swap3A_240 = arith.index_cast %scan3A_50 : i32 to index
      %swap3A_241 = arith.constant 64 : index
      %swap3A_242 = tpu.vector_load %arg9[%swap3A_240, %swap3A_241] {strides = array<i32>} : memref<158x128xi32, #tpu.memory_space<vmem>>, vector<1x16xi32>,
      %swap3A_243 = vector.shape_cast %swap3A_242 : vector<1x16xi32> to vector<16xi32>
      %swap3A_244 = vector.shape_cast %select_n3A_239 : vector<16xi32> to vector<1x16xi32>
      tpu.vector_store %arg9[%swap3A_240, %swap3A_241], %swap3A_244 {strides = array<i32>} : memref<158x128xi32, #tpu.memory_space<vmem>>, vector<1x16xi32>,
      %get3A_245 = arith.index_cast %scan3A_50 : i32 to index
      %get3A_246 = arith.constant 64 : index
      %get3A_247 = tpu.vector_load %arg7[%get3A_245, %get3A_246] {strides = array<i32>} : memref<158x128xi32, #tpu.memory_space<vmem>>, vector<1x16xi32>,
      %get3A_248 = vector.shape_cast %get3A_247 : vector<1x16xi32> to vector<16xi32>
      %add3A_249 = vector.broadcast %mul3A_0 : i32 to vector<16xi32>
      %add3A_250 = arith.addi %get3A_248, %add3A_249 : vector<16xi32>
      %swap3A_251 = arith.index_cast %scan3A_50 : i32 to index
      %swap3A_252 = arith.constant 64 : index
      %swap3A_253 = tpu.vector_load %arg7[%swap3A_251, %swap3A_252] {strides = array<i32>} : memref<158x128xi32, #tpu.memory_space<vmem>>, vector<1x16xi32>,
      %swap3A_254 = vector.shape_cast %swap3A_253 : vector<1x16xi32> to vector<16xi32>
      %swap3A_255 = vector.shape_cast %add3A_250 : vector<16xi32> to vector<1x16xi32>
      tpu.vector_store %arg7[%swap3A_251, %swap3A_252], %swap3A_255 {strides = array<i32>} : memref<158x128xi32, #tpu.memory_space<vmem>>, vector<1x16xi32>,
      %add3A_256 = arith.constant 5000 : i32
      %add3A_257 = vector.broadcast %add3A_256 : i32 to vector<16xi32>
      %add3A_258 = arith.addi %add3A_257, %iota3A : vector<16xi32>
      %add3A_259 = arith.constant 80 : i32
      %add3A_260 = vector.broadcast %add3A_259 : i32 to vector<16xi32>
      %add3A_261 = arith.addi %add3A_258, %add3A_260 : vector<16xi32>
      %get3A_262 = arith.index_cast %scan3A_50 : i32 to index
      %get3A_263 = arith.constant 80 : index
      %get3A_264 = tpu.vector_load %arg8[%get3A_262, %get3A_263] {strides = array<i32>} : memref<158x128xi32, #tpu.memory_space<vmem>>, vector<1x16xi32>,
      %get3A_265 = vector.shape_cast %get3A_264 : vector<1x16xi32> to vector<16xi32>
      %sub3A_266 = arith.constant 5000 : i32
      %sub3A_267 = vector.broadcast %sub3A_266 : i32 to vector<16xi32>
      %sub3A_268 = arith.subi %get3A_265, %sub3A_267 : vector<16xi32>
      %lt3A_269 = arith.constant 5000 : i32
      %lt3A_270 = vector.broadcast %lt3A_269 : i32 to vector<16xi32>
      %lt3A_271 = arith.cmpi slt, %get3A_265, %lt3A_270 : vector<16xi32>
      %select_n3A_272 = arith.select %lt3A_271, %get3A_265, %add3A_261 : vector<16xi1>, vector<16xi32>
      %swap3A_273 = arith.index_cast %scan3A_50 : i32 to index
      %swap3A_274 = arith.constant 80 : index
      %swap3A_275 = tpu.vector_load %arg8[%swap3A_273, %swap3A_274] {strides = array<i32>} : memref<158x128xi32, #tpu.memory_space<vmem>>, vector<1x16xi32>,
      %swap3A_276 = vector.shape_cast %swap3A_275 : vector<1x16xi32> to vector<16xi32>
      %swap3A_277 = vector.shape_cast %select_n3A_272 : vector<16xi32> to vector<1x16xi32>
      tpu.vector_store %arg8[%swap3A_273, %swap3A_274], %swap3A_277 {strides = array<i32>} : memref<158x128xi32, #tpu.memory_space<vmem>>, vector<1x16xi32>,
      %ge3A_278 = arith.constant 0 : i32
      %ge3A_279 = vector.broadcast %ge3A_278 : i32 to vector<16xi32>
      %ge3A_280 = arith.cmpi sge, %sub3A_268, %ge3A_279 : vector<16xi32>
      %select_n3A_281 = arith.select %ge3A_280, %sub3A_268, %add3A_261 : vector<16xi1>, vector<16xi32>
      %swap3A_282 = arith.index_cast %scan3A_50 : i32 to index
      %swap3A_283 = arith.constant 80 : index
      %swap3A_284 = tpu.vector_load %arg9[%swap3A_282, %swap3A_283] {strides = array<i32>} : memref<158x128xi32, #tpu.memory_space<vmem>>, vector<1x16xi32>,
      %swap3A_285 = vector.shape_cast %swap3A_284 : vector<1x16xi32> to vector<16xi32>
      %swap3A_286 = vector.shape_cast %select_n3A_281 : vector<16xi32> to vector<1x16xi32>
      tpu.vector_store %arg9[%swap3A_282, %swap3A_283], %swap3A_286 {strides = array<i32>} : memref<158x128xi32, #tpu.memory_space<vmem>>, vector<1x16xi32>,
      %get3A_287 = arith.index_cast %scan3A_50 : i32 to index
      %get3A_288 = arith.constant 80 : index
      %get3A_289 = tpu.vector_load %arg7[%get3A_287, %get3A_288] {strides = array<i32>} : memref<158x128xi32, #tpu.memory_space<vmem>>, vector<1x16xi32>,
      %get3A_290 = vector.shape_cast %get3A_289 : vector<1x16xi32> to vector<16xi32>
      %add3A_291 = vector.broadcast %mul3A_0 : i32 to vector<16xi32>
      %add3A_292 = arith.addi %get3A_290, %add3A_291 : vector<16xi32>
      %swap3A_293 = arith.index_cast %scan3A_50 : i32 to index
      %swap3A_294 = arith.constant 80 : index
      %swap3A_295 = tpu.vector_load %arg7[%swap3A_293, %swap3A_294] {strides = array<i32>} : memref<158x128xi32, #tpu.memory_space<vmem>>, vector<1x16xi32>,
      %swap3A_296 = vector.shape_cast %swap3A_295 : vector<1x16xi32> to vector<16xi32>
      %swap3A_297 = vector.shape_cast %add3A_292 : vector<16xi32> to vector<1x16xi32>
      tpu.vector_store %arg7[%swap3A_293, %swap3A_294], %swap3A_297 {strides = array<i32>} : memref<158x128xi32, #tpu.memory_space<vmem>>, vector<1x16xi32>,
      %add3A_298 = arith.constant 5000 : i32
      %add3A_299 = vector.broadcast %add3A_298 : i32 to vector<16xi32>
      %add3A_300 = arith.addi %add3A_299, %iota3A : vector<16xi32>
      %add3A_301 = arith.constant 96 : i32
      %add3A_302 = vector.broadcast %add3A_301 : i32 to vector<16xi32>
      %add3A_303 = arith.addi %add3A_300, %add3A_302 : vector<16xi32>
      %get3A_304 = arith.index_cast %scan3A_50 : i32 to index
      %get3A_305 = arith.constant 96 : index
      %get3A_306 = tpu.vector_load %arg8[%get3A_304, %get3A_305] {strides = array<i32>} : memref<158x128xi32, #tpu.memory_space<vmem>>, vector<1x16xi32>,
      %get3A_307 = vector.shape_cast %get3A_306 : vector<1x16xi32> to vector<16xi32>
      %sub3A_308 = arith.constant 5000 : i32
      %sub3A_309 = vector.broadcast %sub3A_308 : i32 to vector<16xi32>
      %sub3A_310 = arith.subi %get3A_307, %sub3A_309 : vector<16xi32>
      %lt3A_311 = arith.constant 5000 : i32
      %lt3A_312 = vector.broadcast %lt3A_311 : i32 to vector<16xi32>
      %lt3A_313 = arith.cmpi slt, %get3A_307, %lt3A_312 : vector<16xi32>
      %select_n3A_314 = arith.select %lt3A_313, %get3A_307, %add3A_303 : vector<16xi1>, vector<16xi32>
      %swap3A_315 = arith.index_cast %scan3A_50 : i32 to index
      %swap3A_316 = arith.constant 96 : index
      %swap3A_317 = tpu.vector_load %arg8[%swap3A_315, %swap3A_316] {strides = array<i32>} : memref<158x128xi32, #tpu.memory_space<vmem>>, vector<1x16xi32>,
      %swap3A_318 = vector.shape_cast %swap3A_317 : vector<1x16xi32> to vector<16xi32>
      %swap3A_319 = vector.shape_cast %select_n3A_314 : vector<16xi32> to vector<1x16xi32>
      tpu.vector_store %arg8[%swap3A_315, %swap3A_316], %swap3A_319 {strides = array<i32>} : memref<158x128xi32, #tpu.memory_space<vmem>>, vector<1x16xi32>,
      %ge3A_320 = arith.constant 0 : i32
      %ge3A_321 = vector.broadcast %ge3A_320 : i32 to vector<16xi32>
      %ge3A_322 = arith.cmpi sge, %sub3A_310, %ge3A_321 : vector<16xi32>
      %select_n3A_323 = arith.select %ge3A_322, %sub3A_310, %add3A_303 : vector<16xi1>, vector<16xi32>
      %swap3A_324 = arith.index_cast %scan3A_50 : i32 to index
      %swap3A_325 = arith.constant 96 : index
      %swap3A_326 = tpu.vector_load %arg9[%swap3A_324, %swap3A_325] {strides = array<i32>} : memref<158x128xi32, #tpu.memory_space<vmem>>, vector<1x16xi32>,
      %swap3A_327 = vector.shape_cast %swap3A_326 : vector<1x16xi32> to vector<16xi32>
      %swap3A_328 = vector.shape_cast %select_n3A_323 : vector<16xi32> to vector<1x16xi32>
      tpu.vector_store %arg9[%swap3A_324, %swap3A_325], %swap3A_328 {strides = array<i32>} : memref<158x128xi32, #tpu.memory_space<vmem>>, vector<1x16xi32>,
      %get3A_329 = arith.index_cast %scan3A_50 : i32 to index
      %get3A_330 = arith.constant 96 : index
      %get3A_331 = tpu.vector_load %arg7[%get3A_329, %get3A_330] {strides = array<i32>} : memref<158x128xi32, #tpu.memory_space<vmem>>, vector<1x16xi32>,
      %get3A_332 = vector.shape_cast %get3A_331 : vector<1x16xi32> to vector<16xi32>
      %add3A_333 = vector.broadcast %mul3A_0 : i32 to vector<16xi32>
      %add3A_334 = arith.addi %get3A_332, %add3A_333 : vector<16xi32>
      %swap3A_335 = arith.index_cast %scan3A_50 : i32 to index
      %swap3A_336 = arith.constant 96 : index
      %swap3A_337 = tpu.vector_load %arg7[%swap3A_335, %swap3A_336] {strides = array<i32>} : memref<158x128xi32, #tpu.memory_space<vmem>>, vector<1x16xi32>,
      %swap3A_338 = vector.shape_cast %swap3A_337 : vector<1x16xi32> to vector<16xi32>
      %swap3A_339 = vector.shape_cast %add3A_334 : vector<16xi32> to vector<1x16xi32>
      tpu.vector_store %arg7[%swap3A_335, %swap3A_336], %swap3A_339 {strides = array<i32>} : memref<158x128xi32, #tpu.memory_space<vmem>>, vector<1x16xi32>,
      %add3A_340 = arith.constant 5000 : i32
      %add3A_341 = vector.broadcast %add3A_340 : i32 to vector<16xi32>
      %add3A_342 = arith.addi %add3A_341, %iota3A : vector<16xi32>
      %add3A_343 = arith.constant 112 : i32
      %add3A_344 = vector.broadcast %add3A_343 : i32 to vector<16xi32>
      %add3A_345 = arith.addi %add3A_342, %add3A_344 : vector<16xi32>
      %get3A_346 = arith.index_cast %scan3A_50 : i32 to index
      %get3A_347 = arith.constant 112 : index
      %get3A_348 = tpu.vector_load %arg8[%get3A_346, %get3A_347] {strides = array<i32>} : memref<158x128xi32, #tpu.memory_space<vmem>>, vector<1x16xi32>,
      %get3A_349 = vector.shape_cast %get3A_348 : vector<1x16xi32> to vector<16xi32>
      %sub3A_350 = arith.constant 5000 : i32
      %sub3A_351 = vector.broadcast %sub3A_350 : i32 to vector<16xi32>
      %sub3A_352 = arith.subi %get3A_349, %sub3A_351 : vector<16xi32>
      %lt3A_353 = arith.constant 5000 : i32
      %lt3A_354 = vector.broadcast %lt3A_353 : i32 to vector<16xi32>
      %lt3A_355 = arith.cmpi slt, %get3A_349, %lt3A_354 : vector<16xi32>
      %select_n3A_356 = arith.select %lt3A_355, %get3A_349, %add3A_345 : vector<16xi1>, vector<16xi32>
      %swap3A_357 = arith.index_cast %scan3A_50 : i32 to index
      %swap3A_358 = arith.constant 112 : index
      %swap3A_359 = tpu.vector_load %arg8[%swap3A_357, %swap3A_358] {strides = array<i32>} : memref<158x128xi32, #tpu.memory_space<vmem>>, vector<1x16xi32>,
      %swap3A_360 = vector.shape_cast %swap3A_359 : vector<1x16xi32> to vector<16xi32>
      %swap3A_361 = vector.shape_cast %select_n3A_356 : vector<16xi32> to vector<1x16xi32>
      tpu.vector_store %arg8[%swap3A_357, %swap3A_358], %swap3A_361 {strides = array<i32>} : memref<158x128xi32, #tpu.memory_space<vmem>>, vector<1x16xi32>,
      %ge3A_362 = arith.constant 0 : i32
      %ge3A_363 = vector.broadcast %ge3A_362 : i32 to vector<16xi32>
      %ge3A_364 = arith.cmpi sge, %sub3A_352, %ge3A_363 : vector<16xi32>
      %select_n3A_365 = arith.select %ge3A_364, %sub3A_352, %add3A_345 : vector<16xi1>, vector<16xi32>
      %swap3A_366 = arith.index_cast %scan3A_50 : i32 to index
      %swap3A_367 = arith.constant 112 : index
      %swap3A_368 = tpu.vector_load %arg9[%swap3A_366, %swap3A_367] {strides = array<i32>} : memref<158x128xi32, #tpu.memory_space<vmem>>, vector<1x16xi32>,
      %swap3A_369 = vector.shape_cast %swap3A_368 : vector<1x16xi32> to vector<16xi32>
      %swap3A_370 = vector.shape_cast %select_n3A_365 : vector<16xi32> to vector<1x16xi32>
      tpu.vector_store %arg9[%swap3A_366, %swap3A_367], %swap3A_370 {strides = array<i32>} : memref<158x128xi32, #tpu.memory_space<vmem>>, vector<1x16xi32>,
      %get3A_371 = arith.index_cast %scan3A_50 : i32 to index
      %get3A_372 = arith.constant 112 : index
      %get3A_373 = tpu.vector_load %arg7[%get3A_371, %get3A_372] {strides = array<i32>} : memref<158x128xi32, #tpu.memory_space<vmem>>, vector<1x16xi32>,
      %get3A_374 = vector.shape_cast %get3A_373 : vector<1x16xi32> to vector<16xi32>
      %add3A_375 = vector.broadcast %mul3A_0 : i32 to vector<16xi32>
      %add3A_376 = arith.addi %get3A_374, %add3A_375 : vector<16xi32>
      %swap3A_377 = arith.index_cast %scan3A_50 : i32 to index
      %swap3A_378 = arith.constant 112 : index
      %swap3A_379 = tpu.vector_load %arg7[%swap3A_377, %swap3A_378] {strides = array<i32>} : memref<158x128xi32, #tpu.memory_space<vmem>>, vector<1x16xi32>,
      %swap3A_380 = vector.shape_cast %swap3A_379 : vector<1x16xi32> to vector<16xi32>
      %swap3A_381 = vector.shape_cast %add3A_376 : vector<16xi32> to vector<1x16xi32>
      tpu.vector_store %arg7[%swap3A_377, %swap3A_378], %swap3A_381 {strides = array<i32>} : memref<158x128xi32, #tpu.memory_space<vmem>>, vector<1x16xi32>,
    }
    %scan3A_5 = arith.constant 158 : i32
    %mul3A_6 = arith.constant 328 : i32
    %mul3A_7 = arith.muli %arg1, %mul3A_6 : i32
    %mul3A_8 = arith.constant 328 : i32
    %mul3A_9 = arith.muli %arg1, %mul3A_8 : i32
    "tpu.region"() ({
      %run_scoped3A = tpu.sem_alloc : memref<!tpu.dma_semaphore, #tpu.memory_space<semaphore_mem>>
      %dma_start3A = arith.constant 0 : i32
      %dma_start3A_50 = tpu.memref_slice %arg11[%mul3A_9, %dma_start3A] : memref<5248x128xf32, #tpu.memory_space<vmem_shared>> -> memref<328x128xf32, #tpu.memory_space<vmem_shared>>
      %dma_start3A_51 = arith.constant 0 : i32
      %dma_start3A_52 = tpu.memref_slice %arg5[%mul3A_7, %dma_start3A_51] : memref<5248x128xf32, #tpu.memory_space<hbm>> -> memref<328x128xf32, #tpu.memory_space<hbm>>
      tpu.enqueue_dma source(%dma_start3A_52 : memref<328x128xf32, #tpu.memory_space<hbm>>) target(%dma_start3A_50 : memref<328x128xf32, #tpu.memory_space<vmem_shared>>) target_semaphore(%run_scoped3A : memref<!tpu.dma_semaphore, #tpu.memory_space<semaphore_mem>>)
      %dma_wait3A = arith.constant 0 : i32
      %dma_wait3A_53 = tpu.memref_slice %arg11[%mul3A_9, %dma_wait3A] : memref<5248x128xf32, #tpu.memory_space<vmem_shared>> -> memref<328x128xf32, #tpu.memory_space<vmem_shared>>
      %dma_wait3A_54 = arith.constant 0 : i32
      %dma_wait3A_55 = tpu.memref_slice %arg5[%mul3A_7, %dma_wait3A_54] : memref<5248x128xf32, #tpu.memory_space<hbm>> -> memref<328x128xf32, #tpu.memory_space<hbm>>
      tpu.wait_dma2 semaphore(%run_scoped3A : memref<!tpu.dma_semaphore, #tpu.memory_space<semaphore_mem>>) src(%dma_wait3A_55 : memref<328x128xf32, #tpu.memory_space<hbm>>) dst(%dma_wait3A_53 : memref<328x128xf32, #tpu.memory_space<vmem_shared>>)
      tpu.yield
    }) : () -> ()
    %barrier3A = arith.constant 0 : index
    tpu.barrier barrier_id(%barrier3A)
    %scan3A_10 = arith.constant 0 : i32
    %scan3A_11 = arith.constant 0 : i32
    %scan3A_12 = arith.constant 158 : i32
    %scan3A_13 = arith.addi %scan3A_11, %scan3A_12 : i32
    %scan3A_14 = arith.constant 1 : i32
    scf.for %scan3A_50 = %scan3A_11 to %scan3A_13 step %scan3A_14  : i32 {
      %dma_start3A = arith.constant 0 : i32
      %dma_start3A_51 = tpu.memref_slice %arg7[%scan3A_50, %dma_start3A] : memref<158x128xi32, #tpu.memory_space<vmem>> -> memref<1x128xi32, #tpu.memory_space<vmem>>
      %dma_start3A_52 = tpu.memref_squeeze %dma_start3A_51 : memref<1x128xi32, #tpu.memory_space<vmem>> -> memref<128xi32, #tpu.memory_space<vmem>>
      %dma_start3A_53 = arith.constant 0 : i32
      %dma_start3A_54 = arith.constant 0 : i32
      %dma_start3A_55 = tpu.memref_slice %arg2[%dma_start3A_53, %dma_start3A_54] : memref<20000x128xf32, #tpu.memory_space<hbm>> -> memref<20000x128xf32, #tpu.memory_space<hbm>>
      tpu.enqueue_indirect_dma source(%dma_start3A_55 : memref<20000x128xf32, #tpu.memory_space<hbm>>) target(%arg10 : memref<128x128xf32, #tpu.memory_space<vmem>>) offsets(%dma_start3A_52 : memref<128xi32, #tpu.memory_space<vmem>>) semaphore(%arg12 : memref<!tpu.dma_semaphore, #tpu.memory_space<semaphore_mem>>)
      %dma_wait3A = arith.constant 0 : i32
      %dma_wait3A_56 = tpu.memref_slice %arg7[%scan3A_50, %dma_wait3A] : memref<158x128xi32, #tpu.memory_space<vmem>> -> memref<1x128xi32, #tpu.memory_space<vmem>>
      %dma_wait3A_57 = tpu.memref_squeeze %dma_wait3A_56 : memref<1x128xi32, #tpu.memory_space<vmem>> -> memref<128xi32, #tpu.memory_space<vmem>>
      %dma_wait3A_58 = arith.constant 0 : i32
      %dma_wait3A_59 = arith.constant 0 : i32
      %dma_wait3A_60 = tpu.memref_slice %arg2[%dma_wait3A_58, %dma_wait3A_59] : memref<20000x128xf32, #tpu.memory_space<hbm>> -> memref<20000x128xf32, #tpu.memory_space<hbm>>
      tpu.wait_indirect_dma semaphore(%arg12 : memref<!tpu.dma_semaphore, #tpu.memory_space<semaphore_mem>>) src(%dma_wait3A_60 : memref<20000x128xf32, #tpu.memory_space<hbm>>) dst(%arg10 : memref<128x128xf32, #tpu.memory_space<vmem>>)
      "tpu.region"() ({
        %run_scoped3A = tpu.sem_alloc : memref<!tpu.dma_semaphore, #tpu.memory_space<semaphore_mem>>
        %dma_start3A_61 = arith.constant 0 : i32
        %dma_start3A_62 = tpu.memref_slice %arg8[%scan3A_50, %dma_start3A_61] : memref<158x128xi32, #tpu.memory_space<vmem>> -> memref<1x128xi32, #tpu.memory_space<vmem>>
        %dma_start3A_63 = tpu.memref_squeeze %dma_start3A_62 : memref<1x128xi32, #tpu.memory_space<vmem>> -> memref<128xi32, #tpu.memory_space<vmem>>
        %dma_start3A_64 = arith.constant 0 : i32
        %dma_start3A_65 = arith.constant 0 : i32
        %dma_start3A_66 = tpu.memref_slice %arg11[%dma_start3A_64, %dma_start3A_65] : memref<5248x128xf32, #tpu.memory_space<vmem_shared>> -> memref<5248x128xf32, #tpu.memory_space<vmem_shared>>
        tpu.enqueue_indirect_dma source(%arg10 : memref<128x128xf32, #tpu.memory_space<vmem>>) target(%dma_start3A_66 : memref<5248x128xf32, #tpu.memory_space<vmem_shared>>) offsets(%dma_start3A_63 : memref<128xi32, #tpu.memory_space<vmem>>) semaphore(%run_scoped3A : memref<!tpu.dma_semaphore, #tpu.memory_space<semaphore_mem>>) {add = true}
        %dma_wait3A_67 = arith.constant 0 : i32
        %dma_wait3A_68 = tpu.memref_slice %arg8[%scan3A_50, %dma_wait3A_67] : memref<158x128xi32, #tpu.memory_space<vmem>> -> memref<1x128xi32, #tpu.memory_space<vmem>>
        %dma_wait3A_69 = tpu.memref_squeeze %dma_wait3A_68 : memref<1x128xi32, #tpu.memory_space<vmem>> -> memref<128xi32, #tpu.memory_space<vmem>>
        %dma_wait3A_70 = arith.constant 0 : i32
        %dma_wait3A_71 = arith.constant 0 : i32
        %dma_wait3A_72 = tpu.memref_slice %arg11[%dma_wait3A_70, %dma_wait3A_71] : memref<5248x128xf32, #tpu.memory_space<vmem_shared>> -> memref<5248x128xf32, #tpu.memory_space<vmem_shared>>
        tpu.wait_indirect_dma semaphore(%run_scoped3A : memref<!tpu.dma_semaphore, #tpu.memory_space<semaphore_mem>>) src(%arg10 : memref<128x128xf32, #tpu.memory_space<vmem>>) dst(%dma_wait3A_72 : memref<5248x128xf32, #tpu.memory_space<vmem_shared>>)
        tpu.yield
      }) : () -> ()
    }
    %scan3A_15 = arith.constant 158 : i32
    %barrier3A_16 = arith.constant 0 : index
    tpu.barrier barrier_id(%barrier3A_16)
    %add3A = arith.constant 0 : i32
    %add3A_17 = arith.addi %mul3A_0, %add3A : i32
    %lt3A = arith.constant 15 : i32
    %lt3A_18 = arith.cmpi slt, %arg1, %lt3A : i32
    %convert_element_type3A = arith.extui %lt3A_18 : i1 to i32
    %cond3A = arith.constant 0 : i32
    %cond3A_19 = arith.cmpi ne, %convert_element_type3A, %cond3A : i32
    scf.if %cond3A_19 {
      %mul3A_50 = arith.constant 312 : i32
      %mul3A_51 = arith.muli %arg1, %mul3A_50 : i32
      %mul3A_52 = arith.constant 312 : i32
      %mul3A_53 = arith.muli %arg1, %mul3A_52 : i32
      %add3A_54 = arith.addi %add3A_17, %mul3A_53 : i32
      "tpu.region"() ({
        %run_scoped3A = tpu.sem_alloc : memref<!tpu.dma_semaphore, #tpu.memory_space<semaphore_mem>>
        %dma_start3A = arith.constant 0 : i32
        %dma_start3A_55 = tpu.memref_slice %arg6[%add3A_54, %dma_start3A] : memref<20000x128xf32, #tpu.memory_space<hbm>> -> memref<312x128xf32, #tpu.memory_space<hbm>>
        %dma_start3A_56 = arith.constant 0 : i32
        %dma_start3A_57 = tpu.memref_slice %arg11[%mul3A_51, %dma_start3A_56] : memref<5248x128xf32, #tpu.memory_space<vmem_shared>> -> memref<312x128xf32, #tpu.memory_space<vmem_shared>>
        tpu.enqueue_dma source(%dma_start3A_57 : memref<312x128xf32, #tpu.memory_space<vmem_shared>>) target(%dma_start3A_55 : memref<312x128xf32, #tpu.memory_space<hbm>>) target_semaphore(%run_scoped3A : memref<!tpu.dma_semaphore, #tpu.memory_space<semaphore_mem>>)
        %dma_wait3A = arith.constant 0 : i32
        %dma_wait3A_58 = tpu.memref_slice %arg6[%add3A_54, %dma_wait3A] : memref<20000x128xf32, #tpu.memory_space<hbm>> -> memref<312x128xf32, #tpu.memory_space<hbm>>
        %dma_wait3A_59 = arith.constant 0 : i32
        %dma_wait3A_60 = tpu.memref_slice %arg11[%mul3A_51, %dma_wait3A_59] : memref<5248x128xf32, #tpu.memory_space<vmem_shared>> -> memref<312x128xf32, #tpu.memory_space<vmem_shared>>
        tpu.wait_dma2 semaphore(%run_scoped3A : memref<!tpu.dma_semaphore, #tpu.memory_space<semaphore_mem>>) src(%dma_wait3A_60 : memref<312x128xf32, #tpu.memory_space<vmem_shared>>) dst(%dma_wait3A_58 : memref<312x128xf32, #tpu.memory_space<hbm>>)
        tpu.yield
      }) : () -> ()
    } else {
    }
    %eq3A = arith.constant 15 : i32
    %eq3A_20 = arith.cmpi eq, %arg1, %eq3A : i32
    %convert_element_type3A_21 = arith.extui %eq3A_20 : i1 to i32
    %cond3A_22 = arith.constant 0 : i32
    %cond3A_23 = arith.cmpi ne, %convert_element_type3A_21, %cond3A_22 : i32
    scf.if %cond3A_23 {
      %add3A_50 = arith.constant 4680 : i32
      %add3A_51 = arith.addi %add3A_17, %add3A_50 : i32
      "tpu.region"() ({
        %run_scoped3A = tpu.sem_alloc : memref<!tpu.dma_semaphore, #tpu.memory_space<semaphore_mem>>
        %dma_start3A = arith.constant 0 : i32
        %dma_start3A_52 = tpu.memref_slice %arg6[%add3A_51, %dma_start3A] : memref<20000x128xf32, #tpu.memory_space<hbm>> -> memref<320x128xf32, #tpu.memory_space<hbm>>
        %dma_start3A_53 = arith.constant 4680 : i32
        %dma_start3A_54 = arith.constant 0 : i32
        %dma_start3A_55 = tpu.memref_slice %arg11[%dma_start3A_53, %dma_start3A_54] : memref<5248x128xf32, #tpu.memory_space<vmem_shared>> -> memref<320x128xf32, #tpu.memory_space<vmem_shared>>
        tpu.enqueue_dma source(%dma_start3A_55 : memref<320x128xf32, #tpu.memory_space<vmem_shared>>) target(%dma_start3A_52 : memref<320x128xf32, #tpu.memory_space<hbm>>) target_semaphore(%run_scoped3A : memref<!tpu.dma_semaphore, #tpu.memory_space<semaphore_mem>>)
        %dma_wait3A = arith.constant 0 : i32
        %dma_wait3A_56 = tpu.memref_slice %arg6[%add3A_51, %dma_wait3A] : memref<20000x128xf32, #tpu.memory_space<hbm>> -> memref<320x128xf32, #tpu.memory_space<hbm>>
        %dma_wait3A_57 = arith.constant 4680 : i32
        %dma_wait3A_58 = arith.constant 0 : i32
        %dma_wait3A_59 = tpu.memref_slice %arg11[%dma_wait3A_57, %dma_wait3A_58] : memref<5248x128xf32, #tpu.memory_space<vmem_shared>> -> memref<320x128xf32, #tpu.memory_space<vmem_shared>>
        tpu.wait_dma2 semaphore(%run_scoped3A : memref<!tpu.dma_semaphore, #tpu.memory_space<semaphore_mem>>) src(%dma_wait3A_59 : memref<320x128xf32, #tpu.memory_space<vmem_shared>>) dst(%dma_wait3A_56 : memref<320x128xf32, #tpu.memory_space<hbm>>)
        tpu.yield
      }) : () -> ()
    } else {
    }
    %barrier3A_24 = arith.constant 0 : index
    tpu.barrier barrier_id(%barrier3A_24)
    %mul3A_25 = arith.constant 328 : i32
    %mul3A_26 = arith.muli %arg1, %mul3A_25 : i32
    %mul3A_27 = arith.constant 328 : i32
    %mul3A_28 = arith.muli %arg1, %mul3A_27 : i32
    "tpu.region"() ({
      %run_scoped3A = tpu.sem_alloc : memref<!tpu.dma_semaphore, #tpu.memory_space<semaphore_mem>>
      %dma_start3A = arith.constant 0 : i32
      %dma_start3A_50 = tpu.memref_slice %arg11[%mul3A_28, %dma_start3A] : memref<5248x128xf32, #tpu.memory_space<vmem_shared>> -> memref<328x128xf32, #tpu.memory_space<vmem_shared>>
      %dma_start3A_51 = arith.constant 0 : i32
      %dma_start3A_52 = tpu.memref_slice %arg5[%mul3A_26, %dma_start3A_51] : memref<5248x128xf32, #tpu.memory_space<hbm>> -> memref<328x128xf32, #tpu.memory_space<hbm>>
      tpu.enqueue_dma source(%dma_start3A_52 : memref<328x128xf32, #tpu.memory_space<hbm>>) target(%dma_start3A_50 : memref<328x128xf32, #tpu.memory_space<vmem_shared>>) target_semaphore(%run_scoped3A : memref<!tpu.dma_semaphore, #tpu.memory_space<semaphore_mem>>)
      %dma_wait3A = arith.constant 0 : i32
      %dma_wait3A_53 = tpu.memref_slice %arg11[%mul3A_28, %dma_wait3A] : memref<5248x128xf32, #tpu.memory_space<vmem_shared>> -> memref<328x128xf32, #tpu.memory_space<vmem_shared>>
      %dma_wait3A_54 = arith.constant 0 : i32
      %dma_wait3A_55 = tpu.memref_slice %arg5[%mul3A_26, %dma_wait3A_54] : memref<5248x128xf32, #tpu.memory_space<hbm>> -> memref<328x128xf32, #tpu.memory_space<hbm>>
      tpu.wait_dma2 semaphore(%run_scoped3A : memref<!tpu.dma_semaphore, #tpu.memory_space<semaphore_mem>>) src(%dma_wait3A_55 : memref<328x128xf32, #tpu.memory_space<hbm>>) dst(%dma_wait3A_53 : memref<328x128xf32, #tpu.memory_space<vmem_shared>>)
      tpu.yield
    }) : () -> ()
    %barrier3A_29 = arith.constant 0 : index
    tpu.barrier barrier_id(%barrier3A_29)
    %scan3A_30 = arith.constant 0 : i32
    %scan3A_31 = arith.constant 0 : i32
    %scan3A_32 = arith.constant 158 : i32
    %scan3A_33 = arith.addi %scan3A_31, %scan3A_32 : i32
    %scan3A_34 = arith.constant 1 : i32
    scf.for %scan3A_50 = %scan3A_31 to %scan3A_33 step %scan3A_34  : i32 {
      %dma_start3A = arith.constant 0 : i32
      %dma_start3A_51 = tpu.memref_slice %arg7[%scan3A_50, %dma_start3A] : memref<158x128xi32, #tpu.memory_space<vmem>> -> memref<1x128xi32, #tpu.memory_space<vmem>>
      %dma_start3A_52 = tpu.memref_squeeze %dma_start3A_51 : memref<1x128xi32, #tpu.memory_space<vmem>> -> memref<128xi32, #tpu.memory_space<vmem>>
      %dma_start3A_53 = arith.constant 0 : i32
      %dma_start3A_54 = arith.constant 0 : i32
      %dma_start3A_55 = tpu.memref_slice %arg2[%dma_start3A_53, %dma_start3A_54] : memref<20000x128xf32, #tpu.memory_space<hbm>> -> memref<20000x128xf32, #tpu.memory_space<hbm>>
      tpu.enqueue_indirect_dma source(%dma_start3A_55 : memref<20000x128xf32, #tpu.memory_space<hbm>>) target(%arg10 : memref<128x128xf32, #tpu.memory_space<vmem>>) offsets(%dma_start3A_52 : memref<128xi32, #tpu.memory_space<vmem>>) semaphore(%arg12 : memref<!tpu.dma_semaphore, #tpu.memory_space<semaphore_mem>>)
      %dma_wait3A = arith.constant 0 : i32
      %dma_wait3A_56 = tpu.memref_slice %arg7[%scan3A_50, %dma_wait3A] : memref<158x128xi32, #tpu.memory_space<vmem>> -> memref<1x128xi32, #tpu.memory_space<vmem>>
      %dma_wait3A_57 = tpu.memref_squeeze %dma_wait3A_56 : memref<1x128xi32, #tpu.memory_space<vmem>> -> memref<128xi32, #tpu.memory_space<vmem>>
      %dma_wait3A_58 = arith.constant 0 : i32
      %dma_wait3A_59 = arith.constant 0 : i32
      %dma_wait3A_60 = tpu.memref_slice %arg2[%dma_wait3A_58, %dma_wait3A_59] : memref<20000x128xf32, #tpu.memory_space<hbm>> -> memref<20000x128xf32, #tpu.memory_space<hbm>>
      tpu.wait_indirect_dma semaphore(%arg12 : memref<!tpu.dma_semaphore, #tpu.memory_space<semaphore_mem>>) src(%dma_wait3A_60 : memref<20000x128xf32, #tpu.memory_space<hbm>>) dst(%arg10 : memref<128x128xf32, #tpu.memory_space<vmem>>)
      "tpu.region"() ({
        %run_scoped3A = tpu.sem_alloc : memref<!tpu.dma_semaphore, #tpu.memory_space<semaphore_mem>>
        %dma_start3A_61 = arith.constant 0 : i32
        %dma_start3A_62 = tpu.memref_slice %arg9[%scan3A_50, %dma_start3A_61] : memref<158x128xi32, #tpu.memory_space<vmem>> -> memref<1x128xi32, #tpu.memory_space<vmem>>
        %dma_start3A_63 = tpu.memref_squeeze %dma_start3A_62 : memref<1x128xi32, #tpu.memory_space<vmem>> -> memref<128xi32, #tpu.memory_space<vmem>>
        %dma_start3A_64 = arith.constant 0 : i32
        %dma_start3A_65 = arith.constant 0 : i32
        %dma_start3A_66 = tpu.memref_slice %arg11[%dma_start3A_64, %dma_start3A_65] : memref<5248x128xf32, #tpu.memory_space<vmem_shared>> -> memref<5248x128xf32, #tpu.memory_space<vmem_shared>>
        tpu.enqueue_indirect_dma source(%arg10 : memref<128x128xf32, #tpu.memory_space<vmem>>) target(%dma_start3A_66 : memref<5248x128xf32, #tpu.memory_space<vmem_shared>>) offsets(%dma_start3A_63 : memref<128xi32, #tpu.memory_space<vmem>>) semaphore(%run_scoped3A : memref<!tpu.dma_semaphore, #tpu.memory_space<semaphore_mem>>) {add = true}
        %dma_wait3A_67 = arith.constant 0 : i32
        %dma_wait3A_68 = tpu.memref_slice %arg9[%scan3A_50, %dma_wait3A_67] : memref<158x128xi32, #tpu.memory_space<vmem>> -> memref<1x128xi32, #tpu.memory_space<vmem>>
        %dma_wait3A_69 = tpu.memref_squeeze %dma_wait3A_68 : memref<1x128xi32, #tpu.memory_space<vmem>> -> memref<128xi32, #tpu.memory_space<vmem>>
        %dma_wait3A_70 = arith.constant 0 : i32
        %dma_wait3A_71 = arith.constant 0 : i32
        %dma_wait3A_72 = tpu.memref_slice %arg11[%dma_wait3A_70, %dma_wait3A_71] : memref<5248x128xf32, #tpu.memory_space<vmem_shared>> -> memref<5248x128xf32, #tpu.memory_space<vmem_shared>>
        tpu.wait_indirect_dma semaphore(%run_scoped3A : memref<!tpu.dma_semaphore, #tpu.memory_space<semaphore_mem>>) src(%arg10 : memref<128x128xf32, #tpu.memory_space<vmem>>) dst(%dma_wait3A_72 : memref<5248x128xf32, #tpu.memory_space<vmem_shared>>)
        tpu.yield
      }) : () -> ()
    }
    %scan3A_35 = arith.constant 158 : i32
    %barrier3A_36 = arith.constant 0 : index
    tpu.barrier barrier_id(%barrier3A_36)
    %add3A_37 = arith.constant 5000 : i32
    %add3A_38 = arith.addi %mul3A_0, %add3A_37 : i32
    %lt3A_39 = arith.constant 15 : i32
    %lt3A_40 = arith.cmpi slt, %arg1, %lt3A_39 : i32
    %convert_element_type3A_41 = arith.extui %lt3A_40 : i1 to i32
    %cond3A_42 = arith.constant 0 : i32
    %cond3A_43 = arith.cmpi ne, %convert_element_type3A_41, %cond3A_42 : i32
    scf.if %cond3A_43 {
      %mul3A_50 = arith.constant 312 : i32
      %mul3A_51 = arith.muli %arg1, %mul3A_50 : i32
      %mul3A_52 = arith.constant 312 : i32
      %mul3A_53 = arith.muli %arg1, %mul3A_52 : i32
      %add3A_54 = arith.addi %add3A_38, %mul3A_53 : i32
      "tpu.region"() ({
        %run_scoped3A = tpu.sem_alloc : memref<!tpu.dma_semaphore, #tpu.memory_space<semaphore_mem>>
        %dma_start3A = arith.constant 0 : i32
        %dma_start3A_55 = tpu.memref_slice %arg6[%add3A_54, %dma_start3A] : memref<20000x128xf32, #tpu.memory_space<hbm>> -> memref<312x128xf32, #tpu.memory_space<hbm>>
        %dma_start3A_56 = arith.constant 0 : i32
        %dma_start3A_57 = tpu.memref_slice %arg11[%mul3A_51, %dma_start3A_56] : memref<5248x128xf32, #tpu.memory_space<vmem_shared>> -> memref<312x128xf32, #tpu.memory_space<vmem_shared>>
        tpu.enqueue_dma source(%dma_start3A_57 : memref<312x128xf32, #tpu.memory_space<vmem_shared>>) target(%dma_start3A_55 : memref<312x128xf32, #tpu.memory_space<hbm>>) target_semaphore(%run_scoped3A : memref<!tpu.dma_semaphore, #tpu.memory_space<semaphore_mem>>)
        %dma_wait3A = arith.constant 0 : i32
        %dma_wait3A_58 = tpu.memref_slice %arg6[%add3A_54, %dma_wait3A] : memref<20000x128xf32, #tpu.memory_space<hbm>> -> memref<312x128xf32, #tpu.memory_space<hbm>>
        %dma_wait3A_59 = arith.constant 0 : i32
        %dma_wait3A_60 = tpu.memref_slice %arg11[%mul3A_51, %dma_wait3A_59] : memref<5248x128xf32, #tpu.memory_space<vmem_shared>> -> memref<312x128xf32, #tpu.memory_space<vmem_shared>>
        tpu.wait_dma2 semaphore(%run_scoped3A : memref<!tpu.dma_semaphore, #tpu.memory_space<semaphore_mem>>) src(%dma_wait3A_60 : memref<312x128xf32, #tpu.memory_space<vmem_shared>>) dst(%dma_wait3A_58 : memref<312x128xf32, #tpu.memory_space<hbm>>)
        tpu.yield
      }) : () -> ()
    } else {
    }
    %eq3A_44 = arith.constant 15 : i32
    %eq3A_45 = arith.cmpi eq, %arg1, %eq3A_44 : i32
    %convert_element_type3A_46 = arith.extui %eq3A_45 : i1 to i32
    %cond3A_47 = arith.constant 0 : i32
    %cond3A_48 = arith.cmpi ne, %convert_element_type3A_46, %cond3A_47 : i32
    scf.if %cond3A_48 {
      %add3A_50 = arith.constant 4680 : i32
      %add3A_51 = arith.addi %add3A_38, %add3A_50 : i32
      "tpu.region"() ({
        %run_scoped3A = tpu.sem_alloc : memref<!tpu.dma_semaphore, #tpu.memory_space<semaphore_mem>>
        %dma_start3A = arith.constant 0 : i32
        %dma_start3A_52 = tpu.memref_slice %arg6[%add3A_51, %dma_start3A] : memref<20000x128xf32, #tpu.memory_space<hbm>> -> memref<320x128xf32, #tpu.memory_space<hbm>>
        %dma_start3A_53 = arith.constant 4680 : i32
        %dma_start3A_54 = arith.constant 0 : i32
        %dma_start3A_55 = tpu.memref_slice %arg11[%dma_start3A_53, %dma_start3A_54] : memref<5248x128xf32, #tpu.memory_space<vmem_shared>> -> memref<320x128xf32, #tpu.memory_space<vmem_shared>>
        tpu.enqueue_dma source(%dma_start3A_55 : memref<320x128xf32, #tpu.memory_space<vmem_shared>>) target(%dma_start3A_52 : memref<320x128xf32, #tpu.memory_space<hbm>>) target_semaphore(%run_scoped3A : memref<!tpu.dma_semaphore, #tpu.memory_space<semaphore_mem>>)
        %dma_wait3A = arith.constant 0 : i32
        %dma_wait3A_56 = tpu.memref_slice %arg6[%add3A_51, %dma_wait3A] : memref<20000x128xf32, #tpu.memory_space<hbm>> -> memref<320x128xf32, #tpu.memory_space<hbm>>
        %dma_wait3A_57 = arith.constant 4680 : i32
        %dma_wait3A_58 = arith.constant 0 : i32
        %dma_wait3A_59 = tpu.memref_slice %arg11[%dma_wait3A_57, %dma_wait3A_58] : memref<5248x128xf32, #tpu.memory_space<vmem_shared>> -> memref<320x128xf32, #tpu.memory_space<vmem_shared>>
        tpu.wait_dma2 semaphore(%run_scoped3A : memref<!tpu.dma_semaphore, #tpu.memory_space<semaphore_mem>>) src(%dma_wait3A_59 : memref<320x128xf32, #tpu.memory_space<vmem_shared>>) dst(%dma_wait3A_56 : memref<320x128xf32, #tpu.memory_space<hbm>>)
        tpu.yield
      }) : () -> ()
    } else {
    }
    %barrier3A_49 = arith.constant 0 : index
    tpu.barrier barrier_id(%barrier3A_49)
    return
  }
}

#map = affine_map<(d0, d1) -> (0, 0)>
#map1 = affine_map<(d0, d1) -> (0, 0, 0)>
module attributes {stable_mosaic.version = 14 : i64} {
  func.func @_sc_agg_body(%arg0: i32, %arg1: i32, %arg2: memref<20000x128xf32, #tpu.memory_space<hbm>>, %arg3: memref<16x158x128xi32, #tpu.memory_space<hbm>>, %arg4: memref<16x158x128xi32, #tpu.memory_space<hbm>>, %arg5: memref<5248x128xf32, #tpu.memory_space<hbm>>, %arg6: memref<20000x128xf32, #tpu.memory_space<hbm>>, %arg7: memref<158x128xi32, #tpu.memory_space<vmem>>, %arg8: memref<158x128xi32, #tpu.memory_space<vmem>>, %arg9: memref<158x128xi32, #tpu.memory_space<vmem>>, %arg10: memref<128x128xf32, #tpu.memory_space<vmem>>, %arg11: memref<5248x128xf32, #tpu.memory_space<vmem_shared>>, %arg12: memref<!tpu.dma_semaphore, #tpu.memory_space<semaphore_mem>>) attributes {dimension_semantics = [#tpu.dimension_semantics<core_parallel>, #tpu.dimension_semantics<subcore_parallel>], iteration_bounds = array<i64: 2, 16>, scalar_prefetch = 0 : i64, scratch_operands = 6 : i64, tpu.core_type = #tpu.core_type<sc_vector_subcore>, window_params = [{transform_indices = #map}, {transform_indices = #map1}, {transform_indices = #map1}, {transform_indices = #map}, {transform_indices = #map}]} {
    %mul3A = arith.constant 10000 : i32
    %mul3A_0 = arith.muli %arg0, %mul3A : i32
    "tpu.region"() ({
      %run_scoped3A = tpu.sem_alloc : memref<!tpu.dma_semaphore, #tpu.memory_space<semaphore_mem>>
      %dma_start3A = arith.constant 0 : i32
      %dma_start3A_50 = arith.constant 0 : i32
      %dma_start3A_51 = tpu.memref_slice %arg3[%arg1, %dma_start3A, %dma_start3A_50] : memref<16x158x128xi32, #tpu.memory_space<hbm>> -> memref<1x158x128xi32, #tpu.memory_space<hbm>>
      %dma_start3A_52 = tpu.memref_squeeze %dma_start3A_51 : memref<1x158x128xi32, #tpu.memory_space<hbm>> -> memref<158x128xi32, #tpu.memory_space<hbm>>
      %dma_start3A_53 = arith.constant 0 : i32
      %dma_start3A_54 = arith.constant 0 : i32
      %dma_start3A_55 = tpu.memref_slice %arg3[%arg1, %dma_start3A_53, %dma_start3A_54] : memref<16x158x128xi32, #tpu.memory_space<hbm>> -> memref<1x158x128xi32, #tpu.memory_space<hbm>>
      %dma_start3A_56 = tpu.memref_squeeze %dma_start3A_55 : memref<1x158x128xi32, #tpu.memory_space<hbm>> -> memref<158x128xi32, #tpu.memory_space<hbm>>
      tpu.enqueue_dma source(%dma_start3A_56 : memref<158x128xi32, #tpu.memory_space<hbm>>) target(%arg7 : memref<158x128xi32, #tpu.memory_space<vmem>>) target_semaphore(%run_scoped3A : memref<!tpu.dma_semaphore, #tpu.memory_space<semaphore_mem>>)
      %dma_wait3A = arith.constant 0 : i32
      %dma_wait3A_57 = arith.constant 0 : i32
      %dma_wait3A_58 = tpu.memref_slice %arg3[%arg1, %dma_wait3A, %dma_wait3A_57] : memref<16x158x128xi32, #tpu.memory_space<hbm>> -> memref<1x158x128xi32, #tpu.memory_space<hbm>>
      %dma_wait3A_59 = tpu.memref_squeeze %dma_wait3A_58 : memref<1x158x128xi32, #tpu.memory_space<hbm>> -> memref<158x128xi32, #tpu.memory_space<hbm>>
      %dma_wait3A_60 = arith.constant 0 : i32
      %dma_wait3A_61 = arith.constant 0 : i32
      %dma_wait3A_62 = tpu.memref_slice %arg3[%arg1, %dma_wait3A_60, %dma_wait3A_61] : memref<16x158x128xi32, #tpu.memory_space<hbm>> -> memref<1x158x128xi32, #tpu.memory_space<hbm>>
      %dma_wait3A_63 = tpu.memref_squeeze %dma_wait3A_62 : memref<1x158x128xi32, #tpu.memory_space<hbm>> -> memref<158x128xi32, #tpu.memory_space<hbm>>
      tpu.wait_dma2 semaphore(%run_scoped3A : memref<!tpu.dma_semaphore, #tpu.memory_space<semaphore_mem>>) src(%dma_wait3A_63 : memref<158x128xi32, #tpu.memory_space<hbm>>) dst(%arg7 : memref<158x128xi32, #tpu.memory_space<vmem>>)
      tpu.yield
    }) : () -> ()
    "tpu.region"() ({
      %run_scoped3A = tpu.sem_alloc : memref<!tpu.dma_semaphore, #tpu.memory_space<semaphore_mem>>
      %dma_start3A = arith.constant 0 : i32
      %dma_start3A_50 = arith.constant 0 : i32
      %dma_start3A_51 = tpu.memref_slice %arg4[%arg1, %dma_start3A, %dma_start3A_50] : memref<16x158x128xi32, #tpu.memory_space<hbm>> -> memref<1x158x128xi32, #tpu.memory_space<hbm>>
      %dma_start3A_52 = tpu.memref_squeeze %dma_start3A_51 : memref<1x158x128xi32, #tpu.memory_space<hbm>> -> memref<158x128xi32, #tpu.memory_space<hbm>>
      %dma_start3A_53 = arith.constant 0 : i32
      %dma_start3A_54 = arith.constant 0 : i32
      %dma_start3A_55 = tpu.memref_slice %arg4[%arg1, %dma_start3A_53, %dma_start3A_54] : memref<16x158x128xi32, #tpu.memory_space<hbm>> -> memref<1x158x128xi32, #tpu.memory_space<hbm>>
      %dma_start3A_56 = tpu.memref_squeeze %dma_start3A_55 : memref<1x158x128xi32, #tpu.memory_space<hbm>> -> memref<158x128xi32, #tpu.memory_space<hbm>>
      tpu.enqueue_dma source(%dma_start3A_56 : memref<158x128xi32, #tpu.memory_space<hbm>>) target(%arg8 : memref<158x128xi32, #tpu.memory_space<vmem>>) target_semaphore(%run_scoped3A : memref<!tpu.dma_semaphore, #tpu.memory_space<semaphore_mem>>)
      %dma_wait3A = arith.constant 0 : i32
      %dma_wait3A_57 = arith.constant 0 : i32
      %dma_wait3A_58 = tpu.memref_slice %arg4[%arg1, %dma_wait3A, %dma_wait3A_57] : memref<16x158x128xi32, #tpu.memory_space<hbm>> -> memref<1x158x128xi32, #tpu.memory_space<hbm>>
      %dma_wait3A_59 = tpu.memref_squeeze %dma_wait3A_58 : memref<1x158x128xi32, #tpu.memory_space<hbm>> -> memref<158x128xi32, #tpu.memory_space<hbm>>
      %dma_wait3A_60 = arith.constant 0 : i32
      %dma_wait3A_61 = arith.constant 0 : i32
      %dma_wait3A_62 = tpu.memref_slice %arg4[%arg1, %dma_wait3A_60, %dma_wait3A_61] : memref<16x158x128xi32, #tpu.memory_space<hbm>> -> memref<1x158x128xi32, #tpu.memory_space<hbm>>
      %dma_wait3A_63 = tpu.memref_squeeze %dma_wait3A_62 : memref<1x158x128xi32, #tpu.memory_space<hbm>> -> memref<158x128xi32, #tpu.memory_space<hbm>>
      tpu.wait_dma2 semaphore(%run_scoped3A : memref<!tpu.dma_semaphore, #tpu.memory_space<semaphore_mem>>) src(%dma_wait3A_63 : memref<158x128xi32, #tpu.memory_space<hbm>>) dst(%arg8 : memref<158x128xi32, #tpu.memory_space<vmem>>)
      tpu.yield
    }) : () -> ()
    %iota3A = tpu.iota {dimensions = array<i32: 0>} : vector<16xi32>
    %scan3A = arith.constant 0 : i32
    %scan3A_1 = arith.constant 0 : i32
    %scan3A_2 = arith.constant 158 : i32
    %scan3A_3 = arith.addi %scan3A_1, %scan3A_2 : i32
    %scan3A_4 = arith.constant 1 : i32
    scf.for %scan3A_50 = %scan3A_1 to %scan3A_3 step %scan3A_4  : i32 {
      %add3A_51 = arith.constant 5000 : i32
      %add3A_52 = vector.broadcast %add3A_51 : i32 to vector<16xi32>
      %add3A_53 = arith.addi %add3A_52, %iota3A : vector<16xi32>
      %add3A_54 = arith.constant 0 : i32
      %add3A_55 = vector.broadcast %add3A_54 : i32 to vector<16xi32>
      %add3A_56 = arith.addi %add3A_53, %add3A_55 : vector<16xi32>
      %get3A = arith.index_cast %scan3A_50 : i32 to index
      %get3A_57 = arith.constant 0 : index
      %get3A_58 = tpu.vector_load %arg8[%get3A, %get3A_57] {strides = array<i32>} : memref<158x128xi32, #tpu.memory_space<vmem>>, vector<1x16xi32>,
      %get3A_59 = vector.shape_cast %get3A_58 : vector<1x16xi32> to vector<16xi32>
      %sub3A = arith.constant 5000 : i32
      %sub3A_60 = vector.broadcast %sub3A : i32 to vector<16xi32>
      %sub3A_61 = arith.subi %get3A_59, %sub3A_60 : vector<16xi32>
      %lt3A_62 = arith.constant 5000 : i32
      %lt3A_63 = vector.broadcast %lt3A_62 : i32 to vector<16xi32>
      %lt3A_64 = arith.cmpi slt, %get3A_59, %lt3A_63 : vector<16xi32>
      %select_n3A = arith.select %lt3A_64, %get3A_59, %add3A_56 : vector<16xi1>, vector<16xi32>
      %swap3A = arith.index_cast %scan3A_50 : i32 to index
      %swap3A_65 = arith.constant 0 : index
      %swap3A_66 = tpu.vector_load %arg8[%swap3A, %swap3A_65] {strides = array<i32>} : memref<158x128xi32, #tpu.memory_space<vmem>>, vector<1x16xi32>,
      %swap3A_67 = vector.shape_cast %swap3A_66 : vector<1x16xi32> to vector<16xi32>
      %swap3A_68 = vector.shape_cast %select_n3A : vector<16xi32> to vector<1x16xi32>
      tpu.vector_store %arg8[%swap3A, %swap3A_65], %swap3A_68 {strides = array<i32>} : memref<158x128xi32, #tpu.memory_space<vmem>>, vector<1x16xi32>,
      %ge3A = arith.constant 0 : i32
      %ge3A_69 = vector.broadcast %ge3A : i32 to vector<16xi32>
      %ge3A_70 = arith.cmpi sge, %sub3A_61, %ge3A_69 : vector<16xi32>
      %select_n3A_71 = arith.select %ge3A_70, %sub3A_61, %add3A_56 : vector<16xi1>, vector<16xi32>
      %swap3A_72 = arith.index_cast %scan3A_50 : i32 to index
      %swap3A_73 = arith.constant 0 : index
      %swap3A_74 = tpu.vector_load %arg9[%swap3A_72, %swap3A_73] {strides = array<i32>} : memref<158x128xi32, #tpu.memory_space<vmem>>, vector<1x16xi32>,
      %swap3A_75 = vector.shape_cast %swap3A_74 : vector<1x16xi32> to vector<16xi32>
      %swap3A_76 = vector.shape_cast %select_n3A_71 : vector<16xi32> to vector<1x16xi32>
      tpu.vector_store %arg9[%swap3A_72, %swap3A_73], %swap3A_76 {strides = array<i32>} : memref<158x128xi32, #tpu.memory_space<vmem>>, vector<1x16xi32>,
      %get3A_77 = arith.index_cast %scan3A_50 : i32 to index
      %get3A_78 = arith.constant 0 : index
      %get3A_79 = tpu.vector_load %arg7[%get3A_77, %get3A_78] {strides = array<i32>} : memref<158x128xi32, #tpu.memory_space<vmem>>, vector<1x16xi32>,
      %get3A_80 = vector.shape_cast %get3A_79 : vector<1x16xi32> to vector<16xi32>
      %add3A_81 = vector.broadcast %mul3A_0 : i32 to vector<16xi32>
      %add3A_82 = arith.addi %get3A_80, %add3A_81 : vector<16xi32>
      %swap3A_83 = arith.index_cast %scan3A_50 : i32 to index
      %swap3A_84 = arith.constant 0 : index
      %swap3A_85 = tpu.vector_load %arg7[%swap3A_83, %swap3A_84] {strides = array<i32>} : memref<158x128xi32, #tpu.memory_space<vmem>>, vector<1x16xi32>,
      %swap3A_86 = vector.shape_cast %swap3A_85 : vector<1x16xi32> to vector<16xi32>
      %swap3A_87 = vector.shape_cast %add3A_82 : vector<16xi32> to vector<1x16xi32>
      tpu.vector_store %arg7[%swap3A_83, %swap3A_84], %swap3A_87 {strides = array<i32>} : memref<158x128xi32, #tpu.memory_space<vmem>>, vector<1x16xi32>,
      %add3A_88 = arith.constant 5000 : i32
      %add3A_89 = vector.broadcast %add3A_88 : i32 to vector<16xi32>
      %add3A_90 = arith.addi %add3A_89, %iota3A : vector<16xi32>
      %add3A_91 = arith.constant 16 : i32
      %add3A_92 = vector.broadcast %add3A_91 : i32 to vector<16xi32>
      %add3A_93 = arith.addi %add3A_90, %add3A_92 : vector<16xi32>
      %get3A_94 = arith.index_cast %scan3A_50 : i32 to index
      %get3A_95 = arith.constant 16 : index
      %get3A_96 = tpu.vector_load %arg8[%get3A_94, %get3A_95] {strides = array<i32>} : memref<158x128xi32, #tpu.memory_space<vmem>>, vector<1x16xi32>,
      %get3A_97 = vector.shape_cast %get3A_96 : vector<1x16xi32> to vector<16xi32>
      %sub3A_98 = arith.constant 5000 : i32
      %sub3A_99 = vector.broadcast %sub3A_98 : i32 to vector<16xi32>
      %sub3A_100 = arith.subi %get3A_97, %sub3A_99 : vector<16xi32>
      %lt3A_101 = arith.constant 5000 : i32
      %lt3A_102 = vector.broadcast %lt3A_101 : i32 to vector<16xi32>
      %lt3A_103 = arith.cmpi slt, %get3A_97, %lt3A_102 : vector<16xi32>
      %select_n3A_104 = arith.select %lt3A_103, %get3A_97, %add3A_93 : vector<16xi1>, vector<16xi32>
      %swap3A_105 = arith.index_cast %scan3A_50 : i32 to index
      %swap3A_106 = arith.constant 16 : index
      %swap3A_107 = tpu.vector_load %arg8[%swap3A_105, %swap3A_106] {strides = array<i32>} : memref<158x128xi32, #tpu.memory_space<vmem>>, vector<1x16xi32>,
      %swap3A_108 = vector.shape_cast %swap3A_107 : vector<1x16xi32> to vector<16xi32>
      %swap3A_109 = vector.shape_cast %select_n3A_104 : vector<16xi32> to vector<1x16xi32>
      tpu.vector_store %arg8[%swap3A_105, %swap3A_106], %swap3A_109 {strides = array<i32>} : memref<158x128xi32, #tpu.memory_space<vmem>>, vector<1x16xi32>,
      %ge3A_110 = arith.constant 0 : i32
      %ge3A_111 = vector.broadcast %ge3A_110 : i32 to vector<16xi32>
      %ge3A_112 = arith.cmpi sge, %sub3A_100, %ge3A_111 : vector<16xi32>
      %select_n3A_113 = arith.select %ge3A_112, %sub3A_100, %add3A_93 : vector<16xi1>, vector<16xi32>
      %swap3A_114 = arith.index_cast %scan3A_50 : i32 to index
      %swap3A_115 = arith.constant 16 : index
      %swap3A_116 = tpu.vector_load %arg9[%swap3A_114, %swap3A_115] {strides = array<i32>} : memref<158x128xi32, #tpu.memory_space<vmem>>, vector<1x16xi32>,
      %swap3A_117 = vector.shape_cast %swap3A_116 : vector<1x16xi32> to vector<16xi32>
      %swap3A_118 = vector.shape_cast %select_n3A_113 : vector<16xi32> to vector<1x16xi32>
      tpu.vector_store %arg9[%swap3A_114, %swap3A_115], %swap3A_118 {strides = array<i32>} : memref<158x128xi32, #tpu.memory_space<vmem>>, vector<1x16xi32>,
      %get3A_119 = arith.index_cast %scan3A_50 : i32 to index
      %get3A_120 = arith.constant 16 : index
      %get3A_121 = tpu.vector_load %arg7[%get3A_119, %get3A_120] {strides = array<i32>} : memref<158x128xi32, #tpu.memory_space<vmem>>, vector<1x16xi32>,
      %get3A_122 = vector.shape_cast %get3A_121 : vector<1x16xi32> to vector<16xi32>
      %add3A_123 = vector.broadcast %mul3A_0 : i32 to vector<16xi32>
      %add3A_124 = arith.addi %get3A_122, %add3A_123 : vector<16xi32>
      %swap3A_125 = arith.index_cast %scan3A_50 : i32 to index
      %swap3A_126 = arith.constant 16 : index
      %swap3A_127 = tpu.vector_load %arg7[%swap3A_125, %swap3A_126] {strides = array<i32>} : memref<158x128xi32, #tpu.memory_space<vmem>>, vector<1x16xi32>,
      %swap3A_128 = vector.shape_cast %swap3A_127 : vector<1x16xi32> to vector<16xi32>
      %swap3A_129 = vector.shape_cast %add3A_124 : vector<16xi32> to vector<1x16xi32>
      tpu.vector_store %arg7[%swap3A_125, %swap3A_126], %swap3A_129 {strides = array<i32>} : memref<158x128xi32, #tpu.memory_space<vmem>>, vector<1x16xi32>,
      %add3A_130 = arith.constant 5000 : i32
      %add3A_131 = vector.broadcast %add3A_130 : i32 to vector<16xi32>
      %add3A_132 = arith.addi %add3A_131, %iota3A : vector<16xi32>
      %add3A_133 = arith.constant 32 : i32
      %add3A_134 = vector.broadcast %add3A_133 : i32 to vector<16xi32>
      %add3A_135 = arith.addi %add3A_132, %add3A_134 : vector<16xi32>
      %get3A_136 = arith.index_cast %scan3A_50 : i32 to index
      %get3A_137 = arith.constant 32 : index
      %get3A_138 = tpu.vector_load %arg8[%get3A_136, %get3A_137] {strides = array<i32>} : memref<158x128xi32, #tpu.memory_space<vmem>>, vector<1x16xi32>,
      %get3A_139 = vector.shape_cast %get3A_138 : vector<1x16xi32> to vector<16xi32>
      %sub3A_140 = arith.constant 5000 : i32
      %sub3A_141 = vector.broadcast %sub3A_140 : i32 to vector<16xi32>
      %sub3A_142 = arith.subi %get3A_139, %sub3A_141 : vector<16xi32>
      %lt3A_143 = arith.constant 5000 : i32
      %lt3A_144 = vector.broadcast %lt3A_143 : i32 to vector<16xi32>
      %lt3A_145 = arith.cmpi slt, %get3A_139, %lt3A_144 : vector<16xi32>
      %select_n3A_146 = arith.select %lt3A_145, %get3A_139, %add3A_135 : vector<16xi1>, vector<16xi32>
      %swap3A_147 = arith.index_cast %scan3A_50 : i32 to index
      %swap3A_148 = arith.constant 32 : index
      %swap3A_149 = tpu.vector_load %arg8[%swap3A_147, %swap3A_148] {strides = array<i32>} : memref<158x128xi32, #tpu.memory_space<vmem>>, vector<1x16xi32>,
      %swap3A_150 = vector.shape_cast %swap3A_149 : vector<1x16xi32> to vector<16xi32>
      %swap3A_151 = vector.shape_cast %select_n3A_146 : vector<16xi32> to vector<1x16xi32>
      tpu.vector_store %arg8[%swap3A_147, %swap3A_148], %swap3A_151 {strides = array<i32>} : memref<158x128xi32, #tpu.memory_space<vmem>>, vector<1x16xi32>,
      %ge3A_152 = arith.constant 0 : i32
      %ge3A_153 = vector.broadcast %ge3A_152 : i32 to vector<16xi32>
      %ge3A_154 = arith.cmpi sge, %sub3A_142, %ge3A_153 : vector<16xi32>
      %select_n3A_155 = arith.select %ge3A_154, %sub3A_142, %add3A_135 : vector<16xi1>, vector<16xi32>
      %swap3A_156 = arith.index_cast %scan3A_50 : i32 to index
      %swap3A_157 = arith.constant 32 : index
      %swap3A_158 = tpu.vector_load %arg9[%swap3A_156, %swap3A_157] {strides = array<i32>} : memref<158x128xi32, #tpu.memory_space<vmem>>, vector<1x16xi32>,
      %swap3A_159 = vector.shape_cast %swap3A_158 : vector<1x16xi32> to vector<16xi32>
      %swap3A_160 = vector.shape_cast %select_n3A_155 : vector<16xi32> to vector<1x16xi32>
      tpu.vector_store %arg9[%swap3A_156, %swap3A_157], %swap3A_160 {strides = array<i32>} : memref<158x128xi32, #tpu.memory_space<vmem>>, vector<1x16xi32>,
      %get3A_161 = arith.index_cast %scan3A_50 : i32 to index
      %get3A_162 = arith.constant 32 : index
      %get3A_163 = tpu.vector_load %arg7[%get3A_161, %get3A_162] {strides = array<i32>} : memref<158x128xi32, #tpu.memory_space<vmem>>, vector<1x16xi32>,
      %get3A_164 = vector.shape_cast %get3A_163 : vector<1x16xi32> to vector<16xi32>
      %add3A_165 = vector.broadcast %mul3A_0 : i32 to vector<16xi32>
      %add3A_166 = arith.addi %get3A_164, %add3A_165 : vector<16xi32>
      %swap3A_167 = arith.index_cast %scan3A_50 : i32 to index
      %swap3A_168 = arith.constant 32 : index
      %swap3A_169 = tpu.vector_load %arg7[%swap3A_167, %swap3A_168] {strides = array<i32>} : memref<158x128xi32, #tpu.memory_space<vmem>>, vector<1x16xi32>,
      %swap3A_170 = vector.shape_cast %swap3A_169 : vector<1x16xi32> to vector<16xi32>
      %swap3A_171 = vector.shape_cast %add3A_166 : vector<16xi32> to vector<1x16xi32>
      tpu.vector_store %arg7[%swap3A_167, %swap3A_168], %swap3A_171 {strides = array<i32>} : memref<158x128xi32, #tpu.memory_space<vmem>>, vector<1x16xi32>,
      %add3A_172 = arith.constant 5000 : i32
      %add3A_173 = vector.broadcast %add3A_172 : i32 to vector<16xi32>
      %add3A_174 = arith.addi %add3A_173, %iota3A : vector<16xi32>
      %add3A_175 = arith.constant 48 : i32
      %add3A_176 = vector.broadcast %add3A_175 : i32 to vector<16xi32>
      %add3A_177 = arith.addi %add3A_174, %add3A_176 : vector<16xi32>
      %get3A_178 = arith.index_cast %scan3A_50 : i32 to index
      %get3A_179 = arith.constant 48 : index
      %get3A_180 = tpu.vector_load %arg8[%get3A_178, %get3A_179] {strides = array<i32>} : memref<158x128xi32, #tpu.memory_space<vmem>>, vector<1x16xi32>,
      %get3A_181 = vector.shape_cast %get3A_180 : vector<1x16xi32> to vector<16xi32>
      %sub3A_182 = arith.constant 5000 : i32
      %sub3A_183 = vector.broadcast %sub3A_182 : i32 to vector<16xi32>
      %sub3A_184 = arith.subi %get3A_181, %sub3A_183 : vector<16xi32>
      %lt3A_185 = arith.constant 5000 : i32
      %lt3A_186 = vector.broadcast %lt3A_185 : i32 to vector<16xi32>
      %lt3A_187 = arith.cmpi slt, %get3A_181, %lt3A_186 : vector<16xi32>
      %select_n3A_188 = arith.select %lt3A_187, %get3A_181, %add3A_177 : vector<16xi1>, vector<16xi32>
      %swap3A_189 = arith.index_cast %scan3A_50 : i32 to index
      %swap3A_190 = arith.constant 48 : index
      %swap3A_191 = tpu.vector_load %arg8[%swap3A_189, %swap3A_190] {strides = array<i32>} : memref<158x128xi32, #tpu.memory_space<vmem>>, vector<1x16xi32>,
      %swap3A_192 = vector.shape_cast %swap3A_191 : vector<1x16xi32> to vector<16xi32>
      %swap3A_193 = vector.shape_cast %select_n3A_188 : vector<16xi32> to vector<1x16xi32>
      tpu.vector_store %arg8[%swap3A_189, %swap3A_190], %swap3A_193 {strides = array<i32>} : memref<158x128xi32, #tpu.memory_space<vmem>>, vector<1x16xi32>,
      %ge3A_194 = arith.constant 0 : i32
      %ge3A_195 = vector.broadcast %ge3A_194 : i32 to vector<16xi32>
      %ge3A_196 = arith.cmpi sge, %sub3A_184, %ge3A_195 : vector<16xi32>
      %select_n3A_197 = arith.select %ge3A_196, %sub3A_184, %add3A_177 : vector<16xi1>, vector<16xi32>
      %swap3A_198 = arith.index_cast %scan3A_50 : i32 to index
      %swap3A_199 = arith.constant 48 : index
      %swap3A_200 = tpu.vector_load %arg9[%swap3A_198, %swap3A_199] {strides = array<i32>} : memref<158x128xi32, #tpu.memory_space<vmem>>, vector<1x16xi32>,
      %swap3A_201 = vector.shape_cast %swap3A_200 : vector<1x16xi32> to vector<16xi32>
      %swap3A_202 = vector.shape_cast %select_n3A_197 : vector<16xi32> to vector<1x16xi32>
      tpu.vector_store %arg9[%swap3A_198, %swap3A_199], %swap3A_202 {strides = array<i32>} : memref<158x128xi32, #tpu.memory_space<vmem>>, vector<1x16xi32>,
      %get3A_203 = arith.index_cast %scan3A_50 : i32 to index
      %get3A_204 = arith.constant 48 : index
      %get3A_205 = tpu.vector_load %arg7[%get3A_203, %get3A_204] {strides = array<i32>} : memref<158x128xi32, #tpu.memory_space<vmem>>, vector<1x16xi32>,
      %get3A_206 = vector.shape_cast %get3A_205 : vector<1x16xi32> to vector<16xi32>
      %add3A_207 = vector.broadcast %mul3A_0 : i32 to vector<16xi32>
      %add3A_208 = arith.addi %get3A_206, %add3A_207 : vector<16xi32>
      %swap3A_209 = arith.index_cast %scan3A_50 : i32 to index
      %swap3A_210 = arith.constant 48 : index
      %swap3A_211 = tpu.vector_load %arg7[%swap3A_209, %swap3A_210] {strides = array<i32>} : memref<158x128xi32, #tpu.memory_space<vmem>>, vector<1x16xi32>,
      %swap3A_212 = vector.shape_cast %swap3A_211 : vector<1x16xi32> to vector<16xi32>
      %swap3A_213 = vector.shape_cast %add3A_208 : vector<16xi32> to vector<1x16xi32>
      tpu.vector_store %arg7[%swap3A_209, %swap3A_210], %swap3A_213 {strides = array<i32>} : memref<158x128xi32, #tpu.memory_space<vmem>>, vector<1x16xi32>,
      %add3A_214 = arith.constant 5000 : i32
      %add3A_215 = vector.broadcast %add3A_214 : i32 to vector<16xi32>
      %add3A_216 = arith.addi %add3A_215, %iota3A : vector<16xi32>
      %add3A_217 = arith.constant 64 : i32
      %add3A_218 = vector.broadcast %add3A_217 : i32 to vector<16xi32>
      %add3A_219 = arith.addi %add3A_216, %add3A_218 : vector<16xi32>
      %get3A_220 = arith.index_cast %scan3A_50 : i32 to index
      %get3A_221 = arith.constant 64 : index
      %get3A_222 = tpu.vector_load %arg8[%get3A_220, %get3A_221] {strides = array<i32>} : memref<158x128xi32, #tpu.memory_space<vmem>>, vector<1x16xi32>,
      %get3A_223 = vector.shape_cast %get3A_222 : vector<1x16xi32> to vector<16xi32>
      %sub3A_224 = arith.constant 5000 : i32
      %sub3A_225 = vector.broadcast %sub3A_224 : i32 to vector<16xi32>
      %sub3A_226 = arith.subi %get3A_223, %sub3A_225 : vector<16xi32>
      %lt3A_227 = arith.constant 5000 : i32
      %lt3A_228 = vector.broadcast %lt3A_227 : i32 to vector<16xi32>
      %lt3A_229 = arith.cmpi slt, %get3A_223, %lt3A_228 : vector<16xi32>
      %select_n3A_230 = arith.select %lt3A_229, %get3A_223, %add3A_219 : vector<16xi1>, vector<16xi32>
      %swap3A_231 = arith.index_cast %scan3A_50 : i32 to index
      %swap3A_232 = arith.constant 64 : index
      %swap3A_233 = tpu.vector_load %arg8[%swap3A_231, %swap3A_232] {strides = array<i32>} : memref<158x128xi32, #tpu.memory_space<vmem>>, vector<1x16xi32>,
      %swap3A_234 = vector.shape_cast %swap3A_233 : vector<1x16xi32> to vector<16xi32>
      %swap3A_235 = vector.shape_cast %select_n3A_230 : vector<16xi32> to vector<1x16xi32>
      tpu.vector_store %arg8[%swap3A_231, %swap3A_232], %swap3A_235 {strides = array<i32>} : memref<158x128xi32, #tpu.memory_space<vmem>>, vector<1x16xi32>,
      %ge3A_236 = arith.constant 0 : i32
      %ge3A_237 = vector.broadcast %ge3A_236 : i32 to vector<16xi32>
      %ge3A_238 = arith.cmpi sge, %sub3A_226, %ge3A_237 : vector<16xi32>
      %select_n3A_239 = arith.select %ge3A_238, %sub3A_226, %add3A_219 : vector<16xi1>, vector<16xi32>
      %swap3A_240 = arith.index_cast %scan3A_50 : i32 to index
      %swap3A_241 = arith.constant 64 : index
      %swap3A_242 = tpu.vector_load %arg9[%swap3A_240, %swap3A_241] {strides = array<i32>} : memref<158x128xi32, #tpu.memory_space<vmem>>, vector<1x16xi32>,
      %swap3A_243 = vector.shape_cast %swap3A_242 : vector<1x16xi32> to vector<16xi32>
      %swap3A_244 = vector.shape_cast %select_n3A_239 : vector<16xi32> to vector<1x16xi32>
      tpu.vector_store %arg9[%swap3A_240, %swap3A_241], %swap3A_244 {strides = array<i32>} : memref<158x128xi32, #tpu.memory_space<vmem>>, vector<1x16xi32>,
      %get3A_245 = arith.index_cast %scan3A_50 : i32 to index
      %get3A_246 = arith.constant 64 : index
      %get3A_247 = tpu.vector_load %arg7[%get3A_245, %get3A_246] {strides = array<i32>} : memref<158x128xi32, #tpu.memory_space<vmem>>, vector<1x16xi32>,
      %get3A_248 = vector.shape_cast %get3A_247 : vector<1x16xi32> to vector<16xi32>
      %add3A_249 = vector.broadcast %mul3A_0 : i32 to vector<16xi32>
      %add3A_250 = arith.addi %get3A_248, %add3A_249 : vector<16xi32>
      %swap3A_251 = arith.index_cast %scan3A_50 : i32 to index
      %swap3A_252 = arith.constant 64 : index
      %swap3A_253 = tpu.vector_load %arg7[%swap3A_251, %swap3A_252] {strides = array<i32>} : memref<158x128xi32, #tpu.memory_space<vmem>>, vector<1x16xi32>,
      %swap3A_254 = vector.shape_cast %swap3A_253 : vector<1x16xi32> to vector<16xi32>
      %swap3A_255 = vector.shape_cast %add3A_250 : vector<16xi32> to vector<1x16xi32>
      tpu.vector_store %arg7[%swap3A_251, %swap3A_252], %swap3A_255 {strides = array<i32>} : memref<158x128xi32, #tpu.memory_space<vmem>>, vector<1x16xi32>,
      %add3A_256 = arith.constant 5000 : i32
      %add3A_257 = vector.broadcast %add3A_256 : i32 to vector<16xi32>
      %add3A_258 = arith.addi %add3A_257, %iota3A : vector<16xi32>
      %add3A_259 = arith.constant 80 : i32
      %add3A_260 = vector.broadcast %add3A_259 : i32 to vector<16xi32>
      %add3A_261 = arith.addi %add3A_258, %add3A_260 : vector<16xi32>
      %get3A_262 = arith.index_cast %scan3A_50 : i32 to index
      %get3A_263 = arith.constant 80 : index
      %get3A_264 = tpu.vector_load %arg8[%get3A_262, %get3A_263] {strides = array<i32>} : memref<158x128xi32, #tpu.memory_space<vmem>>, vector<1x16xi32>,
      %get3A_265 = vector.shape_cast %get3A_264 : vector<1x16xi32> to vector<16xi32>
      %sub3A_266 = arith.constant 5000 : i32
      %sub3A_267 = vector.broadcast %sub3A_266 : i32 to vector<16xi32>
      %sub3A_268 = arith.subi %get3A_265, %sub3A_267 : vector<16xi32>
      %lt3A_269 = arith.constant 5000 : i32
      %lt3A_270 = vector.broadcast %lt3A_269 : i32 to vector<16xi32>
      %lt3A_271 = arith.cmpi slt, %get3A_265, %lt3A_270 : vector<16xi32>
      %select_n3A_272 = arith.select %lt3A_271, %get3A_265, %add3A_261 : vector<16xi1>, vector<16xi32>
      %swap3A_273 = arith.index_cast %scan3A_50 : i32 to index
      %swap3A_274 = arith.constant 80 : index
      %swap3A_275 = tpu.vector_load %arg8[%swap3A_273, %swap3A_274] {strides = array<i32>} : memref<158x128xi32, #tpu.memory_space<vmem>>, vector<1x16xi32>,
      %swap3A_276 = vector.shape_cast %swap3A_275 : vector<1x16xi32> to vector<16xi32>
      %swap3A_277 = vector.shape_cast %select_n3A_272 : vector<16xi32> to vector<1x16xi32>
      tpu.vector_store %arg8[%swap3A_273, %swap3A_274], %swap3A_277 {strides = array<i32>} : memref<158x128xi32, #tpu.memory_space<vmem>>, vector<1x16xi32>,
      %ge3A_278 = arith.constant 0 : i32
      %ge3A_279 = vector.broadcast %ge3A_278 : i32 to vector<16xi32>
      %ge3A_280 = arith.cmpi sge, %sub3A_268, %ge3A_279 : vector<16xi32>
      %select_n3A_281 = arith.select %ge3A_280, %sub3A_268, %add3A_261 : vector<16xi1>, vector<16xi32>
      %swap3A_282 = arith.index_cast %scan3A_50 : i32 to index
      %swap3A_283 = arith.constant 80 : index
      %swap3A_284 = tpu.vector_load %arg9[%swap3A_282, %swap3A_283] {strides = array<i32>} : memref<158x128xi32, #tpu.memory_space<vmem>>, vector<1x16xi32>,
      %swap3A_285 = vector.shape_cast %swap3A_284 : vector<1x16xi32> to vector<16xi32>
      %swap3A_286 = vector.shape_cast %select_n3A_281 : vector<16xi32> to vector<1x16xi32>
      tpu.vector_store %arg9[%swap3A_282, %swap3A_283], %swap3A_286 {strides = array<i32>} : memref<158x128xi32, #tpu.memory_space<vmem>>, vector<1x16xi32>,
      %get3A_287 = arith.index_cast %scan3A_50 : i32 to index
      %get3A_288 = arith.constant 80 : index
      %get3A_289 = tpu.vector_load %arg7[%get3A_287, %get3A_288] {strides = array<i32>} : memref<158x128xi32, #tpu.memory_space<vmem>>, vector<1x16xi32>,
      %get3A_290 = vector.shape_cast %get3A_289 : vector<1x16xi32> to vector<16xi32>
      %add3A_291 = vector.broadcast %mul3A_0 : i32 to vector<16xi32>
      %add3A_292 = arith.addi %get3A_290, %add3A_291 : vector<16xi32>
      %swap3A_293 = arith.index_cast %scan3A_50 : i32 to index
      %swap3A_294 = arith.constant 80 : index
      %swap3A_295 = tpu.vector_load %arg7[%swap3A_293, %swap3A_294] {strides = array<i32>} : memref<158x128xi32, #tpu.memory_space<vmem>>, vector<1x16xi32>,
      %swap3A_296 = vector.shape_cast %swap3A_295 : vector<1x16xi32> to vector<16xi32>
      %swap3A_297 = vector.shape_cast %add3A_292 : vector<16xi32> to vector<1x16xi32>
      tpu.vector_store %arg7[%swap3A_293, %swap3A_294], %swap3A_297 {strides = array<i32>} : memref<158x128xi32, #tpu.memory_space<vmem>>, vector<1x16xi32>,
      %add3A_298 = arith.constant 5000 : i32
      %add3A_299 = vector.broadcast %add3A_298 : i32 to vector<16xi32>
      %add3A_300 = arith.addi %add3A_299, %iota3A : vector<16xi32>
      %add3A_301 = arith.constant 96 : i32
      %add3A_302 = vector.broadcast %add3A_301 : i32 to vector<16xi32>
      %add3A_303 = arith.addi %add3A_300, %add3A_302 : vector<16xi32>
      %get3A_304 = arith.index_cast %scan3A_50 : i32 to index
      %get3A_305 = arith.constant 96 : index
      %get3A_306 = tpu.vector_load %arg8[%get3A_304, %get3A_305] {strides = array<i32>} : memref<158x128xi32, #tpu.memory_space<vmem>>, vector<1x16xi32>,
      %get3A_307 = vector.shape_cast %get3A_306 : vector<1x16xi32> to vector<16xi32>
      %sub3A_308 = arith.constant 5000 : i32
      %sub3A_309 = vector.broadcast %sub3A_308 : i32 to vector<16xi32>
      %sub3A_310 = arith.subi %get3A_307, %sub3A_309 : vector<16xi32>
      %lt3A_311 = arith.constant 5000 : i32
      %lt3A_312 = vector.broadcast %lt3A_311 : i32 to vector<16xi32>
      %lt3A_313 = arith.cmpi slt, %get3A_307, %lt3A_312 : vector<16xi32>
      %select_n3A_314 = arith.select %lt3A_313, %get3A_307, %add3A_303 : vector<16xi1>, vector<16xi32>
      %swap3A_315 = arith.index_cast %scan3A_50 : i32 to index
      %swap3A_316 = arith.constant 96 : index
      %swap3A_317 = tpu.vector_load %arg8[%swap3A_315, %swap3A_316] {strides = array<i32>} : memref<158x128xi32, #tpu.memory_space<vmem>>, vector<1x16xi32>,
      %swap3A_318 = vector.shape_cast %swap3A_317 : vector<1x16xi32> to vector<16xi32>
      %swap3A_319 = vector.shape_cast %select_n3A_314 : vector<16xi32> to vector<1x16xi32>
      tpu.vector_store %arg8[%swap3A_315, %swap3A_316], %swap3A_319 {strides = array<i32>} : memref<158x128xi32, #tpu.memory_space<vmem>>, vector<1x16xi32>,
      %ge3A_320 = arith.constant 0 : i32
      %ge3A_321 = vector.broadcast %ge3A_320 : i32 to vector<16xi32>
      %ge3A_322 = arith.cmpi sge, %sub3A_310, %ge3A_321 : vector<16xi32>
      %select_n3A_323 = arith.select %ge3A_322, %sub3A_310, %add3A_303 : vector<16xi1>, vector<16xi32>
      %swap3A_324 = arith.index_cast %scan3A_50 : i32 to index
      %swap3A_325 = arith.constant 96 : index
      %swap3A_326 = tpu.vector_load %arg9[%swap3A_324, %swap3A_325] {strides = array<i32>} : memref<158x128xi32, #tpu.memory_space<vmem>>, vector<1x16xi32>,
      %swap3A_327 = vector.shape_cast %swap3A_326 : vector<1x16xi32> to vector<16xi32>
      %swap3A_328 = vector.shape_cast %select_n3A_323 : vector<16xi32> to vector<1x16xi32>
      tpu.vector_store %arg9[%swap3A_324, %swap3A_325], %swap3A_328 {strides = array<i32>} : memref<158x128xi32, #tpu.memory_space<vmem>>, vector<1x16xi32>,
      %get3A_329 = arith.index_cast %scan3A_50 : i32 to index
      %get3A_330 = arith.constant 96 : index
      %get3A_331 = tpu.vector_load %arg7[%get3A_329, %get3A_330] {strides = array<i32>} : memref<158x128xi32, #tpu.memory_space<vmem>>, vector<1x16xi32>,
      %get3A_332 = vector.shape_cast %get3A_331 : vector<1x16xi32> to vector<16xi32>
      %add3A_333 = vector.broadcast %mul3A_0 : i32 to vector<16xi32>
      %add3A_334 = arith.addi %get3A_332, %add3A_333 : vector<16xi32>
      %swap3A_335 = arith.index_cast %scan3A_50 : i32 to index
      %swap3A_336 = arith.constant 96 : index
      %swap3A_337 = tpu.vector_load %arg7[%swap3A_335, %swap3A_336] {strides = array<i32>} : memref<158x128xi32, #tpu.memory_space<vmem>>, vector<1x16xi32>,
      %swap3A_338 = vector.shape_cast %swap3A_337 : vector<1x16xi32> to vector<16xi32>
      %swap3A_339 = vector.shape_cast %add3A_334 : vector<16xi32> to vector<1x16xi32>
      tpu.vector_store %arg7[%swap3A_335, %swap3A_336], %swap3A_339 {strides = array<i32>} : memref<158x128xi32, #tpu.memory_space<vmem>>, vector<1x16xi32>,
      %add3A_340 = arith.constant 5000 : i32
      %add3A_341 = vector.broadcast %add3A_340 : i32 to vector<16xi32>
      %add3A_342 = arith.addi %add3A_341, %iota3A : vector<16xi32>
      %add3A_343 = arith.constant 112 : i32
      %add3A_344 = vector.broadcast %add3A_343 : i32 to vector<16xi32>
      %add3A_345 = arith.addi %add3A_342, %add3A_344 : vector<16xi32>
      %get3A_346 = arith.index_cast %scan3A_50 : i32 to index
      %get3A_347 = arith.constant 112 : index
      %get3A_348 = tpu.vector_load %arg8[%get3A_346, %get3A_347] {strides = array<i32>} : memref<158x128xi32, #tpu.memory_space<vmem>>, vector<1x16xi32>,
      %get3A_349 = vector.shape_cast %get3A_348 : vector<1x16xi32> to vector<16xi32>
      %sub3A_350 = arith.constant 5000 : i32
      %sub3A_351 = vector.broadcast %sub3A_350 : i32 to vector<16xi32>
      %sub3A_352 = arith.subi %get3A_349, %sub3A_351 : vector<16xi32>
      %lt3A_353 = arith.constant 5000 : i32
      %lt3A_354 = vector.broadcast %lt3A_353 : i32 to vector<16xi32>
      %lt3A_355 = arith.cmpi slt, %get3A_349, %lt3A_354 : vector<16xi32>
      %select_n3A_356 = arith.select %lt3A_355, %get3A_349, %add3A_345 : vector<16xi1>, vector<16xi32>
      %swap3A_357 = arith.index_cast %scan3A_50 : i32 to index
      %swap3A_358 = arith.constant 112 : index
      %swap3A_359 = tpu.vector_load %arg8[%swap3A_357, %swap3A_358] {strides = array<i32>} : memref<158x128xi32, #tpu.memory_space<vmem>>, vector<1x16xi32>,
      %swap3A_360 = vector.shape_cast %swap3A_359 : vector<1x16xi32> to vector<16xi32>
      %swap3A_361 = vector.shape_cast %select_n3A_356 : vector<16xi32> to vector<1x16xi32>
      tpu.vector_store %arg8[%swap3A_357, %swap3A_358], %swap3A_361 {strides = array<i32>} : memref<158x128xi32, #tpu.memory_space<vmem>>, vector<1x16xi32>,
      %ge3A_362 = arith.constant 0 : i32
      %ge3A_363 = vector.broadcast %ge3A_362 : i32 to vector<16xi32>
      %ge3A_364 = arith.cmpi sge, %sub3A_352, %ge3A_363 : vector<16xi32>
      %select_n3A_365 = arith.select %ge3A_364, %sub3A_352, %add3A_345 : vector<16xi1>, vector<16xi32>
      %swap3A_366 = arith.index_cast %scan3A_50 : i32 to index
      %swap3A_367 = arith.constant 112 : index
      %swap3A_368 = tpu.vector_load %arg9[%swap3A_366, %swap3A_367] {strides = array<i32>} : memref<158x128xi32, #tpu.memory_space<vmem>>, vector<1x16xi32>,
      %swap3A_369 = vector.shape_cast %swap3A_368 : vector<1x16xi32> to vector<16xi32>
      %swap3A_370 = vector.shape_cast %select_n3A_365 : vector<16xi32> to vector<1x16xi32>
      tpu.vector_store %arg9[%swap3A_366, %swap3A_367], %swap3A_370 {strides = array<i32>} : memref<158x128xi32, #tpu.memory_space<vmem>>, vector<1x16xi32>,
      %get3A_371 = arith.index_cast %scan3A_50 : i32 to index
      %get3A_372 = arith.constant 112 : index
      %get3A_373 = tpu.vector_load %arg7[%get3A_371, %get3A_372] {strides = array<i32>} : memref<158x128xi32, #tpu.memory_space<vmem>>, vector<1x16xi32>,
      %get3A_374 = vector.shape_cast %get3A_373 : vector<1x16xi32> to vector<16xi32>
      %add3A_375 = vector.broadcast %mul3A_0 : i32 to vector<16xi32>
      %add3A_376 = arith.addi %get3A_374, %add3A_375 : vector<16xi32>
      %swap3A_377 = arith.index_cast %scan3A_50 : i32 to index
      %swap3A_378 = arith.constant 112 : index
      %swap3A_379 = tpu.vector_load %arg7[%swap3A_377, %swap3A_378] {strides = array<i32>} : memref<158x128xi32, #tpu.memory_space<vmem>>, vector<1x16xi32>,
      %swap3A_380 = vector.shape_cast %swap3A_379 : vector<1x16xi32> to vector<16xi32>
      %swap3A_381 = vector.shape_cast %add3A_376 : vector<16xi32> to vector<1x16xi32>
      tpu.vector_store %arg7[%swap3A_377, %swap3A_378], %swap3A_381 {strides = array<i32>} : memref<158x128xi32, #tpu.memory_space<vmem>>, vector<1x16xi32>,
    }
    %scan3A_5 = arith.constant 158 : i32
    %mul3A_6 = arith.constant 328 : i32
    %mul3A_7 = arith.muli %arg1, %mul3A_6 : i32
    %mul3A_8 = arith.constant 328 : i32
    %mul3A_9 = arith.muli %arg1, %mul3A_8 : i32
    "tpu.region"() ({
      %run_scoped3A = tpu.sem_alloc : memref<!tpu.dma_semaphore, #tpu.memory_space<semaphore_mem>>
      %dma_start3A = arith.constant 0 : i32
      %dma_start3A_50 = tpu.memref_slice %arg11[%mul3A_9, %dma_start3A] : memref<5248x128xf32, #tpu.memory_space<vmem_shared>> -> memref<328x128xf32, #tpu.memory_space<vmem_shared>>
      %dma_start3A_51 = arith.constant 0 : i32
      %dma_start3A_52 = tpu.memref_slice %arg5[%mul3A_7, %dma_start3A_51] : memref<5248x128xf32, #tpu.memory_space<hbm>> -> memref<328x128xf32, #tpu.memory_space<hbm>>
      tpu.enqueue_dma source(%dma_start3A_52 : memref<328x128xf32, #tpu.memory_space<hbm>>) target(%dma_start3A_50 : memref<328x128xf32, #tpu.memory_space<vmem_shared>>) target_semaphore(%run_scoped3A : memref<!tpu.dma_semaphore, #tpu.memory_space<semaphore_mem>>)
      %dma_wait3A = arith.constant 0 : i32
      %dma_wait3A_53 = tpu.memref_slice %arg11[%mul3A_9, %dma_wait3A] : memref<5248x128xf32, #tpu.memory_space<vmem_shared>> -> memref<328x128xf32, #tpu.memory_space<vmem_shared>>
      %dma_wait3A_54 = arith.constant 0 : i32
      %dma_wait3A_55 = tpu.memref_slice %arg5[%mul3A_7, %dma_wait3A_54] : memref<5248x128xf32, #tpu.memory_space<hbm>> -> memref<328x128xf32, #tpu.memory_space<hbm>>
      tpu.wait_dma2 semaphore(%run_scoped3A : memref<!tpu.dma_semaphore, #tpu.memory_space<semaphore_mem>>) src(%dma_wait3A_55 : memref<328x128xf32, #tpu.memory_space<hbm>>) dst(%dma_wait3A_53 : memref<328x128xf32, #tpu.memory_space<vmem_shared>>)
      tpu.yield
    }) : () -> ()
    %barrier3A = arith.constant 0 : index
    tpu.barrier barrier_id(%barrier3A)
    %scan3A_10 = arith.constant 0 : i32
    %scan3A_11 = arith.constant 0 : i32
    %scan3A_12 = arith.constant 158 : i32
    %scan3A_13 = arith.addi %scan3A_11, %scan3A_12 : i32
    %scan3A_14 = arith.constant 1 : i32
    scf.for %scan3A_50 = %scan3A_11 to %scan3A_13 step %scan3A_14  : i32 {
      %dma_start3A = arith.constant 0 : i32
      %dma_start3A_51 = tpu.memref_slice %arg7[%scan3A_50, %dma_start3A] : memref<158x128xi32, #tpu.memory_space<vmem>> -> memref<1x128xi32, #tpu.memory_space<vmem>>
      %dma_start3A_52 = tpu.memref_squeeze %dma_start3A_51 : memref<1x128xi32, #tpu.memory_space<vmem>> -> memref<128xi32, #tpu.memory_space<vmem>>
      %dma_start3A_53 = arith.constant 0 : i32
      %dma_start3A_54 = arith.constant 0 : i32
      %dma_start3A_55 = tpu.memref_slice %arg2[%dma_start3A_53, %dma_start3A_54] : memref<20000x128xf32, #tpu.memory_space<hbm>> -> memref<20000x128xf32, #tpu.memory_space<hbm>>
      tpu.enqueue_indirect_dma source(%dma_start3A_55 : memref<20000x128xf32, #tpu.memory_space<hbm>>) target(%arg10 : memref<128x128xf32, #tpu.memory_space<vmem>>) offsets(%dma_start3A_52 : memref<128xi32, #tpu.memory_space<vmem>>) semaphore(%arg12 : memref<!tpu.dma_semaphore, #tpu.memory_space<semaphore_mem>>)
      %dma_wait3A = arith.constant 0 : i32
      %dma_wait3A_56 = tpu.memref_slice %arg7[%scan3A_50, %dma_wait3A] : memref<158x128xi32, #tpu.memory_space<vmem>> -> memref<1x128xi32, #tpu.memory_space<vmem>>
      %dma_wait3A_57 = tpu.memref_squeeze %dma_wait3A_56 : memref<1x128xi32, #tpu.memory_space<vmem>> -> memref<128xi32, #tpu.memory_space<vmem>>
      %dma_wait3A_58 = arith.constant 0 : i32
      %dma_wait3A_59 = arith.constant 0 : i32
      %dma_wait3A_60 = tpu.memref_slice %arg2[%dma_wait3A_58, %dma_wait3A_59] : memref<20000x128xf32, #tpu.memory_space<hbm>> -> memref<20000x128xf32, #tpu.memory_space<hbm>>
      tpu.wait_indirect_dma semaphore(%arg12 : memref<!tpu.dma_semaphore, #tpu.memory_space<semaphore_mem>>) src(%dma_wait3A_60 : memref<20000x128xf32, #tpu.memory_space<hbm>>) dst(%arg10 : memref<128x128xf32, #tpu.memory_space<vmem>>)
      "tpu.region"() ({
        %run_scoped3A = tpu.sem_alloc : memref<!tpu.dma_semaphore, #tpu.memory_space<semaphore_mem>>
        %dma_start3A_61 = arith.constant 0 : i32
        %dma_start3A_62 = tpu.memref_slice %arg8[%scan3A_50, %dma_start3A_61] : memref<158x128xi32, #tpu.memory_space<vmem>> -> memref<1x128xi32, #tpu.memory_space<vmem>>
        %dma_start3A_63 = tpu.memref_squeeze %dma_start3A_62 : memref<1x128xi32, #tpu.memory_space<vmem>> -> memref<128xi32, #tpu.memory_space<vmem>>
        %dma_start3A_64 = arith.constant 0 : i32
        %dma_start3A_65 = arith.constant 0 : i32
        %dma_start3A_66 = tpu.memref_slice %arg11[%dma_start3A_64, %dma_start3A_65] : memref<5248x128xf32, #tpu.memory_space<vmem_shared>> -> memref<5248x128xf32, #tpu.memory_space<vmem_shared>>
        tpu.enqueue_indirect_dma source(%arg10 : memref<128x128xf32, #tpu.memory_space<vmem>>) target(%dma_start3A_66 : memref<5248x128xf32, #tpu.memory_space<vmem_shared>>) offsets(%dma_start3A_63 : memref<128xi32, #tpu.memory_space<vmem>>) semaphore(%run_scoped3A : memref<!tpu.dma_semaphore, #tpu.memory_space<semaphore_mem>>) {add = true}
        %dma_wait3A_67 = arith.constant 0 : i32
        %dma_wait3A_68 = tpu.memref_slice %arg8[%scan3A_50, %dma_wait3A_67] : memref<158x128xi32, #tpu.memory_space<vmem>> -> memref<1x128xi32, #tpu.memory_space<vmem>>
        %dma_wait3A_69 = tpu.memref_squeeze %dma_wait3A_68 : memref<1x128xi32, #tpu.memory_space<vmem>> -> memref<128xi32, #tpu.memory_space<vmem>>
        %dma_wait3A_70 = arith.constant 0 : i32
        %dma_wait3A_71 = arith.constant 0 : i32
        %dma_wait3A_72 = tpu.memref_slice %arg11[%dma_wait3A_70, %dma_wait3A_71] : memref<5248x128xf32, #tpu.memory_space<vmem_shared>> -> memref<5248x128xf32, #tpu.memory_space<vmem_shared>>
        tpu.wait_indirect_dma semaphore(%run_scoped3A : memref<!tpu.dma_semaphore, #tpu.memory_space<semaphore_mem>>) src(%arg10 : memref<128x128xf32, #tpu.memory_space<vmem>>) dst(%dma_wait3A_72 : memref<5248x128xf32, #tpu.memory_space<vmem_shared>>)
        tpu.yield
      }) : () -> ()
    }
    %scan3A_15 = arith.constant 158 : i32
    %barrier3A_16 = arith.constant 0 : index
    tpu.barrier barrier_id(%barrier3A_16)
    %add3A = arith.constant 0 : i32
    %add3A_17 = arith.addi %mul3A_0, %add3A : i32
    %lt3A = arith.constant 15 : i32
    %lt3A_18 = arith.cmpi slt, %arg1, %lt3A : i32
    %convert_element_type3A = arith.extui %lt3A_18 : i1 to i32
    %cond3A = arith.constant 0 : i32
    %cond3A_19 = arith.cmpi ne, %convert_element_type3A, %cond3A : i32
    scf.if %cond3A_19 {
      %mul3A_50 = arith.constant 312 : i32
      %mul3A_51 = arith.muli %arg1, %mul3A_50 : i32
      %mul3A_52 = arith.constant 312 : i32
      %mul3A_53 = arith.muli %arg1, %mul3A_52 : i32
      %add3A_54 = arith.addi %add3A_17, %mul3A_53 : i32
      "tpu.region"() ({
        %run_scoped3A = tpu.sem_alloc : memref<!tpu.dma_semaphore, #tpu.memory_space<semaphore_mem>>
        %dma_start3A = arith.constant 0 : i32
        %dma_start3A_55 = tpu.memref_slice %arg6[%add3A_54, %dma_start3A] : memref<20000x128xf32, #tpu.memory_space<hbm>> -> memref<312x128xf32, #tpu.memory_space<hbm>>
        %dma_start3A_56 = arith.constant 0 : i32
        %dma_start3A_57 = tpu.memref_slice %arg11[%mul3A_51, %dma_start3A_56] : memref<5248x128xf32, #tpu.memory_space<vmem_shared>> -> memref<312x128xf32, #tpu.memory_space<vmem_shared>>
        tpu.enqueue_dma source(%dma_start3A_57 : memref<312x128xf32, #tpu.memory_space<vmem_shared>>) target(%dma_start3A_55 : memref<312x128xf32, #tpu.memory_space<hbm>>) target_semaphore(%run_scoped3A : memref<!tpu.dma_semaphore, #tpu.memory_space<semaphore_mem>>)
        %dma_wait3A = arith.constant 0 : i32
        %dma_wait3A_58 = tpu.memref_slice %arg6[%add3A_54, %dma_wait3A] : memref<20000x128xf32, #tpu.memory_space<hbm>> -> memref<312x128xf32, #tpu.memory_space<hbm>>
        %dma_wait3A_59 = arith.constant 0 : i32
        %dma_wait3A_60 = tpu.memref_slice %arg11[%mul3A_51, %dma_wait3A_59] : memref<5248x128xf32, #tpu.memory_space<vmem_shared>> -> memref<312x128xf32, #tpu.memory_space<vmem_shared>>
        tpu.wait_dma2 semaphore(%run_scoped3A : memref<!tpu.dma_semaphore, #tpu.memory_space<semaphore_mem>>) src(%dma_wait3A_60 : memref<312x128xf32, #tpu.memory_space<vmem_shared>>) dst(%dma_wait3A_58 : memref<312x128xf32, #tpu.memory_space<hbm>>)
        tpu.yield
      }) : () -> ()
    } else {
    }
    %eq3A = arith.constant 15 : i32
    %eq3A_20 = arith.cmpi eq, %arg1, %eq3A : i32
    %convert_element_type3A_21 = arith.extui %eq3A_20 : i1 to i32
    %cond3A_22 = arith.constant 0 : i32
    %cond3A_23 = arith.cmpi ne, %convert_element_type3A_21, %cond3A_22 : i32
    scf.if %cond3A_23 {
      %add3A_50 = arith.constant 4680 : i32
      %add3A_51 = arith.addi %add3A_17, %add3A_50 : i32
      "tpu.region"() ({
        %run_scoped3A = tpu.sem_alloc : memref<!tpu.dma_semaphore, #tpu.memory_space<semaphore_mem>>
        %dma_start3A = arith.constant 0 : i32
        %dma_start3A_52 = tpu.memref_slice %arg6[%add3A_51, %dma_start3A] : memref<20000x128xf32, #tpu.memory_space<hbm>> -> memref<320x128xf32, #tpu.memory_space<hbm>>
        %dma_start3A_53 = arith.constant 4680 : i32
        %dma_start3A_54 = arith.constant 0 : i32
        %dma_start3A_55 = tpu.memref_slice %arg11[%dma_start3A_53, %dma_start3A_54] : memref<5248x128xf32, #tpu.memory_space<vmem_shared>> -> memref<320x128xf32, #tpu.memory_space<vmem_shared>>
        tpu.enqueue_dma source(%dma_start3A_55 : memref<320x128xf32, #tpu.memory_space<vmem_shared>>) target(%dma_start3A_52 : memref<320x128xf32, #tpu.memory_space<hbm>>) target_semaphore(%run_scoped3A : memref<!tpu.dma_semaphore, #tpu.memory_space<semaphore_mem>>)
        %dma_wait3A = arith.constant 0 : i32
        %dma_wait3A_56 = tpu.memref_slice %arg6[%add3A_51, %dma_wait3A] : memref<20000x128xf32, #tpu.memory_space<hbm>> -> memref<320x128xf32, #tpu.memory_space<hbm>>
        %dma_wait3A_57 = arith.constant 4680 : i32
        %dma_wait3A_58 = arith.constant 0 : i32
        %dma_wait3A_59 = tpu.memref_slice %arg11[%dma_wait3A_57, %dma_wait3A_58] : memref<5248x128xf32, #tpu.memory_space<vmem_shared>> -> memref<320x128xf32, #tpu.memory_space<vmem_shared>>
        tpu.wait_dma2 semaphore(%run_scoped3A : memref<!tpu.dma_semaphore, #tpu.memory_space<semaphore_mem>>) src(%dma_wait3A_59 : memref<320x128xf32, #tpu.memory_space<vmem_shared>>) dst(%dma_wait3A_56 : memref<320x128xf32, #tpu.memory_space<hbm>>)
        tpu.yield
      }) : () -> ()
    } else {
    }
    %barrier3A_24 = arith.constant 0 : index
    tpu.barrier barrier_id(%barrier3A_24)
    %mul3A_25 = arith.constant 328 : i32
    %mul3A_26 = arith.muli %arg1, %mul3A_25 : i32
    %mul3A_27 = arith.constant 328 : i32
    %mul3A_28 = arith.muli %arg1, %mul3A_27 : i32
    "tpu.region"() ({
      %run_scoped3A = tpu.sem_alloc : memref<!tpu.dma_semaphore, #tpu.memory_space<semaphore_mem>>
      %dma_start3A = arith.constant 0 : i32
      %dma_start3A_50 = tpu.memref_slice %arg11[%mul3A_28, %dma_start3A] : memref<5248x128xf32, #tpu.memory_space<vmem_shared>> -> memref<328x128xf32, #tpu.memory_space<vmem_shared>>
      %dma_start3A_51 = arith.constant 0 : i32
      %dma_start3A_52 = tpu.memref_slice %arg5[%mul3A_26, %dma_start3A_51] : memref<5248x128xf32, #tpu.memory_space<hbm>> -> memref<328x128xf32, #tpu.memory_space<hbm>>
      tpu.enqueue_dma source(%dma_start3A_52 : memref<328x128xf32, #tpu.memory_space<hbm>>) target(%dma_start3A_50 : memref<328x128xf32, #tpu.memory_space<vmem_shared>>) target_semaphore(%run_scoped3A : memref<!tpu.dma_semaphore, #tpu.memory_space<semaphore_mem>>)
      %dma_wait3A = arith.constant 0 : i32
      %dma_wait3A_53 = tpu.memref_slice %arg11[%mul3A_28, %dma_wait3A] : memref<5248x128xf32, #tpu.memory_space<vmem_shared>> -> memref<328x128xf32, #tpu.memory_space<vmem_shared>>
      %dma_wait3A_54 = arith.constant 0 : i32
      %dma_wait3A_55 = tpu.memref_slice %arg5[%mul3A_26, %dma_wait3A_54] : memref<5248x128xf32, #tpu.memory_space<hbm>> -> memref<328x128xf32, #tpu.memory_space<hbm>>
      tpu.wait_dma2 semaphore(%run_scoped3A : memref<!tpu.dma_semaphore, #tpu.memory_space<semaphore_mem>>) src(%dma_wait3A_55 : memref<328x128xf32, #tpu.memory_space<hbm>>) dst(%dma_wait3A_53 : memref<328x128xf32, #tpu.memory_space<vmem_shared>>)
      tpu.yield
    }) : () -> ()
    %barrier3A_29 = arith.constant 0 : index
    tpu.barrier barrier_id(%barrier3A_29)
    %scan3A_30 = arith.constant 0 : i32
    %scan3A_31 = arith.constant 0 : i32
    %scan3A_32 = arith.constant 158 : i32
    %scan3A_33 = arith.addi %scan3A_31, %scan3A_32 : i32
    %scan3A_34 = arith.constant 1 : i32
    scf.for %scan3A_50 = %scan3A_31 to %scan3A_33 step %scan3A_34  : i32 {
      %dma_start3A = arith.constant 0 : i32
      %dma_start3A_51 = tpu.memref_slice %arg7[%scan3A_50, %dma_start3A] : memref<158x128xi32, #tpu.memory_space<vmem>> -> memref<1x128xi32, #tpu.memory_space<vmem>>
      %dma_start3A_52 = tpu.memref_squeeze %dma_start3A_51 : memref<1x128xi32, #tpu.memory_space<vmem>> -> memref<128xi32, #tpu.memory_space<vmem>>
      %dma_start3A_53 = arith.constant 0 : i32
      %dma_start3A_54 = arith.constant 0 : i32
      %dma_start3A_55 = tpu.memref_slice %arg2[%dma_start3A_53, %dma_start3A_54] : memref<20000x128xf32, #tpu.memory_space<hbm>> -> memref<20000x128xf32, #tpu.memory_space<hbm>>
      tpu.enqueue_indirect_dma source(%dma_start3A_55 : memref<20000x128xf32, #tpu.memory_space<hbm>>) target(%arg10 : memref<128x128xf32, #tpu.memory_space<vmem>>) offsets(%dma_start3A_52 : memref<128xi32, #tpu.memory_space<vmem>>) semaphore(%arg12 : memref<!tpu.dma_semaphore, #tpu.memory_space<semaphore_mem>>)
      %dma_wait3A = arith.constant 0 : i32
      %dma_wait3A_56 = tpu.memref_slice %arg7[%scan3A_50, %dma_wait3A] : memref<158x128xi32, #tpu.memory_space<vmem>> -> memref<1x128xi32, #tpu.memory_space<vmem>>
      %dma_wait3A_57 = tpu.memref_squeeze %dma_wait3A_56 : memref<1x128xi32, #tpu.memory_space<vmem>> -> memref<128xi32, #tpu.memory_space<vmem>>
      %dma_wait3A_58 = arith.constant 0 : i32
      %dma_wait3A_59 = arith.constant 0 : i32
      %dma_wait3A_60 = tpu.memref_slice %arg2[%dma_wait3A_58, %dma_wait3A_59] : memref<20000x128xf32, #tpu.memory_space<hbm>> -> memref<20000x128xf32, #tpu.memory_space<hbm>>
      tpu.wait_indirect_dma semaphore(%arg12 : memref<!tpu.dma_semaphore, #tpu.memory_space<semaphore_mem>>) src(%dma_wait3A_60 : memref<20000x128xf32, #tpu.memory_space<hbm>>) dst(%arg10 : memref<128x128xf32, #tpu.memory_space<vmem>>)
      "tpu.region"() ({
        %run_scoped3A = tpu.sem_alloc : memref<!tpu.dma_semaphore, #tpu.memory_space<semaphore_mem>>
        %dma_start3A_61 = arith.constant 0 : i32
        %dma_start3A_62 = tpu.memref_slice %arg9[%scan3A_50, %dma_start3A_61] : memref<158x128xi32, #tpu.memory_space<vmem>> -> memref<1x128xi32, #tpu.memory_space<vmem>>
        %dma_start3A_63 = tpu.memref_squeeze %dma_start3A_62 : memref<1x128xi32, #tpu.memory_space<vmem>> -> memref<128xi32, #tpu.memory_space<vmem>>
        %dma_start3A_64 = arith.constant 0 : i32
        %dma_start3A_65 = arith.constant 0 : i32
        %dma_start3A_66 = tpu.memref_slice %arg11[%dma_start3A_64, %dma_start3A_65] : memref<5248x128xf32, #tpu.memory_space<vmem_shared>> -> memref<5248x128xf32, #tpu.memory_space<vmem_shared>>
        tpu.enqueue_indirect_dma source(%arg10 : memref<128x128xf32, #tpu.memory_space<vmem>>) target(%dma_start3A_66 : memref<5248x128xf32, #tpu.memory_space<vmem_shared>>) offsets(%dma_start3A_63 : memref<128xi32, #tpu.memory_space<vmem>>) semaphore(%run_scoped3A : memref<!tpu.dma_semaphore, #tpu.memory_space<semaphore_mem>>) {add = true}
        %dma_wait3A_67 = arith.constant 0 : i32
        %dma_wait3A_68 = tpu.memref_slice %arg9[%scan3A_50, %dma_wait3A_67] : memref<158x128xi32, #tpu.memory_space<vmem>> -> memref<1x128xi32, #tpu.memory_space<vmem>>
        %dma_wait3A_69 = tpu.memref_squeeze %dma_wait3A_68 : memref<1x128xi32, #tpu.memory_space<vmem>> -> memref<128xi32, #tpu.memory_space<vmem>>
        %dma_wait3A_70 = arith.constant 0 : i32
        %dma_wait3A_71 = arith.constant 0 : i32
        %dma_wait3A_72 = tpu.memref_slice %arg11[%dma_wait3A_70, %dma_wait3A_71] : memref<5248x128xf32, #tpu.memory_space<vmem_shared>> -> memref<5248x128xf32, #tpu.memory_space<vmem_shared>>
        tpu.wait_indirect_dma semaphore(%run_scoped3A : memref<!tpu.dma_semaphore, #tpu.memory_space<semaphore_mem>>) src(%arg10 : memref<128x128xf32, #tpu.memory_space<vmem>>) dst(%dma_wait3A_72 : memref<5248x128xf32, #tpu.memory_space<vmem_shared>>)
        tpu.yield
      }) : () -> ()
    }
    %scan3A_35 = arith.constant 158 : i32
    %barrier3A_36 = arith.constant 0 : index
    tpu.barrier barrier_id(%barrier3A_36)
    %add3A_37 = arith.constant 5000 : i32
    %add3A_38 = arith.addi %mul3A_0, %add3A_37 : i32
    %lt3A_39 = arith.constant 15 : i32
    %lt3A_40 = arith.cmpi slt, %arg1, %lt3A_39 : i32
    %convert_element_type3A_41 = arith.extui %lt3A_40 : i1 to i32
    %cond3A_42 = arith.constant 0 : i32
    %cond3A_43 = arith.cmpi ne, %convert_element_type3A_41, %cond3A_42 : i32
    scf.if %cond3A_43 {
      %mul3A_50 = arith.constant 312 : i32
      %mul3A_51 = arith.muli %arg1, %mul3A_50 : i32
      %mul3A_52 = arith.constant 312 : i32
      %mul3A_53 = arith.muli %arg1, %mul3A_52 : i32
      %add3A_54 = arith.addi %add3A_38, %mul3A_53 : i32
      "tpu.region"() ({
        %run_scoped3A = tpu.sem_alloc : memref<!tpu.dma_semaphore, #tpu.memory_space<semaphore_mem>>
        %dma_start3A = arith.constant 0 : i32
        %dma_start3A_55 = tpu.memref_slice %arg6[%add3A_54, %dma_start3A] : memref<20000x128xf32, #tpu.memory_space<hbm>> -> memref<312x128xf32, #tpu.memory_space<hbm>>
        %dma_start3A_56 = arith.constant 0 : i32
        %dma_start3A_57 = tpu.memref_slice %arg11[%mul3A_51, %dma_start3A_56] : memref<5248x128xf32, #tpu.memory_space<vmem_shared>> -> memref<312x128xf32, #tpu.memory_space<vmem_shared>>
        tpu.enqueue_dma source(%dma_start3A_57 : memref<312x128xf32, #tpu.memory_space<vmem_shared>>) target(%dma_start3A_55 : memref<312x128xf32, #tpu.memory_space<hbm>>) target_semaphore(%run_scoped3A : memref<!tpu.dma_semaphore, #tpu.memory_space<semaphore_mem>>)
        %dma_wait3A = arith.constant 0 : i32
        %dma_wait3A_58 = tpu.memref_slice %arg6[%add3A_54, %dma_wait3A] : memref<20000x128xf32, #tpu.memory_space<hbm>> -> memref<312x128xf32, #tpu.memory_space<hbm>>
        %dma_wait3A_59 = arith.constant 0 : i32
        %dma_wait3A_60 = tpu.memref_slice %arg11[%mul3A_51, %dma_wait3A_59] : memref<5248x128xf32, #tpu.memory_space<vmem_shared>> -> memref<312x128xf32, #tpu.memory_space<vmem_shared>>
        tpu.wait_dma2 semaphore(%run_scoped3A : memref<!tpu.dma_semaphore, #tpu.memory_space<semaphore_mem>>) src(%dma_wait3A_60 : memref<312x128xf32, #tpu.memory_space<vmem_shared>>) dst(%dma_wait3A_58 : memref<312x128xf32, #tpu.memory_space<hbm>>)
        tpu.yield
      }) : () -> ()
    } else {
    }
    %eq3A_44 = arith.constant 15 : i32
    %eq3A_45 = arith.cmpi eq, %arg1, %eq3A_44 : i32
    %convert_element_type3A_46 = arith.extui %eq3A_45 : i1 to i32
    %cond3A_47 = arith.constant 0 : i32
    %cond3A_48 = arith.cmpi ne, %convert_element_type3A_46, %cond3A_47 : i32
    scf.if %cond3A_48 {
      %add3A_50 = arith.constant 4680 : i32
      %add3A_51 = arith.addi %add3A_38, %add3A_50 : i32
      "tpu.region"() ({
        %run_scoped3A = tpu.sem_alloc : memref<!tpu.dma_semaphore, #tpu.memory_space<semaphore_mem>>
        %dma_start3A = arith.constant 0 : i32
        %dma_start3A_52 = tpu.memref_slice %arg6[%add3A_51, %dma_start3A] : memref<20000x128xf32, #tpu.memory_space<hbm>> -> memref<320x128xf32, #tpu.memory_space<hbm>>
        %dma_start3A_53 = arith.constant 4680 : i32
        %dma_start3A_54 = arith.constant 0 : i32
        %dma_start3A_55 = tpu.memref_slice %arg11[%dma_start3A_53, %dma_start3A_54] : memref<5248x128xf32, #tpu.memory_space<vmem_shared>> -> memref<320x128xf32, #tpu.memory_space<vmem_shared>>
        tpu.enqueue_dma source(%dma_start3A_55 : memref<320x128xf32, #tpu.memory_space<vmem_shared>>) target(%dma_start3A_52 : memref<320x128xf32, #tpu.memory_space<hbm>>) target_semaphore(%run_scoped3A : memref<!tpu.dma_semaphore, #tpu.memory_space<semaphore_mem>>)
        %dma_wait3A = arith.constant 0 : i32
        %dma_wait3A_56 = tpu.memref_slice %arg6[%add3A_51, %dma_wait3A] : memref<20000x128xf32, #tpu.memory_space<hbm>> -> memref<320x128xf32, #tpu.memory_space<hbm>>
        %dma_wait3A_57 = arith.constant 4680 : i32
        %dma_wait3A_58 = arith.constant 0 : i32
        %dma_wait3A_59 = tpu.memref_slice %arg11[%dma_wait3A_57, %dma_wait3A_58] : memref<5248x128xf32, #tpu.memory_space<vmem_shared>> -> memref<320x128xf32, #tpu.memory_space<vmem_shared>>
        tpu.wait_dma2 semaphore(%run_scoped3A : memref<!tpu.dma_semaphore, #tpu.memory_space<semaphore_mem>>) src(%dma_wait3A_59 : memref<320x128xf32, #tpu.memory_space<vmem_shared>>) dst(%dma_wait3A_56 : memref<320x128xf32, #tpu.memory_space<hbm>>)
        tpu.yield
      }) : () -> ()
    } else {
    }
    %barrier3A_49 = arith.constant 0 : index
    tpu.barrier barrier_id(%barrier3A_49)
    return
  }
}

module attributes {stable_mosaic.version = 14 : i64} {
  func.func @_mm1_body(%arg0: i32, %arg1: i32, %arg2: memref<400x128xf32, #tpu.memory_space<vmem>>, %arg3: memref<128x128xf32, #tpu.memory_space<vmem>>, %arg4: memref<1x400x128xf32, #tpu.memory_space<vmem>>) attributes {dimension_semantics = [#tpu.dimension_semantics<arbitrary>, #tpu.dimension_semantics<arbitrary>], iteration_bounds = array<i64: 25, 2>, scalar_prefetch = 0 : i64, scratch_operands = 0 : i64, tpu.core_type = #tpu.core_type<tc>, window_params = [{transform_indices = @transform_0, window_bounds = array<i64: 400, 128>}, {transform_indices = @transform_1, window_bounds = array<i64: 128, 128>}, {transform_indices = @transform_2, window_bounds = array<i64: 1, 400, 128>}]} {
    %get3A = arith.constant 0 : index
    %get3A_0 = arith.constant 0 : index
    %get3A_1 = vector.load %arg2[%get3A, %get3A_0] : memref<400x128xf32, #tpu.memory_space<vmem>>, vector<400x128xf32>
    %get3A_2 = arith.constant 0 : index
    %get3A_3 = arith.constant 0 : index
    %get3A_4 = vector.load %arg3[%get3A_2, %get3A_3] : memref<128x128xf32, #tpu.memory_space<vmem>>, vector<128x128xf32>
    %dot_general3A = arith.constant dense<0.000000e+00> : vector<400x128xf32>
    %dot_general3A_5 = tpu.matmul %get3A_1, %get3A_4, %dot_general3A {dimension_numbers = #tpu.dot_dimension_numbers<[1], [0], [0], [1], [0, 0, 1, 1], [], []>, transpose_lhs_hint = false} : vector<400x128xf32>, vector<128x128xf32>, vector<400x128xf32> -> vector<400x128xf32>
    %swap3A = arith.constant 0 : index
    %swap3A_6 = arith.constant 0 : index
    %swap3A_7 = arith.constant 0 : index
    %swap3A_8 = vector.load %arg4[%swap3A, %swap3A_6, %swap3A_7] : memref<1x400x128xf32, #tpu.memory_space<vmem>>, vector<1x400x128xf32>
    %swap3A_9 = vector.shape_cast %swap3A_8 : vector<1x400x128xf32> to vector<400x128xf32>
    %swap3A_10 = vector.shape_cast %dot_general3A_5 : vector<400x128xf32> to vector<1x400x128xf32>
    tpu.vector_store %arg4[%swap3A, %swap3A_6, %swap3A_7], %swap3A_10 {strides = array<i32>} : memref<1x400x128xf32, #tpu.memory_space<vmem>>, vector<1x400x128xf32>,
    return
  }
  func.func @transform_0(%arg0: i32, %arg1: i32) -> (i32, i32) {
    %c0_i32 = arith.constant 0 : i32
    %c0_i32_0 = arith.constant 0 : i32
    return %arg0, %c0_i32 : i32, i32
  }
  func.func @transform_1(%arg0: i32, %arg1: i32) -> (i32, i32) {
    %c0_i32 = arith.constant 0 : i32
    %c0_i32_0 = arith.constant 0 : i32
    return %c0_i32, %arg1 : i32, i32
  }
  func.func @transform_2(%arg0: i32, %arg1: i32) -> (i32, i32, i32) {
    %c0_i32 = arith.constant 0 : i32
    %c0_i32_0 = arith.constant 0 : i32
    return %arg1, %arg0, %c0_i32 : i32, i32, i32
  }
}

module attributes {stable_mosaic.version = 14 : i64} {
  func.func @_combine_mm_body(%arg0: i32, %arg1: i32, %arg2: memref<1x400x128xf32, #tpu.memory_space<vmem>>, %arg3: memref<1x400x128xf32, #tpu.memory_space<vmem>>, %arg4: memref<1x256xf32, #tpu.memory_space<vmem>>, %arg5: memref<256x128xf32, #tpu.memory_space<vmem>>, %arg6: memref<1x400x128xf32, #tpu.memory_space<vmem>>) attributes {dimension_semantics = [#tpu.dimension_semantics<arbitrary>, #tpu.dimension_semantics<arbitrary>], iteration_bounds = array<i64: 25, 2>, scalar_prefetch = 0 : i64, scratch_operands = 0 : i64, tpu.core_type = #tpu.core_type<tc>, window_params = [{transform_indices = @transform_0, window_bounds = array<i64: 1, 400, 128>}, {transform_indices = @transform_1, window_bounds = array<i64: 1, 400, 128>}, {pipeline_mode = #tpu.pipeline_mode<synchronous>, transform_indices = @transform_2, window_bounds = array<i64: 1, 256>}, {transform_indices = @transform_3, window_bounds = array<i64: 256, 128>}, {transform_indices = @transform_4, window_bounds = array<i64: 1, 400, 128>}]} {
    %get3A = arith.constant 0 : index
    %get3A_0 = arith.constant 0 : index
    %get3A_1 = arith.constant 0 : index
    %get3A_2 = vector.load %arg2[%get3A, %get3A_0, %get3A_1] : memref<1x400x128xf32, #tpu.memory_space<vmem>>, vector<1x400x128xf32>
    %get3A_3 = vector.shape_cast %get3A_2 : vector<1x400x128xf32> to vector<400x128xf32>
    %get3A_4 = arith.constant 0 : index
    %get3A_5 = arith.constant 0 : index
    %get3A_6 = arith.constant 0 : index
    %get3A_7 = vector.load %arg3[%get3A_4, %get3A_5, %get3A_6] : memref<1x400x128xf32, #tpu.memory_space<vmem>>, vector<1x400x128xf32>
    %get3A_8 = vector.shape_cast %get3A_7 : vector<1x400x128xf32> to vector<400x128xf32>
    %concatenate3A = tpu.concatenate %get3A_3, %get3A_8 in 1 : vector<400x128xf32>, vector<400x128xf32> -> vector<400x256xf32>
    %get3A_9 = arith.constant 0 : index
    %get3A_10 = arith.constant 0 : index
    %get3A_11 = vector.load %arg4[%get3A_9, %get3A_10] : memref<1x256xf32, #tpu.memory_space<vmem>>, vector<1x256xf32>
    %add3A = vector.broadcast %get3A_11 : vector<1x256xf32> to vector<400x256xf32>
    %add3A_12 = arith.addf %concatenate3A, %add3A : vector<400x256xf32>
    %max3A = arith.constant 0.000000e+00 : f32
    %max3A_13 = vector.broadcast %max3A : f32 to vector<400x256xf32>
    %max3A_14 = arith.maximumf %add3A_12, %max3A_13 : vector<400x256xf32>
    %get3A_15 = arith.constant 0 : index
    %get3A_16 = arith.constant 0 : index
    %get3A_17 = vector.load %arg5[%get3A_15, %get3A_16] : memref<256x128xf32, #tpu.memory_space<vmem>>, vector<256x128xf32>
    %dot_general3A = arith.constant dense<0.000000e+00> : vector<400x128xf32>
    %dot_general3A_18 = tpu.matmul %max3A_14, %get3A_17, %dot_general3A {dimension_numbers = #tpu.dot_dimension_numbers<[1], [0], [0], [1], [0, 0, 1, 1], [], []>, transpose_lhs_hint = false} : vector<400x256xf32>, vector<256x128xf32>, vector<400x128xf32> -> vector<400x128xf32>
    %swap3A = arith.constant 0 : index
    %swap3A_19 = arith.constant 0 : index
    %swap3A_20 = arith.constant 0 : index
    %swap3A_21 = vector.load %arg6[%swap3A, %swap3A_19, %swap3A_20] : memref<1x400x128xf32, #tpu.memory_space<vmem>>, vector<1x400x128xf32>
    %swap3A_22 = vector.shape_cast %swap3A_21 : vector<1x400x128xf32> to vector<400x128xf32>
    %swap3A_23 = vector.shape_cast %dot_general3A_18 : vector<400x128xf32> to vector<1x400x128xf32>
    tpu.vector_store %arg6[%swap3A, %swap3A_19, %swap3A_20], %swap3A_23 {strides = array<i32>} : memref<1x400x128xf32, #tpu.memory_space<vmem>>, vector<1x400x128xf32>,
    return
  }
  func.func @transform_0(%arg0: i32, %arg1: i32) -> (i32, i32, i32) {
    %c0_i32 = arith.constant 0 : i32
    %c0_i32_0 = arith.constant 0 : i32
    %c0_i32_1 = arith.constant 0 : i32
    return %c0_i32, %arg0, %c0_i32_0 : i32, i32, i32
  }
  func.func @transform_1(%arg0: i32, %arg1: i32) -> (i32, i32, i32) {
    %c1_i32 = arith.constant 1 : i32
    %c0_i32 = arith.constant 0 : i32
    %c0_i32_0 = arith.constant 0 : i32
    return %c1_i32, %arg0, %c0_i32 : i32, i32, i32
  }
  func.func @transform_2(%arg0: i32, %arg1: i32) -> (i32, i32) {
    %c0_i32 = arith.constant 0 : i32
    %c0_i32_0 = arith.constant 0 : i32
    %c0_i32_1 = arith.constant 0 : i32
    return %c0_i32, %c0_i32_0 : i32, i32
  }
  func.func @transform_3(%arg0: i32, %arg1: i32) -> (i32, i32) {
    %c0_i32 = arith.constant 0 : i32
    %c0_i32_0 = arith.constant 0 : i32
    return %c0_i32, %arg1 : i32, i32
  }
  func.func @transform_4(%arg0: i32, %arg1: i32) -> (i32, i32, i32) {
    %c0_i32 = arith.constant 0 : i32
    %c0_i32_0 = arith.constant 0 : i32
    return %arg1, %arg0, %c0_i32 : i32, i32, i32
  }
}

module attributes {stable_mosaic.version = 14 : i64} {
  func.func @_pool_body(%arg0: i32, %arg1: memref<1x400x128xf32, #tpu.memory_space<vmem>>, %arg2: memref<1x400x128xf32, #tpu.memory_space<vmem>>, %arg3: memref<1x256xf32, #tpu.memory_space<vmem>>, %arg4: memref<1x1x400xi32, #tpu.memory_space<vmem>>, %arg5: memref<512x256xf32, #tpu.memory_space<vmem>>, %arg6: memref<512x256xf32, #tpu.memory_space<vmem>>, %arg7: memref<512x128xf32, #tpu.memory_space<vmem>>) attributes {dimension_semantics = [#tpu.dimension_semantics<arbitrary>], iteration_bounds = array<i64: 25>, scalar_prefetch = 0 : i64, scratch_operands = 2 : i64, tpu.core_type = #tpu.core_type<tc>, window_params = [{transform_indices = @transform_0, window_bounds = array<i64: 1, 400, 128>}, {transform_indices = @transform_1, window_bounds = array<i64: 1, 400, 128>}, {pipeline_mode = #tpu.pipeline_mode<synchronous>, transform_indices = @transform_2, window_bounds = array<i64: 1, 256>}, {transform_indices = @transform_3, window_bounds = array<i64: 1, 1, 400>}, {pipeline_mode = #tpu.pipeline_mode<synchronous>, transform_indices = @transform_4, window_bounds = array<i64: 512, 256>}]} {
    %eq3A = arith.constant 0 : i32
    %eq3A_0 = arith.cmpi eq, %arg0, %eq3A : i32
    %convert_element_type3A = arith.extui %eq3A_0 : i1 to i32
    %cond3A = arith.constant 0 : i32
    %cond3A_1 = arith.cmpi ne, %convert_element_type3A, %cond3A : i32
    scf.if %cond3A_1 {
      %broadcast_in_dim3A_49 = arith.constant 0.000000e+00 : f32
      %broadcast_in_dim3A_50 = vector.broadcast %broadcast_in_dim3A_49 : f32 to vector<512x256xf32>
      %swap3A_51 = arith.constant 0 : index
      %swap3A_52 = arith.constant 0 : index
      %swap3A_53 = vector.load %arg6[%swap3A_51, %swap3A_52] : memref<512x256xf32, #tpu.memory_space<vmem>>, vector<512x256xf32>
      tpu.vector_store %arg6[%swap3A_51, %swap3A_52], %broadcast_in_dim3A_50 {strides = array<i32>} : memref<512x256xf32, #tpu.memory_space<vmem>>, vector<512x256xf32>,
      %broadcast_in_dim3A_54 = arith.constant 0.000000e+00 : f32
      %broadcast_in_dim3A_55 = vector.broadcast %broadcast_in_dim3A_54 : f32 to vector<512x128xf32>
      %swap3A_56 = arith.constant 0 : index
      %swap3A_57 = arith.constant 0 : index
      %swap3A_58 = vector.load %arg7[%swap3A_56, %swap3A_57] : memref<512x128xf32, #tpu.memory_space<vmem>>, vector<512x128xf32>
      tpu.vector_store %arg7[%swap3A_56, %swap3A_57], %broadcast_in_dim3A_55 {strides = array<i32>} : memref<512x128xf32, #tpu.memory_space<vmem>>, vector<512x128xf32>,
    } else {
    }
    %get3A = arith.constant 0 : index
    %get3A_2 = arith.constant 0 : index
    %get3A_3 = arith.constant 0 : index
    %get3A_4 = vector.load %arg1[%get3A, %get3A_2, %get3A_3] : memref<1x400x128xf32, #tpu.memory_space<vmem>>, vector<1x400x128xf32>
    %get3A_5 = vector.shape_cast %get3A_4 : vector<1x400x128xf32> to vector<400x128xf32>
    %get3A_6 = arith.constant 0 : index
    %get3A_7 = arith.constant 0 : index
    %get3A_8 = arith.constant 0 : index
    %get3A_9 = vector.load %arg2[%get3A_6, %get3A_7, %get3A_8] : memref<1x400x128xf32, #tpu.memory_space<vmem>>, vector<1x400x128xf32>
    %get3A_10 = vector.shape_cast %get3A_9 : vector<1x400x128xf32> to vector<400x128xf32>
    %concatenate3A = tpu.concatenate %get3A_5, %get3A_10 in 1 : vector<400x128xf32>, vector<400x128xf32> -> vector<400x256xf32>
    %get3A_11 = arith.constant 0 : index
    %get3A_12 = arith.constant 0 : index
    %get3A_13 = vector.load %arg3[%get3A_11, %get3A_12] : memref<1x256xf32, #tpu.memory_space<vmem>>, vector<1x256xf32>
    %add3A = vector.broadcast %get3A_13 : vector<1x256xf32> to vector<400x256xf32>
    %add3A_14 = arith.addf %concatenate3A, %add3A : vector<400x256xf32>
    %max3A = arith.constant 0.000000e+00 : f32
    %max3A_15 = vector.broadcast %max3A : f32 to vector<400x256xf32>
    %max3A_16 = arith.maximumf %add3A_14, %max3A_15 : vector<400x256xf32>
    %get3A_17 = arith.constant 0 : index
    %get3A_18 = arith.constant 0 : index
    %get3A_19 = arith.constant 0 : index
    %get3A_20 = vector.load %arg4[%get3A_17, %get3A_18, %get3A_19] : memref<1x1x400xi32, #tpu.memory_space<vmem>>, vector<1x1x400xi32>
    %get3A_21 = vector.shape_cast %get3A_20 : vector<1x1x400xi32> to vector<400xi32>
    %iota3A = tpu.iota {dimensions = array<i32: 0>} : vector<512x400xi32>
    %broadcast_in_dim3A = vector.shape_cast %get3A_21 : vector<400xi32> to vector<1x400xi32>
    %eq3A_22 = vector.broadcast %broadcast_in_dim3A : vector<1x400xi32> to vector<512x400xi32>
    %eq3A_23 = arith.cmpi eq, %iota3A, %eq3A_22 : vector<512x400xi32>
    %convert_element_type3A_24 = arith.extui %eq3A_23 : vector<512x400xi1> to vector<512x400xi32>
    %convert_element_type3A_25 = arith.sitofp %convert_element_type3A_24 : vector<512x400xi32> to vector<512x400xf32>
    %get3A_26 = arith.constant 0 : index
    %get3A_27 = arith.constant 0 : index
    %get3A_28 = vector.load %arg6[%get3A_26, %get3A_27] : memref<512x256xf32, #tpu.memory_space<vmem>>, vector<512x256xf32>
    %dot_general3A = arith.constant dense<0.000000e+00> : vector<512x256xf32>
    %dot_general3A_29 = tpu.matmul %convert_element_type3A_25, %max3A_16, %dot_general3A {dimension_numbers = #tpu.dot_dimension_numbers<[1], [0], [0], [1], [0, 0, 1, 1], [], []>, transpose_lhs_hint = false} : vector<512x400xf32>, vector<400x256xf32>, vector<512x256xf32> -> vector<512x256xf32>
    %add3A_30 = arith.addf %get3A_28, %dot_general3A_29 : vector<512x256xf32>
    %swap3A = arith.constant 0 : index
    %swap3A_31 = arith.constant 0 : index
    %swap3A_32 = vector.load %arg6[%swap3A, %swap3A_31] : memref<512x256xf32, #tpu.memory_space<vmem>>, vector<512x256xf32>
    tpu.vector_store %arg6[%swap3A, %swap3A_31], %add3A_30 {strides = array<i32>} : memref<512x256xf32, #tpu.memory_space<vmem>>, vector<512x256xf32>,
    %get3A_33 = arith.constant 0 : index
    %get3A_34 = arith.constant 0 : index
    %get3A_35 = vector.load %arg7[%get3A_33, %get3A_34] : memref<512x128xf32, #tpu.memory_space<vmem>>, vector<512x128xf32>
    %broadcast_in_dim3A_36 = arith.constant 1.000000e+00 : f32
    %broadcast_in_dim3A_37 = vector.broadcast %broadcast_in_dim3A_36 : f32 to vector<400x128xf32>
    %dot_general3A_38 = arith.constant dense<0.000000e+00> : vector<512x128xf32>
    %dot_general3A_39 = tpu.matmul %convert_element_type3A_25, %broadcast_in_dim3A_37, %dot_general3A_38 {dimension_numbers = #tpu.dot_dimension_numbers<[1], [0], [0], [1], [0, 0, 1, 1], [], []>, transpose_lhs_hint = false} : vector<512x400xf32>, vector<400x128xf32>, vector<512x128xf32> -> vector<512x128xf32>
    %add3A_40 = arith.addf %get3A_35, %dot_general3A_39 : vector<512x128xf32>
    %swap3A_41 = arith.constant 0 : index
    %swap3A_42 = arith.constant 0 : index
    %swap3A_43 = vector.load %arg7[%swap3A_41, %swap3A_42] : memref<512x128xf32, #tpu.memory_space<vmem>>, vector<512x128xf32>
    tpu.vector_store %arg7[%swap3A_41, %swap3A_42], %add3A_40 {strides = array<i32>} : memref<512x128xf32, #tpu.memory_space<vmem>>, vector<512x128xf32>,
    %eq3A_44 = arith.constant 24 : i32
    %eq3A_45 = arith.cmpi eq, %arg0, %eq3A_44 : i32
    %convert_element_type3A_46 = arith.extui %eq3A_45 : i1 to i32
    %cond3A_47 = arith.constant 0 : i32
    %cond3A_48 = arith.cmpi ne, %convert_element_type3A_46, %cond3A_47 : i32
    scf.if %cond3A_48 {
      %get3A_49 = arith.constant 0 : index
      %get3A_50 = arith.constant 0 : index
      %get3A_51 = vector.load %arg7[%get3A_49, %get3A_50] : memref<512x128xf32, #tpu.memory_space<vmem>>, vector<512x128xf32>
      %max3A_52 = arith.constant 1.000000e+00 : f32
      %max3A_53 = vector.broadcast %max3A_52 : f32 to vector<512x128xf32>
      %max3A_54 = arith.maximumf %get3A_51, %max3A_53 : vector<512x128xf32>
      %get3A_55 = arith.constant 0 : index
      %get3A_56 = arith.constant 0 : index
      %get3A_57 = vector.load %arg6[%get3A_55, %get3A_56] : memref<512x256xf32, #tpu.memory_space<vmem>>, vector<512x256xf32>
      %concatenate3A_58 = tpu.concatenate %max3A_54, %max3A_54 in 1 : vector<512x128xf32>, vector<512x128xf32> -> vector<512x256xf32>
      %div3A = arith.divf %get3A_57, %concatenate3A_58 : vector<512x256xf32>
      %swap3A_59 = arith.constant 0 : index
      %swap3A_60 = arith.constant 0 : index
      %swap3A_61 = vector.load %arg5[%swap3A_59, %swap3A_60] : memref<512x256xf32, #tpu.memory_space<vmem>>, vector<512x256xf32>
      tpu.vector_store %arg5[%swap3A_59, %swap3A_60], %div3A {strides = array<i32>} : memref<512x256xf32, #tpu.memory_space<vmem>>, vector<512x256xf32>,
    } else {
    }
    return
  }
  func.func @transform_0(%arg0: i32) -> (i32, i32, i32) {
    %c0_i32 = arith.constant 0 : i32
    %c0_i32_0 = arith.constant 0 : i32
    %c0_i32_1 = arith.constant 0 : i32
    return %c0_i32, %arg0, %c0_i32_0 : i32, i32, i32
  }
  func.func @transform_1(%arg0: i32) -> (i32, i32, i32) {
    %c1_i32 = arith.constant 1 : i32
    %c0_i32 = arith.constant 0 : i32
    %c0_i32_0 = arith.constant 0 : i32
    return %c1_i32, %arg0, %c0_i32 : i32, i32, i32
  }
  func.func @transform_2(%arg0: i32) -> (i32, i32) {
    %c0_i32 = arith.constant 0 : i32
    %c0_i32_0 = arith.constant 0 : i32
    %c0_i32_1 = arith.constant 0 : i32
    return %c0_i32, %c0_i32_0 : i32, i32
  }
  func.func @transform_3(%arg0: i32) -> (i32, i32, i32) {
    %c0_i32 = arith.constant 0 : i32
    %c0_i32_0 = arith.constant 0 : i32
    %c0_i32_1 = arith.constant 0 : i32
    return %arg0, %c0_i32, %c0_i32_0 : i32, i32, i32
  }
  func.func @transform_4(%arg0: i32) -> (i32, i32) {
    %c0_i32 = arith.constant 0 : i32
    %c0_i32_0 = arith.constant 0 : i32
    %c0_i32_1 = arith.constant 0 : i32
    return %c0_i32, %c0_i32_0 : i32, i32
  }
}

module attributes {stable_mosaic.version = 14 : i64} {
  func.func @_smallnet_body(%arg0: memref<512x256xf32, #tpu.memory_space<vmem>>, %arg1: memref<1x8192xi32, #tpu.memory_space<vmem>>, %arg2: memref<1x8192xi32, #tpu.memory_space<vmem>>, %arg3: memref<256x256xf32, #tpu.memory_space<vmem>>, %arg4: memref<1x256xf32, #tpu.memory_space<vmem>>, %arg5: memref<256x512xf32, #tpu.memory_space<vmem>>, %arg6: memref<1x512xf32, #tpu.memory_space<vmem>>, %arg7: memref<512x512xf32, #tpu.memory_space<vmem>>, %arg8: memref<1x512xf32, #tpu.memory_space<vmem>>, %arg9: memref<512x1024xf32, #tpu.memory_space<vmem>>, %arg10: memref<1x1024xf32, #tpu.memory_space<vmem>>, %arg11: memref<1024x1024xf32, #tpu.memory_space<vmem>>, %arg12: memref<1x1024xf32, #tpu.memory_space<vmem>>, %arg13: memref<512x128xf32, #tpu.memory_space<vmem>>, %arg14: memref<1x128xf32, #tpu.memory_space<vmem>>, %arg15: memref<1024x128xf32, #tpu.memory_space<vmem>>, %arg16: memref<1x128xf32, #tpu.memory_space<vmem>>, %arg17: memref<1x256xf32, #tpu.memory_space<vmem>>, %arg18: memref<512x256xf32, #tpu.memory_space<vmem>>, %arg19: memref<1x512xf32, #tpu.memory_space<vmem>>, %arg20: memref<1x512xf32, #tpu.memory_space<vmem>>) attributes {dimension_semantics = [], scalar_prefetch = 0 : i64, scratch_operands = 0 : i64, tpu.core_type = #tpu.core_type<tc>} {
    %iota3A = tpu.iota {dimensions = array<i32: 0>} : vector<512x1024xi32>
    %broadcast_in_dim3A = arith.constant 0.000000e+00 : f32
    %broadcast_in_dim3A_0 = vector.broadcast %broadcast_in_dim3A : f32 to vector<512x512xf32>
    %get3A = arith.constant 0 : index
    %get3A_1 = arith.constant 0 : index
    %get3A_2 = vector.load %arg1[%get3A, %get3A_1] : memref<1x8192xi32, #tpu.memory_space<vmem>>, vector<1x1024xi32>
    %get3A_3 = vector.shape_cast %get3A_2 : vector<1x1024xi32> to vector<1024xi32>
    %get3A_4 = arith.constant 0 : index
    %get3A_5 = arith.constant 0 : index
    %get3A_6 = vector.load %arg2[%get3A_4, %get3A_5] : memref<1x8192xi32, #tpu.memory_space<vmem>>, vector<1x1024xi32>
    %get3A_7 = vector.shape_cast %get3A_6 : vector<1x1024xi32> to vector<1024xi32>
    %broadcast_in_dim3A_8 = vector.shape_cast %get3A_7 : vector<1024xi32> to vector<1x1024xi32>
    %eq3A = vector.broadcast %broadcast_in_dim3A_8 : vector<1x1024xi32> to vector<512x1024xi32>
    %eq3A_9 = arith.cmpi eq, %iota3A, %eq3A : vector<512x1024xi32>
    %convert_element_type3A = arith.extui %eq3A_9 : vector<512x1024xi1> to vector<512x1024xi32>
    %convert_element_type3A_10 = arith.sitofp %convert_element_type3A : vector<512x1024xi32> to vector<512x1024xf32>
    %convert_element_type3A_11 = arith.truncf %convert_element_type3A_10 : vector<512x1024xf32> to vector<512x1024xbf16>
    %broadcast_in_dim3A_12 = vector.shape_cast %get3A_3 : vector<1024xi32> to vector<1x1024xi32>
    %eq3A_13 = vector.broadcast %broadcast_in_dim3A_12 : vector<1x1024xi32> to vector<512x1024xi32>
    %eq3A_14 = arith.cmpi eq, %iota3A, %eq3A_13 : vector<512x1024xi32>
    %convert_element_type3A_15 = arith.extui %eq3A_14 : vector<512x1024xi1> to vector<512x1024xi32>
    %convert_element_type3A_16 = arith.sitofp %convert_element_type3A_15 : vector<512x1024xi32> to vector<512x1024xf32>
    %convert_element_type3A_17 = arith.truncf %convert_element_type3A_16 : vector<512x1024xf32> to vector<512x1024xbf16>
    %dot_general3A = arith.constant dense<0.000000e+00> : vector<512x512xf32>
    %dot_general3A_18 = tpu.matmul %convert_element_type3A_11, %convert_element_type3A_17, %dot_general3A {dimension_numbers = #tpu.dot_dimension_numbers<[1], [1], [0], [0], [0, 0, 1, 0], [], []>, transpose_lhs_hint = false} : vector<512x1024xbf16>, vector<512x1024xbf16>, vector<512x512xf32> -> vector<512x512xf32>
    %add3A = arith.addf %broadcast_in_dim3A_0, %dot_general3A_18 : vector<512x512xf32>
    %get3A_19 = arith.constant 0 : index
    %get3A_20 = arith.constant 1024 : index
    %get3A_21 = vector.load %arg1[%get3A_19, %get3A_20] : memref<1x8192xi32, #tpu.memory_space<vmem>>, vector<1x1024xi32>
    %get3A_22 = vector.shape_cast %get3A_21 : vector<1x1024xi32> to vector<1024xi32>
    %get3A_23 = arith.constant 0 : index
    %get3A_24 = arith.constant 1024 : index
    %get3A_25 = vector.load %arg2[%get3A_23, %get3A_24] : memref<1x8192xi32, #tpu.memory_space<vmem>>, vector<1x1024xi32>
    %get3A_26 = vector.shape_cast %get3A_25 : vector<1x1024xi32> to vector<1024xi32>
    %broadcast_in_dim3A_27 = vector.shape_cast %get3A_26 : vector<1024xi32> to vector<1x1024xi32>
    %eq3A_28 = vector.broadcast %broadcast_in_dim3A_27 : vector<1x1024xi32> to vector<512x1024xi32>
    %eq3A_29 = arith.cmpi eq, %iota3A, %eq3A_28 : vector<512x1024xi32>
    %convert_element_type3A_30 = arith.extui %eq3A_29 : vector<512x1024xi1> to vector<512x1024xi32>
    %convert_element_type3A_31 = arith.sitofp %convert_element_type3A_30 : vector<512x1024xi32> to vector<512x1024xf32>
    %convert_element_type3A_32 = arith.truncf %convert_element_type3A_31 : vector<512x1024xf32> to vector<512x1024xbf16>
    %broadcast_in_dim3A_33 = vector.shape_cast %get3A_22 : vector<1024xi32> to vector<1x1024xi32>
    %eq3A_34 = vector.broadcast %broadcast_in_dim3A_33 : vector<1x1024xi32> to vector<512x1024xi32>
    %eq3A_35 = arith.cmpi eq, %iota3A, %eq3A_34 : vector<512x1024xi32>
    %convert_element_type3A_36 = arith.extui %eq3A_35 : vector<512x1024xi1> to vector<512x1024xi32>
    %convert_element_type3A_37 = arith.sitofp %convert_element_type3A_36 : vector<512x1024xi32> to vector<512x1024xf32>
    %convert_element_type3A_38 = arith.truncf %convert_element_type3A_37 : vector<512x1024xf32> to vector<512x1024xbf16>
    %dot_general3A_39 = arith.constant dense<0.000000e+00> : vector<512x512xf32>
    %dot_general3A_40 = tpu.matmul %convert_element_type3A_32, %convert_element_type3A_38, %dot_general3A_39 {dimension_numbers = #tpu.dot_dimension_numbers<[1], [1], [0], [0], [0, 0, 1, 0], [], []>, transpose_lhs_hint = false} : vector<512x1024xbf16>, vector<512x1024xbf16>, vector<512x512xf32> -> vector<512x512xf32>
    %add3A_41 = arith.addf %add3A, %dot_general3A_40 : vector<512x512xf32>
    %get3A_42 = arith.constant 0 : index
    %get3A_43 = arith.constant 2048 : index
    %get3A_44 = vector.load %arg1[%get3A_42, %get3A_43] : memref<1x8192xi32, #tpu.memory_space<vmem>>, vector<1x1024xi32>
    %get3A_45 = vector.shape_cast %get3A_44 : vector<1x1024xi32> to vector<1024xi32>
    %get3A_46 = arith.constant 0 : index
    %get3A_47 = arith.constant 2048 : index
    %get3A_48 = vector.load %arg2[%get3A_46, %get3A_47] : memref<1x8192xi32, #tpu.memory_space<vmem>>, vector<1x1024xi32>
    %get3A_49 = vector.shape_cast %get3A_48 : vector<1x1024xi32> to vector<1024xi32>
    %broadcast_in_dim3A_50 = vector.shape_cast %get3A_49 : vector<1024xi32> to vector<1x1024xi32>
    %eq3A_51 = vector.broadcast %broadcast_in_dim3A_50 : vector<1x1024xi32> to vector<512x1024xi32>
    %eq3A_52 = arith.cmpi eq, %iota3A, %eq3A_51 : vector<512x1024xi32>
    %convert_element_type3A_53 = arith.extui %eq3A_52 : vector<512x1024xi1> to vector<512x1024xi32>
    %convert_element_type3A_54 = arith.sitofp %convert_element_type3A_53 : vector<512x1024xi32> to vector<512x1024xf32>
    %convert_element_type3A_55 = arith.truncf %convert_element_type3A_54 : vector<512x1024xf32> to vector<512x1024xbf16>
    %broadcast_in_dim3A_56 = vector.shape_cast %get3A_45 : vector<1024xi32> to vector<1x1024xi32>
    %eq3A_57 = vector.broadcast %broadcast_in_dim3A_56 : vector<1x1024xi32> to vector<512x1024xi32>
    %eq3A_58 = arith.cmpi eq, %iota3A, %eq3A_57 : vector<512x1024xi32>
    %convert_element_type3A_59 = arith.extui %eq3A_58 : vector<512x1024xi1> to vector<512x1024xi32>
    %convert_element_type3A_60 = arith.sitofp %convert_element_type3A_59 : vector<512x1024xi32> to vector<512x1024xf32>
    %convert_element_type3A_61 = arith.truncf %convert_element_type3A_60 : vector<512x1024xf32> to vector<512x1024xbf16>
    %dot_general3A_62 = arith.constant dense<0.000000e+00> : vector<512x512xf32>
    %dot_general3A_63 = tpu.matmul %convert_element_type3A_55, %convert_element_type3A_61, %dot_general3A_62 {dimension_numbers = #tpu.dot_dimension_numbers<[1], [1], [0], [0], [0, 0, 1, 0], [], []>, transpose_lhs_hint = false} : vector<512x1024xbf16>, vector<512x1024xbf16>, vector<512x512xf32> -> vector<512x512xf32>
    %add3A_64 = arith.addf %add3A_41, %dot_general3A_63 : vector<512x512xf32>
    %get3A_65 = arith.constant 0 : index
    %get3A_66 = arith.constant 3072 : index
    %get3A_67 = vector.load %arg1[%get3A_65, %get3A_66] : memref<1x8192xi32, #tpu.memory_space<vmem>>, vector<1x1024xi32>
    %get3A_68 = vector.shape_cast %get3A_67 : vector<1x1024xi32> to vector<1024xi32>
    %get3A_69 = arith.constant 0 : index
    %get3A_70 = arith.constant 3072 : index
    %get3A_71 = vector.load %arg2[%get3A_69, %get3A_70] : memref<1x8192xi32, #tpu.memory_space<vmem>>, vector<1x1024xi32>
    %get3A_72 = vector.shape_cast %get3A_71 : vector<1x1024xi32> to vector<1024xi32>
    %broadcast_in_dim3A_73 = vector.shape_cast %get3A_72 : vector<1024xi32> to vector<1x1024xi32>
    %eq3A_74 = vector.broadcast %broadcast_in_dim3A_73 : vector<1x1024xi32> to vector<512x1024xi32>
    %eq3A_75 = arith.cmpi eq, %iota3A, %eq3A_74 : vector<512x1024xi32>
    %convert_element_type3A_76 = arith.extui %eq3A_75 : vector<512x1024xi1> to vector<512x1024xi32>
    %convert_element_type3A_77 = arith.sitofp %convert_element_type3A_76 : vector<512x1024xi32> to vector<512x1024xf32>
    %convert_element_type3A_78 = arith.truncf %convert_element_type3A_77 : vector<512x1024xf32> to vector<512x1024xbf16>
    %broadcast_in_dim3A_79 = vector.shape_cast %get3A_68 : vector<1024xi32> to vector<1x1024xi32>
    %eq3A_80 = vector.broadcast %broadcast_in_dim3A_79 : vector<1x1024xi32> to vector<512x1024xi32>
    %eq3A_81 = arith.cmpi eq, %iota3A, %eq3A_80 : vector<512x1024xi32>
    %convert_element_type3A_82 = arith.extui %eq3A_81 : vector<512x1024xi1> to vector<512x1024xi32>
    %convert_element_type3A_83 = arith.sitofp %convert_element_type3A_82 : vector<512x1024xi32> to vector<512x1024xf32>
    %convert_element_type3A_84 = arith.truncf %convert_element_type3A_83 : vector<512x1024xf32> to vector<512x1024xbf16>
    %dot_general3A_85 = arith.constant dense<0.000000e+00> : vector<512x512xf32>
    %dot_general3A_86 = tpu.matmul %convert_element_type3A_78, %convert_element_type3A_84, %dot_general3A_85 {dimension_numbers = #tpu.dot_dimension_numbers<[1], [1], [0], [0], [0, 0, 1, 0], [], []>, transpose_lhs_hint = false} : vector<512x1024xbf16>, vector<512x1024xbf16>, vector<512x512xf32> -> vector<512x512xf32>
    %add3A_87 = arith.addf %add3A_64, %dot_general3A_86 : vector<512x512xf32>
    %get3A_88 = arith.constant 0 : index
    %get3A_89 = arith.constant 4096 : index
    %get3A_90 = vector.load %arg1[%get3A_88, %get3A_89] : memref<1x8192xi32, #tpu.memory_space<vmem>>, vector<1x1024xi32>
    %get3A_91 = vector.shape_cast %get3A_90 : vector<1x1024xi32> to vector<1024xi32>
    %get3A_92 = arith.constant 0 : index
    %get3A_93 = arith.constant 4096 : index
    %get3A_94 = vector.load %arg2[%get3A_92, %get3A_93] : memref<1x8192xi32, #tpu.memory_space<vmem>>, vector<1x1024xi32>
    %get3A_95 = vector.shape_cast %get3A_94 : vector<1x1024xi32> to vector<1024xi32>
    %broadcast_in_dim3A_96 = vector.shape_cast %get3A_95 : vector<1024xi32> to vector<1x1024xi32>
    %eq3A_97 = vector.broadcast %broadcast_in_dim3A_96 : vector<1x1024xi32> to vector<512x1024xi32>
    %eq3A_98 = arith.cmpi eq, %iota3A, %eq3A_97 : vector<512x1024xi32>
    %convert_element_type3A_99 = arith.extui %eq3A_98 : vector<512x1024xi1> to vector<512x1024xi32>
    %convert_element_type3A_100 = arith.sitofp %convert_element_type3A_99 : vector<512x1024xi32> to vector<512x1024xf32>
    %convert_element_type3A_101 = arith.truncf %convert_element_type3A_100 : vector<512x1024xf32> to vector<512x1024xbf16>
    %broadcast_in_dim3A_102 = vector.shape_cast %get3A_91 : vector<1024xi32> to vector<1x1024xi32>
    %eq3A_103 = vector.broadcast %broadcast_in_dim3A_102 : vector<1x1024xi32> to vector<512x1024xi32>
    %eq3A_104 = arith.cmpi eq, %iota3A, %eq3A_103 : vector<512x1024xi32>
    %convert_element_type3A_105 = arith.extui %eq3A_104 : vector<512x1024xi1> to vector<512x1024xi32>
    %convert_element_type3A_106 = arith.sitofp %convert_element_type3A_105 : vector<512x1024xi32> to vector<512x1024xf32>
    %convert_element_type3A_107 = arith.truncf %convert_element_type3A_106 : vector<512x1024xf32> to vector<512x1024xbf16>
    %dot_general3A_108 = arith.constant dense<0.000000e+00> : vector<512x512xf32>
    %dot_general3A_109 = tpu.matmul %convert_element_type3A_101, %convert_element_type3A_107, %dot_general3A_108 {dimension_numbers = #tpu.dot_dimension_numbers<[1], [1], [0], [0], [0, 0, 1, 0], [], []>, transpose_lhs_hint = false} : vector<512x1024xbf16>, vector<512x1024xbf16>, vector<512x512xf32> -> vector<512x512xf32>
    %add3A_110 = arith.addf %add3A_87, %dot_general3A_109 : vector<512x512xf32>
    %get3A_111 = arith.constant 0 : index
    %get3A_112 = arith.constant 5120 : index
    %get3A_113 = vector.load %arg1[%get3A_111, %get3A_112] : memref<1x8192xi32, #tpu.memory_space<vmem>>, vector<1x1024xi32>
    %get3A_114 = vector.shape_cast %get3A_113 : vector<1x1024xi32> to vector<1024xi32>
    %get3A_115 = arith.constant 0 : index
    %get3A_116 = arith.constant 5120 : index
    %get3A_117 = vector.load %arg2[%get3A_115, %get3A_116] : memref<1x8192xi32, #tpu.memory_space<vmem>>, vector<1x1024xi32>
    %get3A_118 = vector.shape_cast %get3A_117 : vector<1x1024xi32> to vector<1024xi32>
    %broadcast_in_dim3A_119 = vector.shape_cast %get3A_118 : vector<1024xi32> to vector<1x1024xi32>
    %eq3A_120 = vector.broadcast %broadcast_in_dim3A_119 : vector<1x1024xi32> to vector<512x1024xi32>
    %eq3A_121 = arith.cmpi eq, %iota3A, %eq3A_120 : vector<512x1024xi32>
    %convert_element_type3A_122 = arith.extui %eq3A_121 : vector<512x1024xi1> to vector<512x1024xi32>
    %convert_element_type3A_123 = arith.sitofp %convert_element_type3A_122 : vector<512x1024xi32> to vector<512x1024xf32>
    %convert_element_type3A_124 = arith.truncf %convert_element_type3A_123 : vector<512x1024xf32> to vector<512x1024xbf16>
    %broadcast_in_dim3A_125 = vector.shape_cast %get3A_114 : vector<1024xi32> to vector<1x1024xi32>
    %eq3A_126 = vector.broadcast %broadcast_in_dim3A_125 : vector<1x1024xi32> to vector<512x1024xi32>
    %eq3A_127 = arith.cmpi eq, %iota3A, %eq3A_126 : vector<512x1024xi32>
    %convert_element_type3A_128 = arith.extui %eq3A_127 : vector<512x1024xi1> to vector<512x1024xi32>
    %convert_element_type3A_129 = arith.sitofp %convert_element_type3A_128 : vector<512x1024xi32> to vector<512x1024xf32>
    %convert_element_type3A_130 = arith.truncf %convert_element_type3A_129 : vector<512x1024xf32> to vector<512x1024xbf16>
    %dot_general3A_131 = arith.constant dense<0.000000e+00> : vector<512x512xf32>
    %dot_general3A_132 = tpu.matmul %convert_element_type3A_124, %convert_element_type3A_130, %dot_general3A_131 {dimension_numbers = #tpu.dot_dimension_numbers<[1], [1], [0], [0], [0, 0, 1, 0], [], []>, transpose_lhs_hint = false} : vector<512x1024xbf16>, vector<512x1024xbf16>, vector<512x512xf32> -> vector<512x512xf32>
    %add3A_133 = arith.addf %add3A_110, %dot_general3A_132 : vector<512x512xf32>
    %get3A_134 = arith.constant 0 : index
    %get3A_135 = arith.constant 6144 : index
    %get3A_136 = vector.load %arg1[%get3A_134, %get3A_135] : memref<1x8192xi32, #tpu.memory_space<vmem>>, vector<1x1024xi32>
    %get3A_137 = vector.shape_cast %get3A_136 : vector<1x1024xi32> to vector<1024xi32>
    %get3A_138 = arith.constant 0 : index
    %get3A_139 = arith.constant 6144 : index
    %get3A_140 = vector.load %arg2[%get3A_138, %get3A_139] : memref<1x8192xi32, #tpu.memory_space<vmem>>, vector<1x1024xi32>
    %get3A_141 = vector.shape_cast %get3A_140 : vector<1x1024xi32> to vector<1024xi32>
    %broadcast_in_dim3A_142 = vector.shape_cast %get3A_141 : vector<1024xi32> to vector<1x1024xi32>
    %eq3A_143 = vector.broadcast %broadcast_in_dim3A_142 : vector<1x1024xi32> to vector<512x1024xi32>
    %eq3A_144 = arith.cmpi eq, %iota3A, %eq3A_143 : vector<512x1024xi32>
    %convert_element_type3A_145 = arith.extui %eq3A_144 : vector<512x1024xi1> to vector<512x1024xi32>
    %convert_element_type3A_146 = arith.sitofp %convert_element_type3A_145 : vector<512x1024xi32> to vector<512x1024xf32>
    %convert_element_type3A_147 = arith.truncf %convert_element_type3A_146 : vector<512x1024xf32> to vector<512x1024xbf16>
    %broadcast_in_dim3A_148 = vector.shape_cast %get3A_137 : vector<1024xi32> to vector<1x1024xi32>
    %eq3A_149 = vector.broadcast %broadcast_in_dim3A_148 : vector<1x1024xi32> to vector<512x1024xi32>
    %eq3A_150 = arith.cmpi eq, %iota3A, %eq3A_149 : vector<512x1024xi32>
    %convert_element_type3A_151 = arith.extui %eq3A_150 : vector<512x1024xi1> to vector<512x1024xi32>
    %convert_element_type3A_152 = arith.sitofp %convert_element_type3A_151 : vector<512x1024xi32> to vector<512x1024xf32>
    %convert_element_type3A_153 = arith.truncf %convert_element_type3A_152 : vector<512x1024xf32> to vector<512x1024xbf16>
    %dot_general3A_154 = arith.constant dense<0.000000e+00> : vector<512x512xf32>
    %dot_general3A_155 = tpu.matmul %convert_element_type3A_147, %convert_element_type3A_153, %dot_general3A_154 {dimension_numbers = #tpu.dot_dimension_numbers<[1], [1], [0], [0], [0, 0, 1, 0], [], []>, transpose_lhs_hint = false} : vector<512x1024xbf16>, vector<512x1024xbf16>, vector<512x512xf32> -> vector<512x512xf32>
    %add3A_156 = arith.addf %add3A_133, %dot_general3A_155 : vector<512x512xf32>
    %get3A_157 = arith.constant 0 : index
    %get3A_158 = arith.constant 7168 : index
    %get3A_159 = vector.load %arg1[%get3A_157, %get3A_158] : memref<1x8192xi32, #tpu.memory_space<vmem>>, vector<1x1024xi32>
    %get3A_160 = vector.shape_cast %get3A_159 : vector<1x1024xi32> to vector<1024xi32>
    %get3A_161 = arith.constant 0 : index
    %get3A_162 = arith.constant 7168 : index
    %get3A_163 = vector.load %arg2[%get3A_161, %get3A_162] : memref<1x8192xi32, #tpu.memory_space<vmem>>, vector<1x1024xi32>
    %get3A_164 = vector.shape_cast %get3A_163 : vector<1x1024xi32> to vector<1024xi32>
    %broadcast_in_dim3A_165 = vector.shape_cast %get3A_164 : vector<1024xi32> to vector<1x1024xi32>
    %eq3A_166 = vector.broadcast %broadcast_in_dim3A_165 : vector<1x1024xi32> to vector<512x1024xi32>
    %eq3A_167 = arith.cmpi eq, %iota3A, %eq3A_166 : vector<512x1024xi32>
    %convert_element_type3A_168 = arith.extui %eq3A_167 : vector<512x1024xi1> to vector<512x1024xi32>
    %convert_element_type3A_169 = arith.sitofp %convert_element_type3A_168 : vector<512x1024xi32> to vector<512x1024xf32>
    %convert_element_type3A_170 = arith.truncf %convert_element_type3A_169 : vector<512x1024xf32> to vector<512x1024xbf16>
    %broadcast_in_dim3A_171 = vector.shape_cast %get3A_160 : vector<1024xi32> to vector<1x1024xi32>
    %eq3A_172 = vector.broadcast %broadcast_in_dim3A_171 : vector<1x1024xi32> to vector<512x1024xi32>
    %eq3A_173 = arith.cmpi eq, %iota3A, %eq3A_172 : vector<512x1024xi32>
    %convert_element_type3A_174 = arith.extui %eq3A_173 : vector<512x1024xi1> to vector<512x1024xi32>
    %convert_element_type3A_175 = arith.sitofp %convert_element_type3A_174 : vector<512x1024xi32> to vector<512x1024xf32>
    %convert_element_type3A_176 = arith.truncf %convert_element_type3A_175 : vector<512x1024xf32> to vector<512x1024xbf16>
    %dot_general3A_177 = arith.constant dense<0.000000e+00> : vector<512x512xf32>
    %dot_general3A_178 = tpu.matmul %convert_element_type3A_170, %convert_element_type3A_176, %dot_general3A_177 {dimension_numbers = #tpu.dot_dimension_numbers<[1], [1], [0], [0], [0, 0, 1, 0], [], []>, transpose_lhs_hint = false} : vector<512x1024xbf16>, vector<512x1024xbf16>, vector<512x512xf32> -> vector<512x512xf32>
    %add3A_179 = arith.addf %add3A_156, %dot_general3A_178 : vector<512x512xf32>
    %get3A_180 = arith.constant 0 : index
    %get3A_181 = arith.constant 0 : index
    %get3A_182 = vector.load %arg0[%get3A_180, %get3A_181] : memref<512x256xf32, #tpu.memory_space<vmem>>, vector<512x256xf32>
    %get3A_183 = arith.constant 0 : index
    %get3A_184 = arith.constant 0 : index
    %get3A_185 = vector.load %arg3[%get3A_183, %get3A_184] : memref<256x256xf32, #tpu.memory_space<vmem>>, vector<256x256xf32>
    %dot_general3A_186 = arith.constant dense<0.000000e+00> : vector<512x256xf32>
    %dot_general3A_187 = tpu.matmul %get3A_182, %get3A_185, %dot_general3A_186 {dimension_numbers = #tpu.dot_dimension_numbers<[1], [0], [0], [1], [0, 0, 1, 1], [], []>, transpose_lhs_hint = false} : vector<512x256xf32>, vector<256x256xf32>, vector<512x256xf32> -> vector<512x256xf32>
    %get3A_188 = arith.constant 0 : index
    %get3A_189 = arith.constant 0 : index
    %get3A_190 = vector.load %arg4[%get3A_188, %get3A_189] : memref<1x256xf32, #tpu.memory_space<vmem>>, vector<1x256xf32>
    %add3A_191 = vector.broadcast %get3A_190 : vector<1x256xf32> to vector<512x256xf32>
    %add3A_192 = arith.addf %dot_general3A_187, %add3A_191 : vector<512x256xf32>
    %get3A_193 = arith.constant 0 : index
    %get3A_194 = arith.constant 0 : index
    %get3A_195 = vector.load %arg5[%get3A_193, %get3A_194] : memref<256x512xf32, #tpu.memory_space<vmem>>, vector<256x512xf32>
    %dot_general3A_196 = arith.constant dense<0.000000e+00> : vector<512x512xf32>
    %dot_general3A_197 = tpu.matmul %add3A_192, %get3A_195, %dot_general3A_196 {dimension_numbers = #tpu.dot_dimension_numbers<[1], [0], [0], [1], [0, 0, 1, 1], [], []>, transpose_lhs_hint = false} : vector<512x256xf32>, vector<256x512xf32>, vector<512x512xf32> -> vector<512x512xf32>
    %dot_general3A_198 = arith.constant dense<0.000000e+00> : vector<512x512xf32>
    %dot_general3A_199 = tpu.matmul %add3A_179, %dot_general3A_197, %dot_general3A_198 {dimension_numbers = #tpu.dot_dimension_numbers<[1], [0], [0], [1], [0, 0, 1, 1], [], []>, transpose_lhs_hint = false} : vector<512x512xf32>, vector<512x512xf32>, vector<512x512xf32> -> vector<512x512xf32>
    %get3A_200 = arith.constant 0 : index
    %get3A_201 = arith.constant 0 : index
    %get3A_202 = vector.load %arg6[%get3A_200, %get3A_201] : memref<1x512xf32, #tpu.memory_space<vmem>>, vector<1x512xf32>
    %add3A_203 = vector.broadcast %get3A_202 : vector<1x512xf32> to vector<512x512xf32>
    %add3A_204 = arith.addf %dot_general3A_199, %add3A_203 : vector<512x512xf32>
    %max3A = arith.constant 0.000000e+00 : f32
    %max3A_205 = vector.broadcast %max3A : f32 to vector<512x512xf32>
    %max3A_206 = arith.maximumf %add3A_204, %max3A_205 : vector<512x512xf32>
    %get3A_207 = arith.constant 0 : index
    %get3A_208 = arith.constant 0 : index
    %get3A_209 = vector.load %arg7[%get3A_207, %get3A_208] : memref<512x512xf32, #tpu.memory_space<vmem>>, vector<512x512xf32>
    %dot_general3A_210 = arith.constant dense<0.000000e+00> : vector<512x512xf32>
    %dot_general3A_211 = tpu.matmul %max3A_206, %get3A_209, %dot_general3A_210 {dimension_numbers = #tpu.dot_dimension_numbers<[1], [0], [0], [1], [0, 0, 1, 1], [], []>, transpose_lhs_hint = false} : vector<512x512xf32>, vector<512x512xf32>, vector<512x512xf32> -> vector<512x512xf32>
    %dot_general3A_212 = arith.constant dense<0.000000e+00> : vector<512x512xf32>
    %dot_general3A_213 = tpu.matmul %add3A_179, %dot_general3A_211, %dot_general3A_212 {dimension_numbers = #tpu.dot_dimension_numbers<[1], [0], [0], [1], [0, 0, 1, 1], [], []>, transpose_lhs_hint = false} : vector<512x512xf32>, vector<512x512xf32>, vector<512x512xf32> -> vector<512x512xf32>
    %get3A_214 = arith.constant 0 : index
    %get3A_215 = arith.constant 0 : index
    %get3A_216 = vector.load %arg8[%get3A_214, %get3A_215] : memref<1x512xf32, #tpu.memory_space<vmem>>, vector<1x512xf32>
    %add3A_217 = vector.broadcast %get3A_216 : vector<1x512xf32> to vector<512x512xf32>
    %add3A_218 = arith.addf %dot_general3A_213, %add3A_217 : vector<512x512xf32>
    %max3A_219 = arith.constant 0.000000e+00 : f32
    %max3A_220 = vector.broadcast %max3A_219 : f32 to vector<512x512xf32>
    %max3A_221 = arith.maximumf %add3A_218, %max3A_220 : vector<512x512xf32>
    %get3A_222 = arith.constant 0 : index
    %get3A_223 = arith.constant 0 : index
    %get3A_224 = vector.load %arg9[%get3A_222, %get3A_223] : memref<512x1024xf32, #tpu.memory_space<vmem>>, vector<512x1024xf32>
    %dot_general3A_225 = arith.constant dense<0.000000e+00> : vector<512x1024xf32>
    %dot_general3A_226 = tpu.matmul %max3A_221, %get3A_224, %dot_general3A_225 {dimension_numbers = #tpu.dot_dimension_numbers<[1], [0], [0], [1], [0, 0, 1, 1], [], []>, transpose_lhs_hint = false} : vector<512x512xf32>, vector<512x1024xf32>, vector<512x1024xf32> -> vector<512x1024xf32>
    %dot_general3A_227 = arith.constant dense<0.000000e+00> : vector<512x1024xf32>
    %dot_general3A_228 = tpu.matmul %add3A_179, %dot_general3A_226, %dot_general3A_227 {dimension_numbers = #tpu.dot_dimension_numbers<[1], [0], [0], [1], [0, 0, 1, 1], [], []>, transpose_lhs_hint = false} : vector<512x512xf32>, vector<512x1024xf32>, vector<512x1024xf32> -> vector<512x1024xf32>
    %get3A_229 = arith.constant 0 : index
    %get3A_230 = arith.constant 0 : index
    %get3A_231 = vector.load %arg10[%get3A_229, %get3A_230] : memref<1x1024xf32, #tpu.memory_space<vmem>>, vector<1x1024xf32>
    %add3A_232 = vector.broadcast %get3A_231 : vector<1x1024xf32> to vector<512x1024xf32>
    %add3A_233 = arith.addf %dot_general3A_228, %add3A_232 : vector<512x1024xf32>
    %max3A_234 = arith.constant 0.000000e+00 : f32
    %max3A_235 = vector.broadcast %max3A_234 : f32 to vector<512x1024xf32>
    %max3A_236 = arith.maximumf %add3A_233, %max3A_235 : vector<512x1024xf32>
    %get3A_237 = arith.constant 0 : index
    %get3A_238 = arith.constant 0 : index
    %get3A_239 = vector.load %arg11[%get3A_237, %get3A_238] : memref<1024x1024xf32, #tpu.memory_space<vmem>>, vector<1024x1024xf32>
    %dot_general3A_240 = arith.constant dense<0.000000e+00> : vector<512x1024xf32>
    %dot_general3A_241 = tpu.matmul %max3A_236, %get3A_239, %dot_general3A_240 {dimension_numbers = #tpu.dot_dimension_numbers<[1], [0], [0], [1], [0, 0, 1, 1], [], []>, transpose_lhs_hint = false} : vector<512x1024xf32>, vector<1024x1024xf32>, vector<512x1024xf32> -> vector<512x1024xf32>
    %dot_general3A_242 = arith.constant dense<0.000000e+00> : vector<512x1024xf32>
    %dot_general3A_243 = tpu.matmul %add3A_179, %dot_general3A_241, %dot_general3A_242 {dimension_numbers = #tpu.dot_dimension_numbers<[1], [0], [0], [1], [0, 0, 1, 1], [], []>, transpose_lhs_hint = false} : vector<512x512xf32>, vector<512x1024xf32>, vector<512x1024xf32> -> vector<512x1024xf32>
    %get3A_244 = arith.constant 0 : index
    %get3A_245 = arith.constant 0 : index
    %get3A_246 = vector.load %arg12[%get3A_244, %get3A_245] : memref<1x1024xf32, #tpu.memory_space<vmem>>, vector<1x1024xf32>
    %add3A_247 = vector.broadcast %get3A_246 : vector<1x1024xf32> to vector<512x1024xf32>
    %add3A_248 = arith.addf %dot_general3A_243, %add3A_247 : vector<512x1024xf32>
    %max3A_249 = arith.constant 0.000000e+00 : f32
    %max3A_250 = vector.broadcast %max3A_249 : f32 to vector<512x1024xf32>
    %max3A_251 = arith.maximumf %add3A_248, %max3A_250 : vector<512x1024xf32>
    %get3A_252 = arith.constant 0 : index
    %get3A_253 = arith.constant 0 : index
    %get3A_254 = vector.load %arg13[%get3A_252, %get3A_253] : memref<512x128xf32, #tpu.memory_space<vmem>>, vector<512x128xf32>
    %dot_general3A_255 = arith.constant dense<0.000000e+00> : vector<512x128xf32>
    %dot_general3A_256 = tpu.matmul %max3A_221, %get3A_254, %dot_general3A_255 {dimension_numbers = #tpu.dot_dimension_numbers<[1], [0], [0], [1], [0, 0, 1, 1], [], []>, transpose_lhs_hint = false} : vector<512x512xf32>, vector<512x128xf32>, vector<512x128xf32> -> vector<512x128xf32>
    %dot_general3A_257 = arith.constant dense<0.000000e+00> : vector<512x128xf32>
    %dot_general3A_258 = tpu.matmul %add3A_179, %dot_general3A_256, %dot_general3A_257 {dimension_numbers = #tpu.dot_dimension_numbers<[1], [0], [0], [1], [0, 0, 1, 1], [], []>, transpose_lhs_hint = false} : vector<512x512xf32>, vector<512x128xf32>, vector<512x128xf32> -> vector<512x128xf32>
    %get3A_259 = arith.constant 0 : index
    %get3A_260 = arith.constant 0 : index
    %get3A_261 = vector.load %arg14[%get3A_259, %get3A_260] : memref<1x128xf32, #tpu.memory_space<vmem>>, vector<1x128xf32>
    %add3A_262 = vector.broadcast %get3A_261 : vector<1x128xf32> to vector<512x128xf32>
    %add3A_263 = arith.addf %dot_general3A_258, %add3A_262 : vector<512x128xf32>
    %max3A_264 = arith.constant 0.000000e+00 : f32
    %max3A_265 = vector.broadcast %max3A_264 : f32 to vector<512x128xf32>
    %max3A_266 = arith.maximumf %add3A_263, %max3A_265 : vector<512x128xf32>
    %get3A_267 = arith.constant 0 : index
    %get3A_268 = arith.constant 0 : index
    %get3A_269 = vector.load %arg15[%get3A_267, %get3A_268] : memref<1024x128xf32, #tpu.memory_space<vmem>>, vector<1024x128xf32>
    %dot_general3A_270 = arith.constant dense<0.000000e+00> : vector<512x128xf32>
    %dot_general3A_271 = tpu.matmul %max3A_251, %get3A_269, %dot_general3A_270 {dimension_numbers = #tpu.dot_dimension_numbers<[1], [0], [0], [1], [0, 0, 1, 1], [], []>, transpose_lhs_hint = false} : vector<512x1024xf32>, vector<1024x128xf32>, vector<512x128xf32> -> vector<512x128xf32>
    %dot_general3A_272 = arith.constant dense<0.000000e+00> : vector<512x128xf32>
    %dot_general3A_273 = tpu.matmul %add3A_179, %dot_general3A_271, %dot_general3A_272 {dimension_numbers = #tpu.dot_dimension_numbers<[1], [0], [0], [1], [0, 0, 1, 1], [], []>, transpose_lhs_hint = false} : vector<512x512xf32>, vector<512x128xf32>, vector<512x128xf32> -> vector<512x128xf32>
    %get3A_274 = arith.constant 0 : index
    %get3A_275 = arith.constant 0 : index
    %get3A_276 = vector.load %arg16[%get3A_274, %get3A_275] : memref<1x128xf32, #tpu.memory_space<vmem>>, vector<1x128xf32>
    %add3A_277 = vector.broadcast %get3A_276 : vector<1x128xf32> to vector<512x128xf32>
    %add3A_278 = arith.addf %dot_general3A_273, %add3A_277 : vector<512x128xf32>
    %max3A_279 = arith.constant 0.000000e+00 : f32
    %max3A_280 = vector.broadcast %max3A_279 : f32 to vector<512x128xf32>
    %max3A_281 = arith.maximumf %add3A_278, %max3A_280 : vector<512x128xf32>
    %concatenate3A = tpu.concatenate %max3A_266, %max3A_281 in 1 : vector<512x128xf32>, vector<512x128xf32> -> vector<512x256xf32>
    %get3A_282 = arith.constant 0 : index
    %get3A_283 = arith.constant 0 : index
    %get3A_284 = vector.load %arg17[%get3A_282, %get3A_283] : memref<1x256xf32, #tpu.memory_space<vmem>>, vector<1x256xf32>
    %mul3A = vector.broadcast %get3A_284 : vector<1x256xf32> to vector<512x256xf32>
    %mul3A_285 = arith.mulf %concatenate3A, %mul3A : vector<512x256xf32>
    %reduce_sum3A = arith.constant dense<0.000000e+00> : vector<512xf32>
    %reduce_sum3A_286 = vector.multi_reduction <add>, %mul3A_285, %reduce_sum3A [1] : vector<512x256xf32> to vector<512xf32>
    %swap3A = arith.constant 0 : index
    %swap3A_287 = arith.constant 0 : index
    %swap3A_288 = vector.load %arg18[%swap3A, %swap3A_287] : memref<512x256xf32, #tpu.memory_space<vmem>>, vector<512x256xf32>
    tpu.vector_store %arg18[%swap3A, %swap3A_287], %concatenate3A {strides = array<i32>} : memref<512x256xf32, #tpu.memory_space<vmem>>, vector<512x256xf32>,
    %broadcast_in_dim3A_289 = vector.shape_cast %reduce_sum3A_286 : vector<512xf32> to vector<1x512xf32>
    %swap3A_290 = arith.constant 0 : index
    %swap3A_291 = arith.constant 0 : index
    %swap3A_292 = vector.load %arg19[%swap3A_290, %swap3A_291] : memref<1x512xf32, #tpu.memory_space<vmem>>, vector<1x512xf32>
    tpu.vector_store %arg19[%swap3A_290, %swap3A_291], %broadcast_in_dim3A_289 {strides = array<i32>} : memref<1x512xf32, #tpu.memory_space<vmem>>, vector<1x512xf32>,
    %neg3A = arith.constant 0.000000e+00 : f32
    %neg3A_293 = vector.broadcast %neg3A : f32 to vector<512xf32>
    %neg3A_294 = arith.subf %neg3A_293, %reduce_sum3A_286 : vector<512xf32>
    %exp3A = math.exp %neg3A_294 : vector<512xf32>
    %add3A_295 = arith.constant 1.000000e+00 : f32
    %add3A_296 = vector.broadcast %add3A_295 : f32 to vector<512xf32>
    %add3A_297 = arith.addf %add3A_296, %exp3A : vector<512xf32>
    %div3A = arith.constant 1.000000e+00 : f32
    %div3A_298 = vector.broadcast %div3A : f32 to vector<512xf32>
    %div3A_299 = arith.divf %div3A_298, %add3A_297 : vector<512xf32>
    %broadcast_in_dim3A_300 = vector.shape_cast %div3A_299 : vector<512xf32> to vector<1x512xf32>
    %swap3A_301 = arith.constant 0 : index
    %swap3A_302 = arith.constant 0 : index
    %swap3A_303 = vector.load %arg20[%swap3A_301, %swap3A_302] : memref<1x512xf32, #tpu.memory_space<vmem>>, vector<1x512xf32>
    tpu.vector_store %arg20[%swap3A_301, %swap3A_302], %broadcast_in_dim3A_300 {strides = array<i32>} : memref<1x512xf32, #tpu.memory_space<vmem>>, vector<1x512xf32>,
    return
  }
}

</mosaic_0001>

<sc_bundles>
// kernel: kernel.11.cloned.1.call-start
scs
__scs_entry_jumppad:
0x0: {  	(pc) =	sbr.rel $0x88, $3  }
0x1: {  	(tag) =	ssettag $0x0;
	lr =	simm.s32 $0x1  }
0x2: {  	[smem:$0x3F8A] =	sst lr;
	_ =	strace $0xD0000000  }
0x3: {  	_ = 	snop  }
0x4: {  	_ = 	snop  }
0x5: {  	_ = 	snop  }
0x6: {  	_ = 	snop  }
0x7: {  	_ = 	snop  }
__scs_overlays_trampoline_lowered:
0x8: {  	[smem:$0x3F99] =	sst s0  }
0x9: {  	[smem:$0x3F9A] =	sst s1  }
0xa: {  	[smem:$0x3F9B] =	sst s2  }
0xb: {  	[smem:$0x3F9C] =	sst s3  }
0xc: {  	[smem:$0x3F9D] =	sst s4  }
0xd: {  	[smem:$0x3F9E] =	sst s5  }
0xe: {  	[smem:$0x3F9F] =	sst s6  }
0xf: {  	[smem:$0x3FA0] =	sst s7  }
0x10: {  	[smem:$0x3FA1] =	sst s8  }
0x11: {  	[smem:$0x3FA2] =	sst s9;
	s0 =	simm.s32 @!p0 $0x0  }
0x12: {  	s1 =	sld [smem:$0x3F88];
	s0 =	simm.s32 @p0 $0x1  }
0x13: {  	[smem:$0x3FA3] =	sst s0;
	s0 =	simm.s32 @!p1 $0x0  }
0x14: {  	s2 =	sld [smem:$0x3F87];
	s0 =	simm.s32 @p1 $0x1  }
0x15: {  	[smem:$0x3FA4] =	sst s0;
	s0 =	simm.s32 @!p2 $0x0  }
0x16: {  	s3 =	sld [smem:$0x3FDB];
	s0 =	simm.s32 @p2 $0x1  }
0x17: {  	s4 =	simm.s32 $0x1BF5;
	[smem:$0x3FA6] =	sst s0  }
0x18: {  	s0 =	sld [smem:$0x3F89];
	_ =	swait.ge [sflag:s4], $0x0  }
0x19: {  	s7 =	sld [smem:$0x3F8A]  }
0x1a: {  	s8 =	sadd.s32 $0xFFFFE003, lr  }
0x1b: {  	s9 =	sadd.s32 $0xFFFFFEF7, lr;
	s5 =	simm.s32 $0xFFFFFFFF;
	p2 =	slt.u32 s8, $0xFFFFF086  }
0x1c: {  	p1 =	slt.u32 s9, $0xF7A;
	s5 =	simm.s32 @!p2 $0x0  }
0x1d: {  	s5 =	simm.s32 @p1 $0x1;
	p0 =	seq.s32 s7, s2  }
0x1e: {  	s7 =	smul.u32 @!p0 $0xF7A, s2;
	p2 =	seq.s32 @!p0 s5, $0x0  }
0x1f: {  	s9 =	smul.u32 $0xF7A, s1;
	s8 =	simm.s32 @!p0 $0x1BF5;
	p2 =	por !p2, p0  }
0x20: {  	[sflag:s8] =	ssyncset.s32 @!p0 $0xFFFFF086;
	s6 =	sadd.s32 @!p0 s3, s7;
	s7 =	simm.s32 @!p0 $0x108  }
0x21: {  	s3 =	sadd.s32 s3, s9;
	s6 =	sadd.s32 @!p0 $0x88, s6;
	s7 =	simm.s32 @p2 $0x1082  }
0x22: {  	[simem:s7], [sflag:s8] =	dma.local @!p0 [hbm:s6], $0xF7A  }
0x23: {  	s9 =	sor.u32 $0xD0000000, s2;
	s6 =	simm.s32 $0x108;
	_ =	swait.ge @!p0 [sflag:s8], $0x0  }
0x24: {  	s3 =	sadd.s32 $0x88, s3;
	s6 =	simm.s32 @!p1 $0x1082;
	[sflag:s4] =	ssyncset.s32 $0xFFFFF086  }
0x25: {  	[simem:s6], [sflag:s4] =	dma.local [hbm:s3], $0xF7A  }
0x26: {  	[smem:$0x3F8A] =	sst s1;
	(tag) =	ssettag s2;
	_ =	strace s9  }
0x27: {  	s1 =	sld [smem:$0x3F9A]  }
0x28: {  	s2 =	sld [smem:$0x3F9B]  }
0x29: {  	s4 =	sld [smem:$0x3F9D]  }
0x2a: {  	p0 =	seq.s32 s5, $0x0;
	s5 =	sld [smem:$0x3F9E]  }
0x2b: {  	s6 =	sld [smem:$0x3F9F]  }
0x2c: {  	s7 =	sld [smem:$0x3FA0]  }
0x2d: {  	s3 =	simm.s32 $0x108;
	s8 =	sld [smem:$0x3FA1]  }
0x2e: {  	s3 =	simm.s32 @!p0 $0x1082;
	s9 =	sld [smem:$0x3FA2]  }
0x2f: {  	lr =	sadd.s32 s0, s3;
	s0 =	sld [smem:$0x3F99]  }
0x30: {  	s3 =	sld [smem:$0x3F9C]  }
0x31: {  	[smem:$0x3FA5] =	sst s10  }
0x32: {  	s10 =	sld [smem:$0x3FA3];
	_ =	sdelay $0x3  }
0x33: {  	p0 =	seq.s32 s10, $0x1;
	s10 =	sld [smem:$0x3FA5];
	_ =	sdelay $0x3  }
0x34: {  	[smem:$0x3FA5] =	sst s10  }
0x35: {  	s10 =	sld [smem:$0x3FA4];
	_ =	sdelay $0x3  }
0x36: {  	p1 =	seq.s32 s10, $0x1;
	s10 =	sld [smem:$0x3FA5];
	_ =	sdelay $0x3  }
0x37: {  	[smem:$0x3FA5] =	sst s10  }
0x38: {  	s10 =	sld [smem:$0x3FA6]  }
0x39: {  	_ = 	snop;
	(pc) =	sbr.ind lr, $3  }
0x3a: {  	_ = 	snop  }
0x3b: {  	_ = 	snop  }
0x3c: {  	p2 =	seq.s32 s10, $0x1;
	s10 =	sld [smem:$0x3FA5]  }
0x3d: {  	_ =	shalt  }
0x3e: {  	_ =	shalt  }
0x3f: {  	_ =	shalt  }
0x40: {  	_ =	shalt  }
0x41: {  	_ =	shalt  }
0x42: {  	_ =	shalt  }
0x43: {  	_ =	shalt  }
0x44: {  	_ =	shalt  }
0x45: {  	_ =	shalt  }
0x46: {  	_ =	shalt  }
0x47: {  	_ =	shalt  }
0x48: {  	_ =	shalt  }
0x49: {  	_ =	shalt  }
0x4a: {  	_ =	shalt  }
0x4b: {  	_ =	shalt  }
0x4c: {  	_ =	shalt  }
0x4d: {  	_ =	shalt  }
0x4e: {  	_ =	shalt  }
0x4f: {  	_ =	shalt  }
0x50: {  	_ =	shalt  }
0x51: {  	_ =	shalt  }
0x52: {  	_ =	shalt  }
0x53: {  	_ =	shalt  }
0x54: {  	_ =	shalt  }
0x55: {  	_ =	shalt  }
0x56: {  	_ =	shalt  }
0x57: {  	_ =	shalt  }
0x58: {  	_ =	shalt  }
0x59: {  	_ =	shalt  }
0x5a: {  	_ =	shalt  }
0x5b: {  	_ =	shalt  }
0x5c: {  	_ =	shalt  }
0x5d: {  	_ =	shalt  }
0x5e: {  	_ =	shalt  }
0x5f: {  	_ =	shalt  }
0x60: {  	_ =	shalt  }
0x61: {  	_ =	shalt  }
0x62: {  	_ =	shalt  }
0x63: {  	_ =	shalt  }
0x64: {  	_ =	shalt  }
0x65: {  	_ =	shalt  }
0x66: {  	_ =	shalt  }
0x67: {  	_ =	shalt  }
0x68: {  	_ =	shalt  }
0x69: {  	_ =	shalt  }
0x6a: {  	_ =	shalt  }
0x6b: {  	_ =	shalt  }
0x6c: {  	_ =	shalt  }
0x6d: {  	_ =	shalt  }
0x6e: {  	_ =	shalt  }
0x6f: {  	_ =	shalt  }
0x70: {  	_ =	shalt  }
0x71: {  	_ =	shalt  }
0x72: {  	_ =	shalt  }
0x73: {  	_ =	shalt  }
0x74: {  	_ =	shalt  }
0x75: {  	_ =	shalt  }
0x76: {  	_ =	shalt  }
0x77: {  	_ =	shalt  }
0x78: {  	_ =	shalt  }
0x79: {  	_ =	shalt  }
0x7a: {  	_ =	shalt  }
0x7b: {  	_ =	shalt  }
0x7c: {  	_ =	shalt  }
0x7d: {  	_ =	shalt  }
0x7e: {  	_ =	shalt  }
0x7f: {  	_ =	shalt  }
0x80: {  	_ =	shalt  }
0x81: {  	_ =	shalt  }
0x82: {  	_ =	shalt  }
0x83: {  	_ =	shalt  }
0x84: {  	_ =	shalt  }
0x85: {  	_ =	shalt  }
0x86: {  	_ =	shalt  }
0x87: {  	_ =	shalt  }
.Lfunc_end0:
.L_simem_size_0:
called_computation.1_lowered:
.L_overlay_start_0:
0x88: {  	s2 =	sld [smem:$0x3FD9]  }
0x89: {  	s3 =	sld [smem:$0x3FFE];
	_ =	sdelay $0x1  }
0x8a: {  	s1 =	srdreg.scid  }
0x8b: {  	s0 =	sand.u32 $0x1, s1  }
0x8c: {  	s16 =	sshll.u32 s0, $0xA;
	s2 =	sadd.s32 s3, s2  }
0x8d: {  	s2 =	sadd.s32 s2, s16  }
0x8e: {  	[smem:$0x3FB1] =	sst s2  }
0x8f: {  	_ = 	snop  }
0x90: {  	(tm) =	ssettm $0x1  }
0x91: {  	s17 =	sld [smem:$0x3FFB];
	_ =	sdelay $0x3  }
0x92: {  	_ =	strace s17  }
0x93: {  	s2 =	sld [smem:$0x3FFC];
	_ =	sdelay $0x3  }
0x94: {  	_ =	strace s2  }
0x95: {  	s2 =	sld [smem:$0x3FFD];
	_ =	sdelay $0x3  }
0x96: {  	_ =	strace s2  }
0x97: {  	_ =	strace $0x8FFFFFFF  }
0x98: {  	s18 =	sld [smem:$0x3FDB];
	_ =	sdelay $0x1  }
0x99: {  	s19 =	simm.s32 $_scs_section_size  }
0x9a: {  	s4 =	simm.s32 $_size__tile_overlayer_lowered;
	s5 =	simm.s32 $_tile_overlayer_lowered  }
0x9b: {  	s22 =	simm.s32 $0x1BFF;
	s21 =	sshll.u32 s5, $0x1;
	s2 =	sadd.s32 s19, s18  }
0x9c: {  	s6 =	simm.s32 $0x0;
	s20 =	sshll.u32 s4, $0x1;
	s4 =	sadd.s32 s21, s2  }
0x9d: {  	[timem:s6], [sflag:s22] =	dma.local [hbm:s4], s20  }
0x9e: {  	_ =	swait.ge [sflag:s22], s20  }
0x9f: {  	s3 =	ssub.s32 $0x0, s20;
	[sflag:s22] =	ssyncset.done $0x0  }
0xa0: {  	[sflag:s22] =	ssyncadd.s32 s3;
	_ =	sdelay $0x1  }
0xa1: {  	s23 =	simm.s32 $0x1B8B  }
0xa2: {  	_ =	swait.ge [sflag:s23], $0x1  }
0xa3: {  	[sflag:s23] =	ssyncset.done $0x0  }
0xa4: {  	s25 =	simm.s32 $0x1B8E;
	s24 =	sld [smem:$0x3FFE];
	[sflag:s23] =	ssyncadd.s32 $0xFFFFFFFF  }
0xa5: {  	s26 =	simm.s32 $execute0_lowered;
	[smem:$0x3FD2] =	sst s25  }
0xa6: {  	s4 =	sshll.u32 s26, $0x1;
	_ =	strace $0x80000049;
	[dreg:$0x1] =	wrdreg $0xFFFFFFFF  }
0xa7: {  	s28 =	simm.s32 $_size_execute0_lowered;
	s2 =	sadd.s32 s2, s4;
	[dreg:$0x0] =	wrdreg $0x0  }
0xa8: {  	s4 =	sshll.u32 s28, $0x1;
	[dreg:$0x2] =	wrdreg s2  }
0xa9: {  	[dreg:$0x3] =	wrdreg s4  }
0xaa: {  	[dreg:$0x4] =	wrdreg $0xC0  }
0xab: {  	_ =	task [dreg:s6], $0x5FFFF  }
0xac: {  	[dreg:$0x1] =	wrdreg $0xFFFFFFFF  }
0xad: {  	[dreg:$0x0] =	wrdreg $0x60  }
0xae: {  	[dreg:$0x2] =	wrdreg s24  }
0xaf: {  	[dreg:$0x3] =	wrdreg $0x130000  }
0xb0: {  	[dreg:$0x4] =	wrdreg $0x9  }
0xb1: {  	_ =	task.clear_ibuf [dreg:s6], $0x5FFFF;
	_ =	strace $0x90000049  }
0xb2: {  	s29 =	simm.s32 $0x9;
	_ =	strace $0x8000004B  }
0xb3: {  	_ =	swait.ge [sflag:s29], $0x1  }
0xb4: {  	[sflag:s29] =	ssyncadd.s32 $0xFFFFFFFF  }
0xb5: {  	_ =	strace $0x9000004B  }
0xb6: {  	_ =	sfence  }
0xb7: {  	s30 =	sld [smem:$0x0];
	_ =	sdelay $0x2  }
0xb8: {  	s31 =	sshll.u32 s1, $0xD;
	s1 =	sshrl.u32 s1, $0x2  }
0xb9: {  	s3 =	sand.u32 $0x4000, s31;
	s1 =	sadd.s32 s1, s30  }
0xba: {  	s0 =	sor.u32 s3, s0;
	s1 =	sshll.u32 s1, $0x11  }
0xbb: {  	s0 =	sor.u32 s1, s0  }
0xbc: {  	s0 =	sadd.s32 $0x8F2B, s0  }
0xbd: {  	[sflag:s0] =	ssyncadd.remote.s32 $0x1  }
0xbe: {  	_ =	sfence.sel $0xFFFF  }
0xbf: {  	[dreg:$0x0] =	wrdreg $0xFFFFFFFF;
	(pc) =	sbr.abs _section_cstart, $3  }
0xc0: {  	[dreg:$0x1] =	wrdreg $0xFFFFFFFF  }
0xc1: {  	_ =	task.clear_ibuf [dreg:s6], $0x2FFFF;
	_ =	strace $0x9FFFFFFF  }
0xc2: {  	(tm) =	ssettm $0x7FFFFFFF  }
0xc3: {  	_ =	shalt  }
tec
execute0_lowered:
.L_overlay_start_1:
0x0: {  	(tag) =	ssettag $0x1  }
0x1: {  	s5 =	rddreg [dreg:$0x0]  }
0x2: {  	s2 =	rddreg [dreg:$0x1]  }
0x3: {  	s0 =	rddreg [dreg:$0x2];
	s3 =	simm.s32 $0x0;
	s1 =	stileid.u32  }
0x4: {  	s4 =	srdreg.scid;
	s16 =	simm.s32 $0x5000;
	s6 =	smul.u32 $0xA00, s1  }
0x5: {  	s19 =	simm.s32 $0x80;
	s20 =	simm.s32 $0xF000;
	s7 =	smul.u32 $0x1480, s1  }
0x6: {  	s21 =	simm.s32 $0x1;
	s22 =	simm.s32 $0x0;
	s10 =	smul.u32 $0x29000, s1  }
0x7: {  	[smem:$0x7FF] =	sst s3;
	s8 =	sand.u32 $0x1, s4;
	s12 =	smul.u32 $0x27000, s1  }
0x8: {  	s4 =	sadd.s32 $0x17E00, s5;
	s11 =	sadd.s32 $0x7A800, s5;
	s29 =	smul.u32 $0x138, s1  }
0x9: {  	s17 =	sshll.u32 s1, $0x6;
	p0 =	seq.s32 s1, $0xF;
	s15 =	smul.u32 $0x2710, s8  }
0xa: {  	_ =	strace $0x8000004A;
	s9 =	ssub.s32 $0x2, s8;
	s8 =	smul.u32 $0x138800, s8  }
0xb: {  	s17 =	sor.u32 $0x1C02, s17;
	s6 =	sadd.s32 s6, s5;
	s7 =	sadd.s32 s7, s5  }
0xc: {  	s28 =	sshrl.u32 s9, $0x1;
	s10 =	sshrl.u32 s10, $0x2;
	s30 =	sshrl.u32 s12, $0x2  }
0xd: {  	s14 =	ssub.s32 s9, s28;
	s5 =	sadd.s32 $0x3E00, s6;
	s6 =	sadd.s32 $0xDE00, s6  }
0xe: {  	s18 =	sadd.s32 s10, s2;
	s7 =	sadd.s32 $0x66000, s7;
	s9 =	sadd.s32 s29, s15  }
0xf: {  	v8 =	vlaneseq.u32;
	s31 =	sshrl.u32 s8, $0x3;
	s8 =	sadd.s32 s30, s2;
	s10 =	sadd.s32 $0x92400, s2  }
0x10: {  	v1 =	vadd.s32 $0x1388, v8;
	v2 =	vadd.s32 $0x1398, v8;
	v0 =	vmov s15;
	s15 =	simm.s32 $0x2;
	s9 =	sshll.u32 s9, $0x4;
	s13 =	sadd.s32 s11, s31  }
0x11: {  	v3 =	vadd.s32 $0x13A8, v8;
	v4 =	vadd.s32 $0x13B8, v8;
	v5 =	vadd.s32 $0x13C8, v8;
	s14 =	smax.u32 s14, $0x1;
	s18 =	sshrl.u32 s18, $0x3;
	s9 =	sadd.s32 s11, s9  }
0x12: {  	v6 =	vadd.s32 $0x13D8, v8;
	v7 =	vadd.s32 $0x13E8, v8;
	v8 =	vadd.s32 $0x13F8, v8;
	s11 =	sadd.s32 $0x12480, s13;
	s13 =	sadd.s32 $0x25D00, s13;
	s12 =	sadd.s32 $0x13880, s9  }
.LBB2_1:
0x13: {  	[tilespmem:s3], [sflag:$0x2] =	stream.linear.gather [hbm4b:s5+s3], $0x4F00, $0x38;
	[tilespmem:$0x1D400] =	vst v63  }
0x14: {  	_ =	swait.ge [sflag:s15], $0x4F00  }
0x15: {  	[sflag:s15] =	ssyncset.done $0x0  }
0x16: {  	[sflag:s15] =	ssyncadd.s32 $0xFFFFB100  }
0x17: {  	[tilespmem:s16], [sflag:$0x2] =	stream.linear.gather [hbm4b:s6+s3], $0x4F00, $0x38;
	[tilespmem:$0x1D400] =	vst v63  }
0x18: {  	_ =	swait.ge [sflag:s15], $0x4F00  }
0x19: {  	[sflag:s15] =	ssyncset.done $0x0  }
0x1a: {  	s23 =	simm.s32 $0x0;
	[sflag:s15] =	ssyncadd.s32 $0xFFFFB100  }
0x1b: {  	v9 =	vld [tilespmem:s23+$0x0]  }
0x1c: {  	v10 =	vld [tilespmem:s23+$0x10]  }
0x1d: {  	v11 =	vld [tilespmem:s23+$0x20]  }
0x1e: {  	v16 =	vld [tilespmem:s23+$0x5000]  }
0x1f: {  	v12 =	vld [tilespmem:s23+$0x30]  }
0x20: {  	v13 =	vld [tilespmem:s23+$0x40]  }
0x21: {  	v14 =	vld [tilespmem:s23+$0x50];
	v9 =	vadd.s32 v0, v9  }
0x22: {  	v15 =	vld [tilespmem:s23+$0x60];
	v10 =	vadd.s32 v0, v10;
	[tilespmem:s23+$0x0] =	vst v9  }
0x23: {  	vm0 =	vlt.s32 v16, $0x1388;
	v9 =	vld [tilespmem:s23+$0x70];
	[tilespmem:s23+$0x10] =	vst v10;
	v10 =	vadd.s32 v0, v11  }
0x24: {  	v11 =	vld [tilespmem:s23+$0x5010];
	v17 =	vsel vm0, v16, v1;
	[tilespmem:s23+$0x20] =	vst v10  }
0x25: {  	v10 =	vadd.s32 v0, v12;
	v12 =	vld [tilespmem:s23+$0x5020];
	[tilespmem:s23+$0x5000] =	vst v17  }
0x26: {  	[tilespmem:s23+$0x30] =	vst v10;
	v10 =	vadd.s32 v0, v13;
	v13 =	vld [tilespmem:s23+$0x5030]  }
0x27: {  	[tilespmem:s23+$0x40] =	vst v10;
	v10 =	vadd.s32 v0, v14;
	v14 =	vld [tilespmem:s23+$0x5040]  }
0x28: {  	[tilespmem:s23+$0x50] =	vst v10;
	v10 =	vadd.s32 v0, v15;
	v15 =	vld [tilespmem:s23+$0x5050]  }
0x29: {  	[tilespmem:s23+$0x60] =	vst v10;
	v9 =	vadd.s32 v0, v9;
	v10 =	vld [tilespmem:s23+$0x5060];
	vm0 =	vlt.s32 v11, $0x1388  }
0x2a: {  	v18 =	vld [tilespmem:s23+$0x5070];
	[tilespmem:s23+$0x70] =	vst v9;
	v9 =	vsel vm0, v11, v2;
	vm0 =	vlt.s32 v12, $0x1388  }
0x2b: {  	[tilespmem:s23+$0x5010] =	vst v9;
	v9 =	vsel vm0, v12, v3;
	vm0 =	vlt.s32 v13, $0x1388  }
0x2c: {  	[tilespmem:s23+$0x5020] =	vst v9;
	v9 =	vsel vm0, v13, v4;
	vm0 =	vlt.s32 v14, $0x1388  }
0x2d: {  	[tilespmem:s23+$0x5030] =	vst v9;
	v9 =	vsel vm0, v14, v5;
	vm0 =	vlt.s32 v15, $0x1388  }
0x2e: {  	[tilespmem:s23+$0x5040] =	vst v9;
	v9 =	vsel vm0, v15, v6;
	vm0 =	vlt.s32 v10, $0x1388  }
0x2f: {  	[tilespmem:s23+$0x5050] =	vst v9;
	v9 =	vsel vm0, v10, v7;
	vm0 =	vlt.s32 v18, $0x1388  }
0x30: {  	v16 =	vadd.s32 $0xFFFFEC78, v16;
	[tilespmem:s23+$0x5060] =	vst v9;
	v9 =	vsel vm0, v18, v8  }
0x31: {  	s24 =	simm.s32 $0x80;
	v11 =	vadd.s32 $0xFFFFEC78, v11;
	vm0 =	vgt.s32 v16, $0xFFFFFFFF;
	[tilespmem:s23+$0x5070] =	vst v9  }
0x32: {  	v16 =	vsel vm0, v16, v1;
	vm0 =	vgt.s32 v11, $0xFFFFFFFF;
	v9 =	vld [tilespmem:s24+$0x0]  }
0x33: {  	v12 =	vadd.s32 $0xFFFFEC78, v12;
	v17 =	vld [tilespmem:s24+$0x10];
	[tilespmem:s23+$0xA000] =	vst v16;
	v11 =	vsel vm0, v11, v2  }
0x34: {  	vm0 =	vgt.s32 v12, $0xFFFFFFFF;
	v16 =	vld [tilespmem:s24+$0x20];
	[tilespmem:s23+$0xA010] =	vst v11;
	v11 =	vadd.s32 $0xFFFFEC78, v13  }
0x35: {  	v12 =	vsel vm0, v12, v3;
	vm0 =	vgt.s32 v11, $0xFFFFFFFF  }
0x36: {  	v13 =	vld [tilespmem:s24+$0x30];
	[tilespmem:s23+$0xA020] =	vst v12;
	v12 =	vadd.s32 $0xFFFFEC78, v14;
	v11 =	vsel vm0, v11, v4  }
0x37: {  	v19 =	vld [tilespmem:s24+$0x40];
	vm0 =	vgt.s32 v12, $0xFFFFFFFF;
	[tilespmem:s23+$0xA030] =	vst v11;
	v11 =	vadd.s32 $0xFFFFEC78, v15  }
0x38: {  	v12 =	vsel vm0, v12, v5;
	vm0 =	vgt.s32 v11, $0xFFFFFFFF  }
0x39: {  	v20 =	vld [tilespmem:s24+$0x50];
	[tilespmem:s23+$0xA040] =	vst v12;
	v11 =	vsel vm0, v11, v6  }
0x3a: {  	v9 =	vadd.s32 v0, v9;
	v21 =	vld [tilespmem:s24+$0x60];
	[tilespmem:s23+$0xA050] =	vst v11  }
0x3b: {  	[tilespmem:s24+$0x0] =	vst v9;
	v9 =	vadd.s32 v0, v17  }
0x3c: {  	v22 =	vld [tilespmem:s24+$0x70];
	[tilespmem:s24+$0x10] =	vst v9;
	v9 =	vadd.s32 v0, v16  }
0x3d: {  	v17 =	vld [tilespmem:s24+$0x5000];
	[tilespmem:s24+$0x20] =	vst v9;
	v9 =	vadd.s32 v0, v13  }
0x3e: {  	v15 =	vld [tilespmem:s24+$0x5010];
	[tilespmem:s24+$0x30] =	vst v9;
	v9 =	vadd.s32 v0, v19  }
0x3f: {  	v11 =	vadd.s32 $0xFFFFEC78, v18;
	v14 =	vld [tilespmem:s24+$0x5020];
	v18 =	vadd.s32 v0, v21;
	[tilespmem:s24+$0x40] =	vst v9;
	v9 =	vadd.s32 $0xFFFFEC78, v10  }
0x40: {  	v12 =	vld [tilespmem:s24+$0x5030];
	v10 =	vadd.s32 v0, v20;
	[tilespmem:s24+$0x60] =	vst v18;
	vm0 =	vgt.s32 v9, $0xFFFFFFFF  }
0x41: {  	vm1 =	vgt.s32 v11, $0xFFFFFFFF;
	v13 =	vld [tilespmem:s24+$0x5040];
	[tilespmem:s24+$0x50] =	vst v10;
	v18 =	vadd.s32 v0, v22;
	v10 =	vsel vm0, v9, v7  }
0x42: {  	s25 =	simm.s32 $0x400;
	v16 =	vld [tilespmem:s24+$0x5050];
	v9 =	vsel vm1, v11, v8;
	v11 =	vadd.s32 $0xFFFFEC78, v17;
	vm0 =	vlt.s32 v17, $0x1388  }
.LBB2_2:
0x43: {  	p1 =	sne.s32 s25, $0x13A00;
	v17 =	vsel vm0, v17, v1;
	v19 =	vadd.s32 $0xFFFFEC78, v15;
	vm0 =	vlt.s32 v15, $0x1388;
	v20 =	vld [tilespmem:s24+$0x5060];
	[tilespmem:s24+$0x70] =	vst v18  }
0x44: {  	[tilespmem:s24+$0x5000] =	vst v17;
	v15 =	vsel vm0, v15, v2;
	v17 =	vadd.s32 $0xFFFFEC78, v14;
	vm0 =	vlt.s32 v14, $0x1388;
	v18 =	vld [tilespmem:s24+$0x5070]  }
0x45: {  	[tilespmem:s24+$0x5010] =	vst v15;
	v14 =	vsel vm0, v14, v3;
	v15 =	vadd.s32 $0xFFFFEC78, v12;
	vm0 =	vlt.s32 v12, $0x1388  }
0x46: {  	[tilespmem:s24+$0x5020] =	vst v14;
	v12 =	vsel vm0, v12, v4;
	v14 =	vadd.s32 $0xFFFFEC78, v13;
	vm0 =	vlt.s32 v13, $0x1388  }
0x47: {  	[tilespmem:s24+$0x5030] =	vst v12;
	v12 =	vsel vm0, v13, v5;
	v13 =	vadd.s32 $0xFFFFEC78, v16;
	vm0 =	vlt.s32 v16, $0x1388  }
0x48: {  	[tilespmem:s24+$0x5040] =	vst v12;
	v12 =	vsel vm0, v16, v6;
	v16 =	vadd.s32 $0xFFFFEC78, v20;
	vm0 =	vlt.s32 v20, $0x1388  }
0x49: {  	[tilespmem:s24+$0x5050] =	vst v12;
	v12 =	vsel vm0, v20, v7;
	v20 =	vadd.s32 $0xFFFFEC78, v18;
	vm0 =	vlt.s32 v18, $0x1388  }
0x4a: {  	vm1 =	vgt.s32 v11, $0xFFFFFFFF;
	vm2 =	vgt.s32 v19, $0xFFFFFFFF;
	[tilespmem:s24+$0x5060] =	vst v12;
	v12 =	vsel vm0, v18, v8  }
0x4b: {  	vm3 =	vgt.s32 v15, $0xFFFFFFFF;
	vm4 =	vgt.s32 v14, $0xFFFFFFFF;
	vm0 =	vgt.s32 v17, $0xFFFFFFFF;
	[tilespmem:s24+$0x5070] =	vst v12  }
0x4c: {  	s26 =	sshra.s32 s25, $0x2;
	vm5 =	vgt.s32 v13, $0xFFFFFFFF;
	vm6 =	vgt.s32 v16, $0xFFFFFFFF;
	vm7 =	vgt.s32 v20, $0xFFFFFFFF;
	[tilespmem:s23+$0xA060] =	vst v10  }
0x4d: {  	v17 =	vsel vm0, v17, v3;
	v10 =	vsel vm1, v11, v1;
	v11 =	vsel vm2, v19, v2;
	v12 =	vld [tilespmem:s26+$0x0];
	[tilespmem:s23+$0xA070] =	vst v9;
	s23 =	smov.u32 s24;
	s24 =	smov.u32 s26  }
0x4e: {  	v15 =	vsel vm3, v15, v4;
	v14 =	vsel vm4, v14, v5;
	v13 =	vsel vm5, v13, v6;
	v18 =	vld [tilespmem:s24+$0x10];
	[tilespmem:s23+$0xA000] =	vst v10  }
0x4f: {  	v9 =	vsel vm7, v20, v8;
	v10 =	vsel vm6, v16, v7;
	v19 =	vld [tilespmem:s24+$0x20];
	[tilespmem:s23+$0xA010] =	vst v11  }
0x50: {  	v11 =	vld [tilespmem:s24+$0x30];
	[tilespmem:s23+$0xA020] =	vst v17  }
0x51: {  	v16 =	vld [tilespmem:s24+$0x40];
	[tilespmem:s23+$0xA030] =	vst v15  }
0x52: {  	v20 =	vld [tilespmem:s24+$0x50];
	[tilespmem:s23+$0xA040] =	vst v14  }
0x53: {  	v12 =	vadd.s32 v0, v12;
	v21 =	vld [tilespmem:s24+$0x60];
	[tilespmem:s23+$0xA050] =	vst v13  }
0x54: {  	[tilespmem:s24+$0x0] =	vst v12;
	v12 =	vadd.s32 v0, v18;
	v18 =	vld [tilespmem:s24+$0x70]  }
0x55: {  	v17 =	vld [tilespmem:s24+$0x5000];
	[tilespmem:s24+$0x10] =	vst v12;
	v12 =	vadd.s32 v0, v19  }
.Ltmp0:
0x56: {  	v11 =	vadd.s32 v0, v11;
	v15 =	vld [tilespmem:s24+$0x5010];
	[tilespmem:s24+$0x20] =	vst v12;
	(pc) =	sbr.rel @p1 .LBB2_2-.Ltmp0, $4  }
0x57: {  	v14 =	vld [tilespmem:s24+$0x5020];
	[tilespmem:s24+$0x30] =	vst v11;
	v11 =	vadd.s32 v0, v16  }
0x58: {  	v12 =	vld [tilespmem:s24+$0x5030];
	[tilespmem:s24+$0x40] =	vst v11;
	v11 =	vadd.s32 v0, v20  }
0x59: {  	v19 =	vadd.s32 v0, v21;
	v13 =	vld [tilespmem:s24+$0x5040];
	[tilespmem:s24+$0x50] =	vst v11  }
0x5a: {  	s25 =	sadd.s32 $0x200, s25;
	v18 =	vadd.s32 v0, v18;
	v11 =	vadd.s32 $0xFFFFEC78, v17;
	vm0 =	vlt.s32 v17, $0x1388;
	v16 =	vld [tilespmem:s24+$0x5050];
	[tilespmem:s24+$0x60] =	vst v19  }
0x5b: {  	v19 =	vld [tilespmem:s24+$0x5060];
	v17 =	vsel vm0, v17, v1;
	[tilespmem:s24+$0x70] =	vst v18;
	vm14 =	vlt.s32 v15, $0x1388  }
0x5c: {  	v54 =	vld [tilespmem:s24+$0x5070];
	[tilespmem:s24+$0x5000] =	vst v17;
	v53 =	vsel vm14, v15, v2;
	vm15 =	vlt.s32 v14, $0x1388  }
0x5d: {  	[tilespmem:s24+$0x5010] =	vst v53;
	v55 =	vsel vm15, v14, v3;
	vm4 =	vlt.s32 v12, $0x1388  }
0x5e: {  	[tilespmem:s24+$0x5020] =	vst v55;
	v56 =	vsel vm4, v12, v4;
	vm5 =	vlt.s32 v13, $0x1388  }
0x5f: {  	[tilespmem:s24+$0x5030] =	vst v56;
	v57 =	vsel vm5, v13, v5;
	vm6 =	vlt.s32 v16, $0x1388  }
0x60: {  	[tilespmem:s24+$0x5040] =	vst v57;
	v58 =	vsel vm6, v16, v6;
	vm7 =	vlt.s32 v19, $0x1388  }
0x61: {  	vm8 =	vlt.s32 v54, $0x1388;
	[tilespmem:s24+$0x5050] =	vst v58;
	v59 =	vsel vm7, v19, v7  }
0x62: {  	v60 =	vsel vm8, v54, v8;
	[tilespmem:s24+$0x5060] =	vst v59  }
0x63: {  	[tilespmem:s24+$0x5070] =	vst v60  }
0x64: {  	v61 =	vadd.s32 $0xFFFFEC78, v15;
	vm9 =	vgt.s32 v11, $0xFFFFFFFF;
	[tilespmem:s23+$0xA060] =	vst v10  }
0x65: {  	vm1 =	vgt.s32 v61, $0xFFFFFFFF;
	v11 =	vsel vm9, v11, v1;
	v63 =	vadd.s32 $0xFFFFEC78, v16;
	[tilespmem:s23+$0xA070] =	vst v9  }
0x66: {  	v62 =	vsel vm1, v61, v2;
	vm13 =	vgt.s32 v63, $0xFFFFFFFF;
	v10 =	vadd.s32 $0xFFFFEC78, v14;
	[tilespmem:s24+$0xA000] =	vst v11  }
0x67: {  	v9 =	vadd.s32 $0xFFFFEC78, v12;
	v12 =	vsel vm13, v63, v6;
	vm10 =	vgt.s32 v10, $0xFFFFFFFF;
	[tilespmem:s24+$0xA010] =	vst v62  }
0x68: {  	v11 =	vadd.s32 $0xFFFFEC78, v13;
	vm11 =	vgt.s32 v9, $0xFFFFFFFF;
	[tilespmem:s24+$0xA050] =	vst v12;
	v10 =	vsel vm10, v10, v3  }
0x69: {  	vm12 =	vgt.s32 v11, $0xFFFFFFFF;
	v9 =	vsel vm11, v9, v4;
	[tilespmem:s24+$0xA020] =	vst v10;
	v10 =	vadd.s32 $0xFFFFEC78, v19  }
0x6a: {  	v11 =	vsel vm12, v11, v5;
	[tilespmem:s24+$0xA030] =	vst v9;
	v9 =	vadd.s32 $0xFFFFEC78, v54;
	vm14 =	vgt.s32 v10, $0xFFFFFFFF  }
0x6b: {  	[tilespmem:s24+$0xA040] =	vst v11;
	vm15 =	vgt.s32 v9, $0xFFFFFFFF;
	v10 =	vsel vm14, v10, v7  }
0x6c: {  	v9 =	vsel vm15, v9, v8;
	[tilespmem:s24+$0xA060] =	vst v10  }
0x6d: {  	[tilespmem:s24+$0xA070] =	vst v9  }
0x6e: {  	[spmem:s18], [sflag:s17] =	dma.local [hbm:s7], $0x1480  }
0x6f: {  	_ =	swait.ge [sflag:s15], $0x1480  }
0x70: {  	[sflag:s15] =	ssyncset.done $0x0  }
0x71: {  	[sflag:s15] =	ssyncadd.s32 $0xFFFFEB80  }
0x72: {  	s30 =	simm.s32 $0x0;
	[bflag:$0x0] =	sbarrier.arrive $0xFFFF  }
0x73: {  	[tilespmem:s20], [sflag:$0x1] =	stream.indirect.gather [hbm4b:s4+s19], $0x80, s30, s19, $0xb8;
	[tilespmem:$0x1D400] =	vst v63  }
0x74: {  	_ =	swait.ge [sflag:s21], $0x4000  }
0x75: {  	[sflag:s21] =	ssyncset.done $0x0  }
0x76: {  	s31 =	simm.s32 $0x5000;
	[sflag:s21] =	ssyncadd.s32 $0xFFFFC000  }
0x77: {  	[spmem:s2] =	stream.indirect.scatter.add.f32 [tilespmem:s20], [sflag:$0x2], $0x80, s31, s19, $0xb8;
	[tilespmem:$0x1D400] =	vst v63  }
0x78: {  	_ =	swait.ge [sflag:s15], $0x4000  }
0x79: {  	s23 =	simm.s32 $0x200;
	s24 =	simm.s32 $0x400;
	[sflag:s15] =	ssyncset.done $0x0  }
.LBB2_4:
0x7a: {  	s25 =	sshra.s32 s23, $0x2  }
0x7b: {  	[sflag:s15] =	ssyncadd.s32 $0xFFFFC000;
	s23 =	smov.u32 s24;
	s26 =	sadd.s32 $0x200, s24  }
0x7c: {  	[tilespmem:s20], [sflag:$0x1] =	stream.indirect.gather [hbm4b:s4+s19], $0x80, s25, s19, $0xb8;
	[tilespmem:$0x1D400] =	vst v63  }
0x7d: {  	p1 =	sne.s32 s24, $0x13A00;
	_ =	swait.ge [sflag:s21], $0x4000  }
.Ltmp1:
0x7e: {  	[sflag:s21] =	ssyncset.done $0x0;
	(pc) =	sbr.rel @p1 .LBB2_4-.Ltmp1, $4  }
0x7f: {  	s24 =	sadd.s32 $0x5000, s25;
	[sflag:s21] =	ssyncadd.s32 $0xFFFFC000  }
0x80: {  	[spmem:s2] =	stream.indirect.scatter.add.f32 [tilespmem:s20], [sflag:$0x2], $0x80, s24, s19, $0xb8;
	[tilespmem:$0x1D400] =	vst v63  }
0x81: {  	_ =	swait.ge [sflag:s15], $0x4000  }
0x82: {  	s24 =	smov.u32 s26;
	[sflag:s15] =	ssyncset.done $0x0  }
0x83: {  	s23 =	sshra.s32 s23, $0x2;
	[sflag:s15] =	ssyncadd.s32 $0xFFFFC000  }
0x84: {  	[tilespmem:s20], [sflag:$0x1] =	stream.indirect.gather [hbm4b:s4+s19], $0x80, s23, s19, $0xb8;
	[tilespmem:$0x1D400] =	vst v63  }
0x85: {  	_ =	swait.ge [sflag:s21], $0x4000  }
0x86: {  	[sflag:s21] =	ssyncset.done $0x0  }
0x87: {  	s23 =	sadd.s32 $0x5000, s23;
	[sflag:s21] =	ssyncadd.s32 $0xFFFFC000  }
0x88: {  	[spmem:s2] =	stream.indirect.scatter.add.f32 [tilespmem:s20], [sflag:$0x2], $0x80, s23, s19, $0xb8;
	[tilespmem:$0x1D400] =	vst v63  }
0x89: {  	_ =	swait.ge [sflag:s15], $0x4000  }
0x8a: {  	[sflag:s15] =	ssyncset.done $0x0  }
0x8b: {  	[sflag:s15] =	ssyncadd.s32 $0xFFFFC000  }
0x8c: {  	s24 =	simm.s32 @p0 $0x2;
	s23 =	sshrl.u32 @p0 s10, $0x3;
	[bflag:$0x0] =	sbarrier.arrive $0xFFFF  }
0x8d: {  	[hbm:s11], [sflag:s17] =	dma.local @p0 [spmem:s23], $0x1400  }
0x8e: {  	_ =	swait.ge @p0 [sflag:s24], $0x1400  }
0x8f: {  	[sflag:s24] =	ssyncset.done @p0 $0x0  }
0x90: {  	s25 =	simm.s32 @!p0 $0x2;
	[sflag:s24] =	ssyncadd.s32 @p0 $0xFFFFEC00;
	s24 =	sshrl.u32 @!p0 s8, $0x3  }
0x91: {  	[hbm:s9], [sflag:s17] =	dma.local @!p0 [spmem:s24], $0x1380  }
0x92: {  	_ =	swait.ge @!p0 [sflag:s25], $0x1380  }
0x93: {  	[sflag:s25] =	ssyncset.done @!p0 $0x0  }
0x94: {  	[sflag:s25] =	ssyncadd.s32 @!p0 $0xFFFFEC80  }
0x95: {  	[bflag:$0x0] =	sbarrier.arrive $0xFFFF  }
0x96: {  	[spmem:s18], [sflag:s17] =	dma.local [hbm:s7], $0x1480  }
0x97: {  	_ =	swait.ge [sflag:s15], $0x1480  }
0x98: {  	[sflag:s15] =	ssyncset.done $0x0  }
0x99: {  	[sflag:s15] =	ssyncadd.s32 $0xFFFFEB80  }
0x9a: {  	s30 =	simm.s32 $0x0;
	[bflag:$0x0] =	sbarrier.arrive $0xFFFF  }
0x9b: {  	[tilespmem:s20], [sflag:$0x1] =	stream.indirect.gather [hbm4b:s4+s19], $0x80, s30, s19, $0xb8;
	[tilespmem:$0x1D400] =	vst v63  }
0x9c: {  	_ =	swait.ge [sflag:s21], $0x4000  }
0x9d: {  	[sflag:s21] =	ssyncset.done $0x0  }
0x9e: {  	s31 =	simm.s32 $0xA000;
	[sflag:s21] =	ssyncadd.s32 $0xFFFFC000  }
0x9f: {  	[spmem:s2] =	stream.indirect.scatter.add.f32 [tilespmem:s20], [sflag:$0x2], $0x80, s31, s19, $0xb8;
	[tilespmem:$0x1D400] =	vst v63  }
0xa0: {  	_ =	swait.ge [sflag:s15], $0x4000  }
0xa1: {  	s26 =	simm.s32 $0x400;
	s25 =	simm.s32 $0x200;
	[sflag:s15] =	ssyncset.done $0x0  }
.LBB2_6:
0xa2: {  	s28 =	sshra.s32 s25, $0x2  }
0xa3: {  	[sflag:s15] =	ssyncadd.s32 $0xFFFFC000;
	s25 =	smov.u32 s26;
	s29 =	sadd.s32 $0x200, s26  }
0xa4: {  	[tilespmem:s20], [sflag:$0x1] =	stream.indirect.gather [hbm4b:s4+s19], $0x80, s28, s19, $0xb8;
	[tilespmem:$0x1D400] =	vst v63  }
0xa5: {  	p1 =	sne.s32 s26, $0x13A00;
	_ =	swait.ge [sflag:s21], $0x4000  }
.Ltmp2:
0xa6: {  	[sflag:s21] =	ssyncset.done $0x0;
	(pc) =	sbr.rel @p1 .LBB2_6-.Ltmp2, $4  }
0xa7: {  	s26 =	sadd.s32 $0xA000, s28;
	[sflag:s21] =	ssyncadd.s32 $0xFFFFC000  }
0xa8: {  	[spmem:s2] =	stream.indirect.scatter.add.f32 [tilespmem:s20], [sflag:$0x2], $0x80, s26, s19, $0xb8;
	[tilespmem:$0x1D400] =	vst v63  }
0xa9: {  	_ =	swait.ge [sflag:s15], $0x4000  }
0xaa: {  	s26 =	smov.u32 s29;
	[sflag:s15] =	ssyncset.done $0x0  }
0xab: {  	s25 =	sshra.s32 s25, $0x2;
	[sflag:s15] =	ssyncadd.s32 $0xFFFFC000  }
0xac: {  	[tilespmem:s20], [sflag:$0x1] =	stream.indirect.gather [hbm4b:s4+s19], $0x80, s25, s19, $0xb8;
	[tilespmem:$0x1D400] =	vst v63  }
0xad: {  	_ =	swait.ge [sflag:s21], $0x4000  }
0xae: {  	[sflag:s21] =	ssyncset.done $0x0  }
0xaf: {  	s25 =	sadd.s32 $0xA000, s25;
	[sflag:s21] =	ssyncadd.s32 $0xFFFFC000  }
0xb0: {  	[spmem:s2] =	stream.indirect.scatter.add.f32 [tilespmem:s20], [sflag:$0x2], $0x80, s25, s19, $0xb8;
	[tilespmem:$0x1D400] =	vst v63  }
0xb1: {  	_ =	swait.ge [sflag:s15], $0x4000  }
0xb2: {  	[sflag:s15] =	ssyncset.done $0x0  }
0xb3: {  	[sflag:s15] =	ssyncadd.s32 $0xFFFFC000  }
0xb4: {  	[bflag:$0x0] =	sbarrier.arrive $0xFFFF  }
0xb5: {  	[hbm:s13], [sflag:s17] =	dma.local @p0 [spmem:s23], $0x1400  }
0xb6: {  	s23 =	simm.s32 @p0 $0x2  }
0xb7: {  	_ =	swait.ge @p0 [sflag:s23], $0x1400  }
0xb8: {  	s22 =	sadd.s32 $0x1, s22;
	[sflag:s23] =	ssyncset.done @p0 $0x0  }
0xb9: {  	p1 =	sne.s32 s22, s14;
	[sflag:s23] =	ssyncadd.s32 @p0 $0xFFFFEC00;
	s23 =	simm.s32 @!p0 $0x2  }
0xba: {  	[hbm:s12], [sflag:s17] =	dma.local @!p0 [spmem:s24], $0x1380  }
.Ltmp3:
0xbb: {  	_ =	swait.ge @!p0 [sflag:s23], $0x1380;
	(pc) =	sbr.rel @p1 .LBB2_1-.Ltmp3, $3  }
0xbc: {  	[sflag:s23] =	ssyncset.done @!p0 $0x0  }
0xbd: {  	[sflag:s23] =	ssyncadd.s32 @!p0 $0xFFFFEC80  }
0xbe: {  	[bflag:$0x0] =	sbarrier.arrive $0xFFFF;
	_ =	sdelay $0x1  }
0xbf: {  	_ =	sfence.sel $0x180000  }
0xc0: {  	[bflag:$0x0] =	sbarrier.arrive $0xFFFF  }
0xc1: {  	p0 =	sne.s32 s1, $0x0;
	_ =	strace $0x9000004A  }
0xc2: {  	s0 =	sadd.s32 @!p0 $0x100000, s0;
	[bflag:$0x2] =	sbarrier.arrive $0xFFFF  }
0xc3: {  	[sflag:s0] =	ssyncadd.tile.s32 @!p0 $0x1;
	_ =	shalt  }
.Lfunc_end2:
_tile_overlayer_lowered:
.L_overlay_start_2:
0xc4: {  	(tag) =	ssettag $0x2  }
0xc5: {  	s0 =	rddreg [dreg:$0x0];
	s2 =	stileid.u32  }
0xc6: {  	s1 =	rddreg [dreg:$0x1];
	p0 =	sne.s32 s2, $0x0  }
0xc7: {  	s3 =	rddreg [dreg:$0x2];
	[bflag:$0x3] =	sbarrier.arrive $0xFFFF;
	s2 =	simm.s32 @!p0 $0x1C02  }
0xc8: {  	[timem:s3], [sflag:s2] =	dma.local @!p0 [hbm:s0], s1  }
0xc9: {  	s0 =	simm.s32 @!p0 $0x2  }
0xca: {  	_ =	swait.ge @!p0 [sflag:s0], s1  }
0xcb: {  	s1 =	ssub.s32 @!p0 $0x0, s1;
	[sflag:s0] =	ssyncset.done @!p0 $0x0  }
0xcc: {  	[sflag:s0] =	ssyncadd.s32 @!p0 s1  }
0xcd: {  	[bflag:$0x3] =	sbarrier.arrive $0xFFFF  }
0xce: {  	_ =	shalt  }

// kernel: kernel.8.cloned.1.call-start
scs
__scs_entry_jumppad:
0x0: {  	(pc) =	sbr.rel $0x88, $3  }
0x1: {  	(tag) =	ssettag $0x0;
	lr =	simm.s32 $0x1  }
0x2: {  	[smem:$0x3F8A] =	sst lr;
	_ =	strace $0xD0000000  }
0x3: {  	_ = 	snop  }
0x4: {  	_ = 	snop  }
0x5: {  	_ = 	snop  }
0x6: {  	_ = 	snop  }
0x7: {  	_ = 	snop  }
__scs_overlays_trampoline_lowered:
0x8: {  	[smem:$0x3F99] =	sst s0  }
0x9: {  	[smem:$0x3F9A] =	sst s1  }
0xa: {  	[smem:$0x3F9B] =	sst s2  }
0xb: {  	[smem:$0x3F9C] =	sst s3  }
0xc: {  	[smem:$0x3F9D] =	sst s4  }
0xd: {  	[smem:$0x3F9E] =	sst s5  }
0xe: {  	[smem:$0x3F9F] =	sst s6  }
0xf: {  	[smem:$0x3FA0] =	sst s7  }
0x10: {  	[smem:$0x3FA1] =	sst s8  }
0x11: {  	[smem:$0x3FA2] =	sst s9;
	s0 =	simm.s32 @!p0 $0x0  }
0x12: {  	s1 =	sld [smem:$0x3F88];
	s0 =	simm.s32 @p0 $0x1  }
0x13: {  	[smem:$0x3FA3] =	sst s0;
	s0 =	simm.s32 @!p1 $0x0  }
0x14: {  	s2 =	sld [smem:$0x3F87];
	s0 =	simm.s32 @p1 $0x1  }
0x15: {  	[smem:$0x3FA4] =	sst s0;
	s0 =	simm.s32 @!p2 $0x0  }
0x16: {  	s3 =	sld [smem:$0x3FDB];
	s0 =	simm.s32 @p2 $0x1  }
0x17: {  	s4 =	simm.s32 $0x1BF5;
	[smem:$0x3FA6] =	sst s0  }
0x18: {  	s0 =	sld [smem:$0x3F89];
	_ =	swait.ge [sflag:s4], $0x0  }
0x19: {  	s7 =	sld [smem:$0x3F8A]  }
0x1a: {  	s8 =	sadd.s32 $0xFFFFE003, lr  }
0x1b: {  	s9 =	sadd.s32 $0xFFFFFEF7, lr;
	s5 =	simm.s32 $0xFFFFFFFF;
	p2 =	slt.u32 s8, $0xFFFFF086  }
0x1c: {  	p1 =	slt.u32 s9, $0xF7A;
	s5 =	simm.s32 @!p2 $0x0  }
0x1d: {  	s5 =	simm.s32 @p1 $0x1;
	p0 =	seq.s32 s7, s2  }
0x1e: {  	s7 =	smul.u32 @!p0 $0xF7A, s2;
	p2 =	seq.s32 @!p0 s5, $0x0  }
0x1f: {  	s9 =	smul.u32 $0xF7A, s1;
	s8 =	simm.s32 @!p0 $0x1BF5;
	p2 =	por !p2, p0  }
0x20: {  	[sflag:s8] =	ssyncset.s32 @!p0 $0xFFFFF086;
	s6 =	sadd.s32 @!p0 s3, s7;
	s7 =	simm.s32 @!p0 $0x108  }
0x21: {  	s3 =	sadd.s32 s3, s9;
	s6 =	sadd.s32 @!p0 $0x88, s6;
	s7 =	simm.s32 @p2 $0x1082  }
0x22: {  	[simem:s7], [sflag:s8] =	dma.local @!p0 [hbm:s6], $0xF7A  }
0x23: {  	s9 =	sor.u32 $0xD0000000, s2;
	s6 =	simm.s32 $0x108;
	_ =	swait.ge @!p0 [sflag:s8], $0x0  }
0x24: {  	s3 =	sadd.s32 $0x88, s3;
	s6 =	simm.s32 @!p1 $0x1082;
	[sflag:s4] =	ssyncset.s32 $0xFFFFF086  }
0x25: {  	[simem:s6], [sflag:s4] =	dma.local [hbm:s3], $0xF7A  }
0x26: {  	[smem:$0x3F8A] =	sst s1;
	(tag) =	ssettag s2;
	_ =	strace s9  }
0x27: {  	s1 =	sld [smem:$0x3F9A]  }
0x28: {  	s2 =	sld [smem:$0x3F9B]  }
0x29: {  	s4 =	sld [smem:$0x3F9D]  }
0x2a: {  	p0 =	seq.s32 s5, $0x0;
	s5 =	sld [smem:$0x3F9E]  }
0x2b: {  	s6 =	sld [smem:$0x3F9F]  }
0x2c: {  	s7 =	sld [smem:$0x3FA0]  }
0x2d: {  	s3 =	simm.s32 $0x108;
	s8 =	sld [smem:$0x3FA1]  }
0x2e: {  	s3 =	simm.s32 @!p0 $0x1082;
	s9 =	sld [smem:$0x3FA2]  }
0x2f: {  	lr =	sadd.s32 s0, s3;
	s0 =	sld [smem:$0x3F99]  }
0x30: {  	s3 =	sld [smem:$0x3F9C]  }
0x31: {  	[smem:$0x3FA5] =	sst s10  }
0x32: {  	s10 =	sld [smem:$0x3FA3];
	_ =	sdelay $0x3  }
0x33: {  	p0 =	seq.s32 s10, $0x1;
	s10 =	sld [smem:$0x3FA5];
	_ =	sdelay $0x3  }
0x34: {  	[smem:$0x3FA5] =	sst s10  }
0x35: {  	s10 =	sld [smem:$0x3FA4];
	_ =	sdelay $0x3  }
0x36: {  	p1 =	seq.s32 s10, $0x1;
	s10 =	sld [smem:$0x3FA5];
	_ =	sdelay $0x3  }
0x37: {  	[smem:$0x3FA5] =	sst s10  }
0x38: {  	s10 =	sld [smem:$0x3FA6]  }
0x39: {  	_ = 	snop;
	(pc) =	sbr.ind lr, $3  }
0x3a: {  	_ = 	snop  }
0x3b: {  	_ = 	snop  }
0x3c: {  	p2 =	seq.s32 s10, $0x1;
	s10 =	sld [smem:$0x3FA5]  }
0x3d: {  	_ =	shalt  }
0x3e: {  	_ =	shalt  }
0x3f: {  	_ =	shalt  }
0x40: {  	_ =	shalt  }
0x41: {  	_ =	shalt  }
0x42: {  	_ =	shalt  }
0x43: {  	_ =	shalt  }
0x44: {  	_ =	shalt  }
0x45: {  	_ =	shalt  }
0x46: {  	_ =	shalt  }
0x47: {  	_ =	shalt  }
0x48: {  	_ =	shalt  }
0x49: {  	_ =	shalt  }
0x4a: {  	_ =	shalt  }
0x4b: {  	_ =	shalt  }
0x4c: {  	_ =	shalt  }
0x4d: {  	_ =	shalt  }
0x4e: {  	_ =	shalt  }
0x4f: {  	_ =	shalt  }
0x50: {  	_ =	shalt  }
0x51: {  	_ =	shalt  }
0x52: {  	_ =	shalt  }
0x53: {  	_ =	shalt  }
0x54: {  	_ =	shalt  }
0x55: {  	_ =	shalt  }
0x56: {  	_ =	shalt  }
0x57: {  	_ =	shalt  }
0x58: {  	_ =	shalt  }
0x59: {  	_ =	shalt  }
0x5a: {  	_ =	shalt  }
0x5b: {  	_ =	shalt  }
0x5c: {  	_ =	shalt  }
0x5d: {  	_ =	shalt  }
0x5e: {  	_ =	shalt  }
0x5f: {  	_ =	shalt  }
0x60: {  	_ =	shalt  }
0x61: {  	_ =	shalt  }
0x62: {  	_ =	shalt  }
0x63: {  	_ =	shalt  }
0x64: {  	_ =	shalt  }
0x65: {  	_ =	shalt  }
0x66: {  	_ =	shalt  }
0x67: {  	_ =	shalt  }
0x68: {  	_ =	shalt  }
0x69: {  	_ =	shalt  }
0x6a: {  	_ =	shalt  }
0x6b: {  	_ =	shalt  }
0x6c: {  	_ =	shalt  }
0x6d: {  	_ =	shalt  }
0x6e: {  	_ =	shalt  }
0x6f: {  	_ =	shalt  }
0x70: {  	_ =	shalt  }
0x71: {  	_ =	shalt  }
0x72: {  	_ =	shalt  }
0x73: {  	_ =	shalt  }
0x74: {  	_ =	shalt  }
0x75: {  	_ =	shalt  }
0x76: {  	_ =	shalt  }
0x77: {  	_ =	shalt  }
0x78: {  	_ =	shalt  }
0x79: {  	_ =	shalt  }
0x7a: {  	_ =	shalt  }
0x7b: {  	_ =	shalt  }
0x7c: {  	_ =	shalt  }
0x7d: {  	_ =	shalt  }
0x7e: {  	_ =	shalt  }
0x7f: {  	_ =	shalt  }
0x80: {  	_ =	shalt  }
0x81: {  	_ =	shalt  }
0x82: {  	_ =	shalt  }
0x83: {  	_ =	shalt  }
0x84: {  	_ =	shalt  }
0x85: {  	_ =	shalt  }
0x86: {  	_ =	shalt  }
0x87: {  	_ =	shalt  }
.Lfunc_end0:
.L_simem_size_0:
called_computation_lowered:
.L_overlay_start_0:
0x88: {  	s2 =	sld [smem:$0x3FD9]  }
0x89: {  	s3 =	sld [smem:$0x3FFE];
	_ =	sdelay $0x1  }
0x8a: {  	s1 =	srdreg.scid  }
0x8b: {  	s0 =	sand.u32 $0x1, s1  }
0x8c: {  	s16 =	sshll.u32 s0, $0xA;
	s2 =	sadd.s32 s3, s2  }
0x8d: {  	s2 =	sadd.s32 s2, s16  }
0x8e: {  	[smem:$0x3FB1] =	sst s2  }
0x8f: {  	_ = 	snop  }
0x90: {  	(tm) =	ssettm $0x1  }
0x91: {  	s17 =	sld [smem:$0x3FFB];
	_ =	sdelay $0x3  }
0x92: {  	_ =	strace s17  }
0x93: {  	s2 =	sld [smem:$0x3FFC];
	_ =	sdelay $0x3  }
0x94: {  	_ =	strace s2  }
0x95: {  	s2 =	sld [smem:$0x3FFD];
	_ =	sdelay $0x3  }
0x96: {  	_ =	strace s2  }
0x97: {  	_ =	strace $0x8FFFFFFF  }
0x98: {  	s18 =	sld [smem:$0x3FDB];
	_ =	sdelay $0x1  }
0x99: {  	s19 =	simm.s32 $_scs_section_size  }
0x9a: {  	s4 =	simm.s32 $_size__tile_overlayer_lowered;
	s5 =	simm.s32 $_tile_overlayer_lowered  }
0x9b: {  	s22 =	simm.s32 $0x1BFF;
	s21 =	sshll.u32 s5, $0x1;
	s2 =	sadd.s32 s19, s18  }
0x9c: {  	s6 =	simm.s32 $0x0;
	s20 =	sshll.u32 s4, $0x1;
	s4 =	sadd.s32 s21, s2  }
0x9d: {  	[timem:s6], [sflag:s22] =	dma.local [hbm:s4], s20  }
0x9e: {  	_ =	swait.ge [sflag:s22], s20  }
0x9f: {  	s3 =	ssub.s32 $0x0, s20;
	[sflag:s22] =	ssyncset.done $0x0  }
0xa0: {  	[sflag:s22] =	ssyncadd.s32 s3;
	_ =	sdelay $0x1  }
0xa1: {  	s23 =	simm.s32 $0x1B8B  }
0xa2: {  	_ =	swait.ge [sflag:s23], $0x1  }
0xa3: {  	[sflag:s23] =	ssyncset.done $0x0  }
0xa4: {  	s25 =	simm.s32 $0x1B8E;
	s24 =	sld [smem:$0x3FFE];
	[sflag:s23] =	ssyncadd.s32 $0xFFFFFFFF  }
0xa5: {  	s26 =	simm.s32 $execute0_lowered;
	[smem:$0x3FD2] =	sst s25  }
0xa6: {  	s4 =	sshll.u32 s26, $0x1;
	_ =	strace $0x80000046;
	[dreg:$0x1] =	wrdreg $0xFFFFFFFF  }
0xa7: {  	s28 =	simm.s32 $_size_execute0_lowered;
	s2 =	sadd.s32 s2, s4;
	[dreg:$0x0] =	wrdreg $0x0  }
0xa8: {  	s4 =	sshll.u32 s28, $0x1;
	[dreg:$0x2] =	wrdreg s2  }
0xa9: {  	[dreg:$0x3] =	wrdreg s4  }
0xaa: {  	[dreg:$0x4] =	wrdreg $0xC0  }
0xab: {  	_ =	task [dreg:s6], $0x5FFFF  }
0xac: {  	[dreg:$0x1] =	wrdreg $0xFFFFFFFF  }
0xad: {  	[dreg:$0x0] =	wrdreg $0x60  }
0xae: {  	[dreg:$0x2] =	wrdreg s24  }
0xaf: {  	[dreg:$0x3] =	wrdreg $0x130000  }
0xb0: {  	[dreg:$0x4] =	wrdreg $0x9  }
0xb1: {  	_ =	task.clear_ibuf [dreg:s6], $0x5FFFF;
	_ =	strace $0x90000046  }
0xb2: {  	s29 =	simm.s32 $0x9;
	_ =	strace $0x80000048  }
0xb3: {  	_ =	swait.ge [sflag:s29], $0x1  }
0xb4: {  	[sflag:s29] =	ssyncadd.s32 $0xFFFFFFFF  }
0xb5: {  	_ =	strace $0x90000048  }
0xb6: {  	_ =	sfence  }
0xb7: {  	s30 =	sld [smem:$0x0];
	_ =	sdelay $0x2  }
0xb8: {  	s31 =	sshll.u32 s1, $0xD;
	s1 =	sshrl.u32 s1, $0x2  }
0xb9: {  	s3 =	sand.u32 $0x4000, s31;
	s1 =	sadd.s32 s1, s30  }
0xba: {  	s0 =	sor.u32 s3, s0;
	s1 =	sshll.u32 s1, $0x11  }
0xbb: {  	s0 =	sor.u32 s1, s0  }
0xbc: {  	s0 =	sadd.s32 $0x8F2B, s0  }
0xbd: {  	[sflag:s0] =	ssyncadd.remote.s32 $0x1  }
0xbe: {  	_ =	sfence.sel $0xFFFF  }
0xbf: {  	[dreg:$0x0] =	wrdreg $0xFFFFFFFF;
	(pc) =	sbr.abs _section_cstart, $3  }
0xc0: {  	[dreg:$0x1] =	wrdreg $0xFFFFFFFF  }
0xc1: {  	_ =	task.clear_ibuf [dreg:s6], $0x2FFFF;
	_ =	strace $0x9FFFFFFF  }
0xc2: {  	(tm) =	ssettm $0x7FFFFFFF  }
0xc3: {  	_ =	shalt  }
tec
execute0_lowered:
.L_overlay_start_1:
0x0: {  	(tag) =	ssettag $0x1  }
0x1: {  	s5 =	rddreg [dreg:$0x0]  }
0x2: {  	s2 =	rddreg [dreg:$0x1]  }
0x3: {  	s0 =	rddreg [dreg:$0x2];
	s3 =	simm.s32 $0x0;
	s1 =	stileid.u32  }
0x4: {  	s4 =	srdreg.scid;
	s16 =	simm.s32 $0x5000;
	s6 =	smul.u32 $0xA00, s1  }
0x5: {  	s19 =	simm.s32 $0x80;
	s20 =	simm.s32 $0xF000;
	s7 =	smul.u32 $0x1480, s1  }
0x6: {  	s21 =	simm.s32 $0x1;
	s22 =	simm.s32 $0x0;
	s10 =	smul.u32 $0x29000, s1  }
0x7: {  	[smem:$0x7FF] =	sst s3;
	s8 =	sand.u32 $0x1, s4;
	s12 =	smul.u32 $0x27000, s1  }
0x8: {  	s4 =	sadd.s32 $0x17E00, s5;
	s11 =	sadd.s32 $0x7A800, s5;
	s29 =	smul.u32 $0x138, s1  }
0x9: {  	s17 =	sshll.u32 s1, $0x6;
	p0 =	seq.s32 s1, $0xF;
	s15 =	smul.u32 $0x2710, s8  }
0xa: {  	_ =	strace $0x80000047;
	s9 =	ssub.s32 $0x2, s8;
	s8 =	smul.u32 $0x138800, s8  }
0xb: {  	s17 =	sor.u32 $0x1C02, s17;
	s6 =	sadd.s32 s6, s5;
	s7 =	sadd.s32 s7, s5  }
0xc: {  	s28 =	sshrl.u32 s9, $0x1;
	s10 =	sshrl.u32 s10, $0x2;
	s30 =	sshrl.u32 s12, $0x2  }
0xd: {  	s14 =	ssub.s32 s9, s28;
	s5 =	sadd.s32 $0x3E00, s6;
	s6 =	sadd.s32 $0xDE00, s6  }
0xe: {  	s18 =	sadd.s32 s10, s2;
	s7 =	sadd.s32 $0x66000, s7;
	s9 =	sadd.s32 s29, s15  }
0xf: {  	v8 =	vlaneseq.u32;
	s31 =	sshrl.u32 s8, $0x3;
	s8 =	sadd.s32 s30, s2;
	s10 =	sadd.s32 $0x92400, s2  }
0x10: {  	v1 =	vadd.s32 $0x1388, v8;
	v2 =	vadd.s32 $0x1398, v8;
	v0 =	vmov s15;
	s15 =	simm.s32 $0x2;
	s9 =	sshll.u32 s9, $0x4;
	s13 =	sadd.s32 s11, s31  }
0x11: {  	v3 =	vadd.s32 $0x13A8, v8;
	v4 =	vadd.s32 $0x13B8, v8;
	v5 =	vadd.s32 $0x13C8, v8;
	s14 =	smax.u32 s14, $0x1;
	s18 =	sshrl.u32 s18, $0x3;
	s9 =	sadd.s32 s11, s9  }
0x12: {  	v6 =	vadd.s32 $0x13D8, v8;
	v7 =	vadd.s32 $0x13E8, v8;
	v8 =	vadd.s32 $0x13F8, v8;
	s11 =	sadd.s32 $0x12480, s13;
	s13 =	sadd.s32 $0x25D00, s13;
	s12 =	sadd.s32 $0x13880, s9  }
.LBB2_1:
0x13: {  	[tilespmem:s3], [sflag:$0x2] =	stream.linear.gather [hbm4b:s5+s3], $0x4F00, $0x38;
	[tilespmem:$0x1D400] =	vst v63  }
0x14: {  	_ =	swait.ge [sflag:s15], $0x4F00  }
0x15: {  	[sflag:s15] =	ssyncset.done $0x0  }
0x16: {  	[sflag:s15] =	ssyncadd.s32 $0xFFFFB100  }
0x17: {  	[tilespmem:s16], [sflag:$0x2] =	stream.linear.gather [hbm4b:s6+s3], $0x4F00, $0x38;
	[tilespmem:$0x1D400] =	vst v63  }
0x18: {  	_ =	swait.ge [sflag:s15], $0x4F00  }
0x19: {  	[sflag:s15] =	ssyncset.done $0x0  }
0x1a: {  	s23 =	simm.s32 $0x0;
	[sflag:s15] =	ssyncadd.s32 $0xFFFFB100  }
0x1b: {  	v9 =	vld [tilespmem:s23+$0x0]  }
0x1c: {  	v10 =	vld [tilespmem:s23+$0x10]  }
0x1d: {  	v11 =	vld [tilespmem:s23+$0x20]  }
0x1e: {  	v16 =	vld [tilespmem:s23+$0x5000]  }
0x1f: {  	v12 =	vld [tilespmem:s23+$0x30]  }
0x20: {  	v13 =	vld [tilespmem:s23+$0x40]  }
0x21: {  	v14 =	vld [tilespmem:s23+$0x50];
	v9 =	vadd.s32 v0, v9  }
0x22: {  	v15 =	vld [tilespmem:s23+$0x60];
	v10 =	vadd.s32 v0, v10;
	[tilespmem:s23+$0x0] =	vst v9  }
0x23: {  	vm0 =	vlt.s32 v16, $0x1388;
	v9 =	vld [tilespmem:s23+$0x70];
	[tilespmem:s23+$0x10] =	vst v10;
	v10 =	vadd.s32 v0, v11  }
0x24: {  	v11 =	vld [tilespmem:s23+$0x5010];
	v17 =	vsel vm0, v16, v1;
	[tilespmem:s23+$0x20] =	vst v10  }
0x25: {  	v10 =	vadd.s32 v0, v12;
	v12 =	vld [tilespmem:s23+$0x5020];
	[tilespmem:s23+$0x5000] =	vst v17  }
0x26: {  	[tilespmem:s23+$0x30] =	vst v10;
	v10 =	vadd.s32 v0, v13;
	v13 =	vld [tilespmem:s23+$0x5030]  }
0x27: {  	[tilespmem:s23+$0x40] =	vst v10;
	v10 =	vadd.s32 v0, v14;
	v14 =	vld [tilespmem:s23+$0x5040]  }
0x28: {  	[tilespmem:s23+$0x50] =	vst v10;
	v10 =	vadd.s32 v0, v15;
	v15 =	vld [tilespmem:s23+$0x5050]  }
0x29: {  	[tilespmem:s23+$0x60] =	vst v10;
	v9 =	vadd.s32 v0, v9;
	v10 =	vld [tilespmem:s23+$0x5060];
	vm0 =	vlt.s32 v11, $0x1388  }
0x2a: {  	v18 =	vld [tilespmem:s23+$0x5070];
	[tilespmem:s23+$0x70] =	vst v9;
	v9 =	vsel vm0, v11, v2;
	vm0 =	vlt.s32 v12, $0x1388  }
0x2b: {  	[tilespmem:s23+$0x5010] =	vst v9;
	v9 =	vsel vm0, v12, v3;
	vm0 =	vlt.s32 v13, $0x1388  }
0x2c: {  	[tilespmem:s23+$0x5020] =	vst v9;
	v9 =	vsel vm0, v13, v4;
	vm0 =	vlt.s32 v14, $0x1388  }
0x2d: {  	[tilespmem:s23+$0x5030] =	vst v9;
	v9 =	vsel vm0, v14, v5;
	vm0 =	vlt.s32 v15, $0x1388  }
0x2e: {  	[tilespmem:s23+$0x5040] =	vst v9;
	v9 =	vsel vm0, v15, v6;
	vm0 =	vlt.s32 v10, $0x1388  }
0x2f: {  	[tilespmem:s23+$0x5050] =	vst v9;
	v9 =	vsel vm0, v10, v7;
	vm0 =	vlt.s32 v18, $0x1388  }
0x30: {  	v16 =	vadd.s32 $0xFFFFEC78, v16;
	[tilespmem:s23+$0x5060] =	vst v9;
	v9 =	vsel vm0, v18, v8  }
0x31: {  	s24 =	simm.s32 $0x80;
	v11 =	vadd.s32 $0xFFFFEC78, v11;
	vm0 =	vgt.s32 v16, $0xFFFFFFFF;
	[tilespmem:s23+$0x5070] =	vst v9  }
0x32: {  	v16 =	vsel vm0, v16, v1;
	vm0 =	vgt.s32 v11, $0xFFFFFFFF;
	v9 =	vld [tilespmem:s24+$0x0]  }
0x33: {  	v12 =	vadd.s32 $0xFFFFEC78, v12;
	v17 =	vld [tilespmem:s24+$0x10];
	[tilespmem:s23+$0xA000] =	vst v16;
	v11 =	vsel vm0, v11, v2  }
0x34: {  	vm0 =	vgt.s32 v12, $0xFFFFFFFF;
	v16 =	vld [tilespmem:s24+$0x20];
	[tilespmem:s23+$0xA010] =	vst v11;
	v11 =	vadd.s32 $0xFFFFEC78, v13  }
0x35: {  	v12 =	vsel vm0, v12, v3;
	vm0 =	vgt.s32 v11, $0xFFFFFFFF  }
0x36: {  	v13 =	vld [tilespmem:s24+$0x30];
	[tilespmem:s23+$0xA020] =	vst v12;
	v12 =	vadd.s32 $0xFFFFEC78, v14;
	v11 =	vsel vm0, v11, v4  }
0x37: {  	v19 =	vld [tilespmem:s24+$0x40];
	vm0 =	vgt.s32 v12, $0xFFFFFFFF;
	[tilespmem:s23+$0xA030] =	vst v11;
	v11 =	vadd.s32 $0xFFFFEC78, v15  }
0x38: {  	v12 =	vsel vm0, v12, v5;
	vm0 =	vgt.s32 v11, $0xFFFFFFFF  }
0x39: {  	v20 =	vld [tilespmem:s24+$0x50];
	[tilespmem:s23+$0xA040] =	vst v12;
	v11 =	vsel vm0, v11, v6  }
0x3a: {  	v9 =	vadd.s32 v0, v9;
	v21 =	vld [tilespmem:s24+$0x60];
	[tilespmem:s23+$0xA050] =	vst v11  }
0x3b: {  	[tilespmem:s24+$0x0] =	vst v9;
	v9 =	vadd.s32 v0, v17  }
0x3c: {  	v22 =	vld [tilespmem:s24+$0x70];
	[tilespmem:s24+$0x10] =	vst v9;
	v9 =	vadd.s32 v0, v16  }
0x3d: {  	v17 =	vld [tilespmem:s24+$0x5000];
	[tilespmem:s24+$0x20] =	vst v9;
	v9 =	vadd.s32 v0, v13  }
0x3e: {  	v15 =	vld [tilespmem:s24+$0x5010];
	[tilespmem:s24+$0x30] =	vst v9;
	v9 =	vadd.s32 v0, v19  }
0x3f: {  	v11 =	vadd.s32 $0xFFFFEC78, v18;
	v14 =	vld [tilespmem:s24+$0x5020];
	v18 =	vadd.s32 v0, v21;
	[tilespmem:s24+$0x40] =	vst v9;
	v9 =	vadd.s32 $0xFFFFEC78, v10  }
0x40: {  	v12 =	vld [tilespmem:s24+$0x5030];
	v10 =	vadd.s32 v0, v20;
	[tilespmem:s24+$0x60] =	vst v18;
	vm0 =	vgt.s32 v9, $0xFFFFFFFF  }
0x41: {  	vm1 =	vgt.s32 v11, $0xFFFFFFFF;
	v13 =	vld [tilespmem:s24+$0x5040];
	[tilespmem:s24+$0x50] =	vst v10;
	v18 =	vadd.s32 v0, v22;
	v10 =	vsel vm0, v9, v7  }
0x42: {  	s25 =	simm.s32 $0x400;
	v16 =	vld [tilespmem:s24+$0x5050];
	v9 =	vsel vm1, v11, v8;
	v11 =	vadd.s32 $0xFFFFEC78, v17;
	vm0 =	vlt.s32 v17, $0x1388  }
.LBB2_2:
0x43: {  	p1 =	sne.s32 s25, $0x13A00;
	v17 =	vsel vm0, v17, v1;
	v19 =	vadd.s32 $0xFFFFEC78, v15;
	vm0 =	vlt.s32 v15, $0x1388;
	v20 =	vld [tilespmem:s24+$0x5060];
	[tilespmem:s24+$0x70] =	vst v18  }
0x44: {  	[tilespmem:s24+$0x5000] =	vst v17;
	v15 =	vsel vm0, v15, v2;
	v17 =	vadd.s32 $0xFFFFEC78, v14;
	vm0 =	vlt.s32 v14, $0x1388;
	v18 =	vld [tilespmem:s24+$0x5070]  }
0x45: {  	[tilespmem:s24+$0x5010] =	vst v15;
	v14 =	vsel vm0, v14, v3;
	v15 =	vadd.s32 $0xFFFFEC78, v12;
	vm0 =	vlt.s32 v12, $0x1388  }
0x46: {  	[tilespmem:s24+$0x5020] =	vst v14;
	v12 =	vsel vm0, v12, v4;
	v14 =	vadd.s32 $0xFFFFEC78, v13;
	vm0 =	vlt.s32 v13, $0x1388  }
0x47: {  	[tilespmem:s24+$0x5030] =	vst v12;
	v12 =	vsel vm0, v13, v5;
	v13 =	vadd.s32 $0xFFFFEC78, v16;
	vm0 =	vlt.s32 v16, $0x1388  }
0x48: {  	[tilespmem:s24+$0x5040] =	vst v12;
	v12 =	vsel vm0, v16, v6;
	v16 =	vadd.s32 $0xFFFFEC78, v20;
	vm0 =	vlt.s32 v20, $0x1388  }
0x49: {  	[tilespmem:s24+$0x5050] =	vst v12;
	v12 =	vsel vm0, v20, v7;
	v20 =	vadd.s32 $0xFFFFEC78, v18;
	vm0 =	vlt.s32 v18, $0x1388  }
0x4a: {  	vm1 =	vgt.s32 v11, $0xFFFFFFFF;
	vm2 =	vgt.s32 v19, $0xFFFFFFFF;
	[tilespmem:s24+$0x5060] =	vst v12;
	v12 =	vsel vm0, v18, v8  }
0x4b: {  	vm3 =	vgt.s32 v15, $0xFFFFFFFF;
	vm4 =	vgt.s32 v14, $0xFFFFFFFF;
	vm0 =	vgt.s32 v17, $0xFFFFFFFF;
	[tilespmem:s24+$0x5070] =	vst v12  }
0x4c: {  	s26 =	sshra.s32 s25, $0x2;
	vm5 =	vgt.s32 v13, $0xFFFFFFFF;
	vm6 =	vgt.s32 v16, $0xFFFFFFFF;
	vm7 =	vgt.s32 v20, $0xFFFFFFFF;
	[tilespmem:s23+$0xA060] =	vst v10  }
0x4d: {  	v17 =	vsel vm0, v17, v3;
	v10 =	vsel vm1, v11, v1;
	v11 =	vsel vm2, v19, v2;
	v12 =	vld [tilespmem:s26+$0x0];
	[tilespmem:s23+$0xA070] =	vst v9;
	s23 =	smov.u32 s24;
	s24 =	smov.u32 s26  }
0x4e: {  	v15 =	vsel vm3, v15, v4;
	v14 =	vsel vm4, v14, v5;
	v13 =	vsel vm5, v13, v6;
	v18 =	vld [tilespmem:s24+$0x10];
	[tilespmem:s23+$0xA000] =	vst v10  }
0x4f: {  	v9 =	vsel vm7, v20, v8;
	v10 =	vsel vm6, v16, v7;
	v19 =	vld [tilespmem:s24+$0x20];
	[tilespmem:s23+$0xA010] =	vst v11  }
0x50: {  	v11 =	vld [tilespmem:s24+$0x30];
	[tilespmem:s23+$0xA020] =	vst v17  }
0x51: {  	v16 =	vld [tilespmem:s24+$0x40];
	[tilespmem:s23+$0xA030] =	vst v15  }
0x52: {  	v20 =	vld [tilespmem:s24+$0x50];
	[tilespmem:s23+$0xA040] =	vst v14  }
0x53: {  	v12 =	vadd.s32 v0, v12;
	v21 =	vld [tilespmem:s24+$0x60];
	[tilespmem:s23+$0xA050] =	vst v13  }
0x54: {  	[tilespmem:s24+$0x0] =	vst v12;
	v12 =	vadd.s32 v0, v18;
	v18 =	vld [tilespmem:s24+$0x70]  }
0x55: {  	v17 =	vld [tilespmem:s24+$0x5000];
	[tilespmem:s24+$0x10] =	vst v12;
	v12 =	vadd.s32 v0, v19  }
.Ltmp0:
0x56: {  	v11 =	vadd.s32 v0, v11;
	v15 =	vld [tilespmem:s24+$0x5010];
	[tilespmem:s24+$0x20] =	vst v12;
	(pc) =	sbr.rel @p1 .LBB2_2-.Ltmp0, $4  }
0x57: {  	v14 =	vld [tilespmem:s24+$0x5020];
	[tilespmem:s24+$0x30] =	vst v11;
	v11 =	vadd.s32 v0, v16  }
0x58: {  	v12 =	vld [tilespmem:s24+$0x5030];
	[tilespmem:s24+$0x40] =	vst v11;
	v11 =	vadd.s32 v0, v20  }
0x59: {  	v19 =	vadd.s32 v0, v21;
	v13 =	vld [tilespmem:s24+$0x5040];
	[tilespmem:s24+$0x50] =	vst v11  }
0x5a: {  	s25 =	sadd.s32 $0x200, s25;
	v18 =	vadd.s32 v0, v18;
	v11 =	vadd.s32 $0xFFFFEC78, v17;
	vm0 =	vlt.s32 v17, $0x1388;
	v16 =	vld [tilespmem:s24+$0x5050];
	[tilespmem:s24+$0x60] =	vst v19  }
0x5b: {  	v19 =	vld [tilespmem:s24+$0x5060];
	v17 =	vsel vm0, v17, v1;
	[tilespmem:s24+$0x70] =	vst v18;
	vm14 =	vlt.s32 v15, $0x1388  }
0x5c: {  	v54 =	vld [tilespmem:s24+$0x5070];
	[tilespmem:s24+$0x5000] =	vst v17;
	v53 =	vsel vm14, v15, v2;
	vm15 =	vlt.s32 v14, $0x1388  }
0x5d: {  	[tilespmem:s24+$0x5010] =	vst v53;
	v55 =	vsel vm15, v14, v3;
	vm4 =	vlt.s32 v12, $0x1388  }
0x5e: {  	[tilespmem:s24+$0x5020] =	vst v55;
	v56 =	vsel vm4, v12, v4;
	vm5 =	vlt.s32 v13, $0x1388  }
0x5f: {  	[tilespmem:s24+$0x5030] =	vst v56;
	v57 =	vsel vm5, v13, v5;
	vm6 =	vlt.s32 v16, $0x1388  }
0x60: {  	[tilespmem:s24+$0x5040] =	vst v57;
	v58 =	vsel vm6, v16, v6;
	vm7 =	vlt.s32 v19, $0x1388  }
0x61: {  	vm8 =	vlt.s32 v54, $0x1388;
	[tilespmem:s24+$0x5050] =	vst v58;
	v59 =	vsel vm7, v19, v7  }
0x62: {  	v60 =	vsel vm8, v54, v8;
	[tilespmem:s24+$0x5060] =	vst v59  }
0x63: {  	[tilespmem:s24+$0x5070] =	vst v60  }
0x64: {  	v61 =	vadd.s32 $0xFFFFEC78, v15;
	vm9 =	vgt.s32 v11, $0xFFFFFFFF;
	[tilespmem:s23+$0xA060] =	vst v10  }
0x65: {  	vm1 =	vgt.s32 v61, $0xFFFFFFFF;
	v11 =	vsel vm9, v11, v1;
	v63 =	vadd.s32 $0xFFFFEC78, v16;
	[tilespmem:s23+$0xA070] =	vst v9  }
0x66: {  	v62 =	vsel vm1, v61, v2;
	vm13 =	vgt.s32 v63, $0xFFFFFFFF;
	v10 =	vadd.s32 $0xFFFFEC78, v14;
	[tilespmem:s24+$0xA000] =	vst v11  }
0x67: {  	v9 =	vadd.s32 $0xFFFFEC78, v12;
	v12 =	vsel vm13, v63, v6;
	vm10 =	vgt.s32 v10, $0xFFFFFFFF;
	[tilespmem:s24+$0xA010] =	vst v62  }
0x68: {  	v11 =	vadd.s32 $0xFFFFEC78, v13;
	vm11 =	vgt.s32 v9, $0xFFFFFFFF;
	[tilespmem:s24+$0xA050] =	vst v12;
	v10 =	vsel vm10, v10, v3  }
0x69: {  	vm12 =	vgt.s32 v11, $0xFFFFFFFF;
	v9 =	vsel vm11, v9, v4;
	[tilespmem:s24+$0xA020] =	vst v10;
	v10 =	vadd.s32 $0xFFFFEC78, v19  }
0x6a: {  	v11 =	vsel vm12, v11, v5;
	[tilespmem:s24+$0xA030] =	vst v9;
	v9 =	vadd.s32 $0xFFFFEC78, v54;
	vm14 =	vgt.s32 v10, $0xFFFFFFFF  }
0x6b: {  	[tilespmem:s24+$0xA040] =	vst v11;
	vm15 =	vgt.s32 v9, $0xFFFFFFFF;
	v10 =	vsel vm14, v10, v7  }
0x6c: {  	v9 =	vsel vm15, v9, v8;
	[tilespmem:s24+$0xA060] =	vst v10  }
0x6d: {  	[tilespmem:s24+$0xA070] =	vst v9  }
0x6e: {  	[spmem:s18], [sflag:s17] =	dma.local [hbm:s7], $0x1480  }
0x6f: {  	_ =	swait.ge [sflag:s15], $0x1480  }
0x70: {  	[sflag:s15] =	ssyncset.done $0x0  }
0x71: {  	[sflag:s15] =	ssyncadd.s32 $0xFFFFEB80  }
0x72: {  	s30 =	simm.s32 $0x0;
	[bflag:$0x0] =	sbarrier.arrive $0xFFFF  }
0x73: {  	[tilespmem:s20], [sflag:$0x1] =	stream.indirect.gather [hbm4b:s4+s19], $0x80, s30, s19, $0xb8;
	[tilespmem:$0x1D400] =	vst v63  }
0x74: {  	_ =	swait.ge [sflag:s21], $0x4000  }
0x75: {  	[sflag:s21] =	ssyncset.done $0x0  }
0x76: {  	s31 =	simm.s32 $0x5000;
	[sflag:s21] =	ssyncadd.s32 $0xFFFFC000  }
0x77: {  	[spmem:s2] =	stream.indirect.scatter.add.f32 [tilespmem:s20], [sflag:$0x2], $0x80, s31, s19, $0xb8;
	[tilespmem:$0x1D400] =	vst v63  }
0x78: {  	_ =	swait.ge [sflag:s15], $0x4000  }
0x79: {  	s23 =	simm.s32 $0x200;
	s24 =	simm.s32 $0x400;
	[sflag:s15] =	ssyncset.done $0x0  }
.LBB2_4:
0x7a: {  	s25 =	sshra.s32 s23, $0x2  }
0x7b: {  	[sflag:s15] =	ssyncadd.s32 $0xFFFFC000;
	s23 =	smov.u32 s24;
	s26 =	sadd.s32 $0x200, s24  }
0x7c: {  	[tilespmem:s20], [sflag:$0x1] =	stream.indirect.gather [hbm4b:s4+s19], $0x80, s25, s19, $0xb8;
	[tilespmem:$0x1D400] =	vst v63  }
0x7d: {  	p1 =	sne.s32 s24, $0x13A00;
	_ =	swait.ge [sflag:s21], $0x4000  }
.Ltmp1:
0x7e: {  	[sflag:s21] =	ssyncset.done $0x0;
	(pc) =	sbr.rel @p1 .LBB2_4-.Ltmp1, $4  }
0x7f: {  	s24 =	sadd.s32 $0x5000, s25;
	[sflag:s21] =	ssyncadd.s32 $0xFFFFC000  }
0x80: {  	[spmem:s2] =	stream.indirect.scatter.add.f32 [tilespmem:s20], [sflag:$0x2], $0x80, s24, s19, $0xb8;
	[tilespmem:$0x1D400] =	vst v63  }
0x81: {  	_ =	swait.ge [sflag:s15], $0x4000  }
0x82: {  	s24 =	smov.u32 s26;
	[sflag:s15] =	ssyncset.done $0x0  }
0x83: {  	s23 =	sshra.s32 s23, $0x2;
	[sflag:s15] =	ssyncadd.s32 $0xFFFFC000  }
0x84: {  	[tilespmem:s20], [sflag:$0x1] =	stream.indirect.gather [hbm4b:s4+s19], $0x80, s23, s19, $0xb8;
	[tilespmem:$0x1D400] =	vst v63  }
0x85: {  	_ =	swait.ge [sflag:s21], $0x4000  }
0x86: {  	[sflag:s21] =	ssyncset.done $0x0  }
0x87: {  	s23 =	sadd.s32 $0x5000, s23;
	[sflag:s21] =	ssyncadd.s32 $0xFFFFC000  }
0x88: {  	[spmem:s2] =	stream.indirect.scatter.add.f32 [tilespmem:s20], [sflag:$0x2], $0x80, s23, s19, $0xb8;
	[tilespmem:$0x1D400] =	vst v63  }
0x89: {  	_ =	swait.ge [sflag:s15], $0x4000  }
0x8a: {  	[sflag:s15] =	ssyncset.done $0x0  }
0x8b: {  	[sflag:s15] =	ssyncadd.s32 $0xFFFFC000  }
0x8c: {  	s24 =	simm.s32 @p0 $0x2;
	s23 =	sshrl.u32 @p0 s10, $0x3;
	[bflag:$0x0] =	sbarrier.arrive $0xFFFF  }
0x8d: {  	[hbm:s11], [sflag:s17] =	dma.local @p0 [spmem:s23], $0x1400  }
0x8e: {  	_ =	swait.ge @p0 [sflag:s24], $0x1400  }
0x8f: {  	[sflag:s24] =	ssyncset.done @p0 $0x0  }
0x90: {  	s25 =	simm.s32 @!p0 $0x2;
	[sflag:s24] =	ssyncadd.s32 @p0 $0xFFFFEC00;
	s24 =	sshrl.u32 @!p0 s8, $0x3  }
0x91: {  	[hbm:s9], [sflag:s17] =	dma.local @!p0 [spmem:s24], $0x1380  }
0x92: {  	_ =	swait.ge @!p0 [sflag:s25], $0x1380  }
0x93: {  	[sflag:s25] =	ssyncset.done @!p0 $0x0  }
0x94: {  	[sflag:s25] =	ssyncadd.s32 @!p0 $0xFFFFEC80  }
0x95: {  	[bflag:$0x0] =	sbarrier.arrive $0xFFFF  }
0x96: {  	[spmem:s18], [sflag:s17] =	dma.local [hbm:s7], $0x1480  }
0x97: {  	_ =	swait.ge [sflag:s15], $0x1480  }
0x98: {  	[sflag:s15] =	ssyncset.done $0x0  }
0x99: {  	[sflag:s15] =	ssyncadd.s32 $0xFFFFEB80  }
0x9a: {  	s30 =	simm.s32 $0x0;
	[bflag:$0x0] =	sbarrier.arrive $0xFFFF  }
0x9b: {  	[tilespmem:s20], [sflag:$0x1] =	stream.indirect.gather [hbm4b:s4+s19], $0x80, s30, s19, $0xb8;
	[tilespmem:$0x1D400] =	vst v63  }
0x9c: {  	_ =	swait.ge [sflag:s21], $0x4000  }
0x9d: {  	[sflag:s21] =	ssyncset.done $0x0  }
0x9e: {  	s31 =	simm.s32 $0xA000;
	[sflag:s21] =	ssyncadd.s32 $0xFFFFC000  }
0x9f: {  	[spmem:s2] =	stream.indirect.scatter.add.f32 [tilespmem:s20], [sflag:$0x2], $0x80, s31, s19, $0xb8;
	[tilespmem:$0x1D400] =	vst v63  }
0xa0: {  	_ =	swait.ge [sflag:s15], $0x4000  }
0xa1: {  	s26 =	simm.s32 $0x400;
	s25 =	simm.s32 $0x200;
	[sflag:s15] =	ssyncset.done $0x0  }
.LBB2_6:
0xa2: {  	s28 =	sshra.s32 s25, $0x2  }
0xa3: {  	[sflag:s15] =	ssyncadd.s32 $0xFFFFC000;
	s25 =	smov.u32 s26;
	s29 =	sadd.s32 $0x200, s26  }
0xa4: {  	[tilespmem:s20], [sflag:$0x1] =	stream.indirect.gather [hbm4b:s4+s19], $0x80, s28, s19, $0xb8;
	[tilespmem:$0x1D400] =	vst v63  }
0xa5: {  	p1 =	sne.s32 s26, $0x13A00;
	_ =	swait.ge [sflag:s21], $0x4000  }
.Ltmp2:
0xa6: {  	[sflag:s21] =	ssyncset.done $0x0;
	(pc) =	sbr.rel @p1 .LBB2_6-.Ltmp2, $4  }
0xa7: {  	s26 =	sadd.s32 $0xA000, s28;
	[sflag:s21] =	ssyncadd.s32 $0xFFFFC000  }
0xa8: {  	[spmem:s2] =	stream.indirect.scatter.add.f32 [tilespmem:s20], [sflag:$0x2], $0x80, s26, s19, $0xb8;
	[tilespmem:$0x1D400] =	vst v63  }
0xa9: {  	_ =	swait.ge [sflag:s15], $0x4000  }
0xaa: {  	s26 =	smov.u32 s29;
	[sflag:s15] =	ssyncset.done $0x0  }
0xab: {  	s25 =	sshra.s32 s25, $0x2;
	[sflag:s15] =	ssyncadd.s32 $0xFFFFC000  }
0xac: {  	[tilespmem:s20], [sflag:$0x1] =	stream.indirect.gather [hbm4b:s4+s19], $0x80, s25, s19, $0xb8;
	[tilespmem:$0x1D400] =	vst v63  }
0xad: {  	_ =	swait.ge [sflag:s21], $0x4000  }
0xae: {  	[sflag:s21] =	ssyncset.done $0x0  }
0xaf: {  	s25 =	sadd.s32 $0xA000, s25;
	[sflag:s21] =	ssyncadd.s32 $0xFFFFC000  }
0xb0: {  	[spmem:s2] =	stream.indirect.scatter.add.f32 [tilespmem:s20], [sflag:$0x2], $0x80, s25, s19, $0xb8;
	[tilespmem:$0x1D400] =	vst v63  }
0xb1: {  	_ =	swait.ge [sflag:s15], $0x4000  }
0xb2: {  	[sflag:s15] =	ssyncset.done $0x0  }
0xb3: {  	[sflag:s15] =	ssyncadd.s32 $0xFFFFC000  }
0xb4: {  	[bflag:$0x0] =	sbarrier.arrive $0xFFFF  }
0xb5: {  	[hbm:s13], [sflag:s17] =	dma.local @p0 [spmem:s23], $0x1400  }
0xb6: {  	s23 =	simm.s32 @p0 $0x2  }
0xb7: {  	_ =	swait.ge @p0 [sflag:s23], $0x1400  }
0xb8: {  	s22 =	sadd.s32 $0x1, s22;
	[sflag:s23] =	ssyncset.done @p0 $0x0  }
0xb9: {  	p1 =	sne.s32 s22, s14;
	[sflag:s23] =	ssyncadd.s32 @p0 $0xFFFFEC00;
	s23 =	simm.s32 @!p0 $0x2  }
0xba: {  	[hbm:s12], [sflag:s17] =	dma.local @!p0 [spmem:s24], $0x1380  }
.Ltmp3:
0xbb: {  	_ =	swait.ge @!p0 [sflag:s23], $0x1380;
	(pc) =	sbr.rel @p1 .LBB2_1-.Ltmp3, $3  }
0xbc: {  	[sflag:s23] =	ssyncset.done @!p0 $0x0  }
0xbd: {  	[sflag:s23] =	ssyncadd.s32 @!p0 $0xFFFFEC80  }
0xbe: {  	[bflag:$0x0] =	sbarrier.arrive $0xFFFF;
	_ =	sdelay $0x1  }
0xbf: {  	_ =	sfence.sel $0x180000  }
0xc0: {  	[bflag:$0x0] =	sbarrier.arrive $0xFFFF  }
0xc1: {  	p0 =	sne.s32 s1, $0x0;
	_ =	strace $0x90000047  }
0xc2: {  	s0 =	sadd.s32 @!p0 $0x100000, s0;
	[bflag:$0x2] =	sbarrier.arrive $0xFFFF  }
0xc3: {  	[sflag:s0] =	ssyncadd.tile.s32 @!p0 $0x1;
	_ =	shalt  }
.Lfunc_end2:
_tile_overlayer_lowered:
.L_overlay_start_2:
0xc4: {  	(tag) =	ssettag $0x2  }
0xc5: {  	s0 =	rddreg [dreg:$0x0];
	s2 =	stileid.u32  }
0xc6: {  	s1 =	rddreg [dreg:$0x1];
	p0 =	sne.s32 s2, $0x0  }
0xc7: {  	s3 =	rddreg [dreg:$0x2];
	[bflag:$0x3] =	sbarrier.arrive $0xFFFF;
	s2 =	simm.s32 @!p0 $0x1C02  }
0xc8: {  	[timem:s3], [sflag:s2] =	dma.local @!p0 [hbm:s0], s1  }
0xc9: {  	s0 =	simm.s32 @!p0 $0x2  }
0xca: {  	_ =	swait.ge @!p0 [sflag:s0], s1  }
0xcb: {  	s1 =	ssub.s32 @!p0 $0x0, s1;
	[sflag:s0] =	ssyncset.done @!p0 $0x0  }
0xcc: {  	[sflag:s0] =	ssyncadd.s32 @!p0 s1  }
0xcd: {  	[bflag:$0x3] =	sbarrier.arrive $0xFFFF  }
0xce: {  	_ =	shalt  }

</sc_bundles>
